<compile_context>
chip_gen: v7x
topology: tpu7x:2x2x1
jax: 0.10.2.dev20260603
libtpu: 0.0.44.dev20260713+nightly
codegen_flags: <defaults>
</compile_context>

<pallas_src>
import functools

import jax
import jax.numpy as jnp
from jax import lax
from jax.experimental import pallas as pl
from jax.experimental.pallas import tpu as pltpu
from jax.experimental.pallas import tpu_sc as plsc

N = 10000
E = 320000
D_IN = 128
D_H = 128
D_OUT = 40
D2P = 40

NC = 2
NS = 16
NW = NC * NS
CK = 112
CH = 90
EP = NW * CH * CK
NP = 10240
RPT = NP // NS
ZR = 64
IR = 8
DEG_W = 8

def _zero_vmem(ref, rows, width):
  offs = list(range(0, width - 15, 16))
  if width % 16:
    offs.append(width - 16)

  def zr(r, carry):
    for c in offs:
      ref[r, pl.ds(c, 16)] = jnp.zeros((16,), jnp.float32)
    return carry

  lax.fori_loop(0, rows, zr, 0)


@functools.lru_cache(maxsize=None)
def _make_sc_degree():
  mesh = plsc.VectorSubcoreMesh(core_axis_name="c", subcore_axis_name="s")

  @functools.partial(
      pl.kernel,
      out_type=jax.ShapeDtypeStruct((NC, NP, DEG_W), jnp.float32),
      mesh=mesh,
      compiler_params=pltpu.CompilerParams(use_tc_tiling_on_sc=False),
      scratch_types=[
          pltpu.VMEM((CH, CK), jnp.int32),
          pltpu.VMEM((2, CK, DEG_W), jnp.float32),
          pltpu.VMEM_SHARED((NP, DEG_W), jnp.float32),
          pltpu.SemaphoreType.DMA,
      ],
  )
  def _sc_degree(dstw_hbm, cz_hbm, out_hbm, dst_v, rows_v, acc, sem):
    cid = lax.axis_index("c")
    sid = lax.axis_index("s")
    wid = sid * NC + cid
    base = sid * RPT

    pltpu.sync_copy(cz_hbm, rows_v)
    for b in range(RPT // ZR):
      pltpu.sync_copy(
          rows_v.at[0, pl.ds(0, ZR)], acc.at[pl.ds(base + b * ZR, ZR)]
      )

    pltpu.sync_copy(dstw_hbm.at[wid], dst_v)
    plsc.subcore_barrier()

    def body(j, carry):
      @pl.when(j >= 8)
      def _():
        pltpu.make_async_copy(rows_v.at[1], acc.at[dst_v.at[j - 8]], sem).wait()

      pltpu.async_copy(rows_v.at[1], acc.at[dst_v.at[j]], sem, add=True)
      return carry

    lax.fori_loop(0, CH, body, 0)
    for t in range(CH - 8, CH):
      pltpu.make_async_copy(rows_v.at[1], acc.at[dst_v.at[t]], sem).wait()
    plsc.subcore_barrier()
    pltpu.sync_copy(
        acc.at[pl.ds(base, RPT)], out_hbm.at[cid, pl.ds(base, RPT)]
    )

  return _sc_degree


@functools.lru_cache(maxsize=None)
def _make_sc_scatter(D):
  mesh = plsc.VectorSubcoreMesh(core_axis_name="c", subcore_axis_name="s")

  @functools.partial(
      pl.kernel,
      out_type=jax.ShapeDtypeStruct((NC, NP, D), jnp.float32),
      mesh=mesh,
      compiler_params=pltpu.CompilerParams(use_tc_tiling_on_sc=False),
      scratch_types=[
          pltpu.VMEM((IR, CK), jnp.int32),
          pltpu.VMEM((IR, CK), jnp.int32),
          pltpu.VMEM((3, CK, D), jnp.float32),
          pltpu.VMEM_SHARED((NP, D), jnp.float32),
          pltpu.SemaphoreType.DMA,
          pltpu.SemaphoreType.DMA,
          pltpu.SemaphoreType.DMA,
          pltpu.SemaphoreType.DMA,
      ],
  )
  def k(
      table_hbm, srcw_hbm, dstw_hbm, out_hbm, src_v, dst_v, rows_v, acc,
      sem_g, sem_s, sem_is, sem_id,
  ):
    cid = lax.axis_index("c")
    sid = lax.axis_index("s")
    wid = sid * NC + cid
    base = sid * RPT

    for kk in range(3):
      pltpu.async_copy(srcw_hbm.at[wid, kk], src_v.at[kk], sem_is)
      pltpu.async_copy(dstw_hbm.at[wid, kk], dst_v.at[kk], sem_id)
    _zero_vmem(rows_v.at[0], CK, D)
    for b in range(RPT // ZR):
      pltpu.async_copy(
          rows_v.at[0, pl.ds(0, ZR)], acc.at[pl.ds(base + b * ZR, ZR)], sem_s
      )
    for b in range(RPT // ZR):
      pltpu.make_async_copy(
          rows_v.at[0, pl.ds(0, ZR)], acc.at[pl.ds(base + b * ZR, ZR)], sem_s
      ).wait()
    plsc.subcore_barrier()

    pltpu.make_async_copy(srcw_hbm.at[wid, 0], src_v.at[0], sem_is).wait()
    pltpu.async_copy(table_hbm.at[src_v.at[0]], rows_v.at[0], sem_g)

    def body(j, carry):
      b3 = lax.rem(j, 3)
      bi = lax.rem(j, IR)
      pltpu.make_async_copy(
          table_hbm.at[src_v.at[bi]], rows_v.at[b3], sem_g
      ).wait()

      @pl.when(j >= 2)
      def _():
        pltpu.make_async_copy(
            rows_v.at[lax.rem(j + 1, 3)],
            acc.at[dst_v.at[lax.rem(j - 2, IR)]],
            sem_s,
        ).wait()

      @pl.when(j + 1 < CH)
      def _():
        bn = lax.rem(j + 1, IR)
        pltpu.make_async_copy(srcw_hbm.at[wid, j + 1], src_v.at[bn], sem_is).wait()
        pltpu.async_copy(
            table_hbm.at[src_v.at[bn]], rows_v.at[lax.rem(j + 1, 3)], sem_g
        )

      pltpu.make_async_copy(dstw_hbm.at[wid, j], dst_v.at[bi], sem_id).wait()
      pltpu.async_copy(rows_v.at[b3], acc.at[dst_v.at[bi]], sem_s, add=True)

      @pl.when(j + 3 < CH)
      def _():
        bp = lax.rem(j + 3, IR)
        pltpu.async_copy(srcw_hbm.at[wid, j + 3], src_v.at[bp], sem_is)
        pltpu.async_copy(dstw_hbm.at[wid, j + 3], dst_v.at[bp], sem_id)

      return carry

    lax.fori_loop(0, CH, body, 0)
    for t in (CH - 2, CH - 1):
      pltpu.make_async_copy(
          rows_v.at[t % 3], acc.at[dst_v.at[t % IR]], sem_s
      ).wait()
    plsc.subcore_barrier()
    pltpu.sync_copy(
        acc.at[pl.ds(base, RPT)], out_hbm.at[cid, pl.ds(base, RPT)]
    )

  return k


_RB = 1000
_GRID = N // _RB


def _dinv_block(d_ref):
  deg = d_ref[0, :, :1] + d_ref[1, :, :1] + 1.0
  return lax.rsqrt(deg)


def _mm1_body(x_ref, w_ref, d_ref, o_ref):
  o_ref[...] = jnp.dot(
      x_ref[...], w_ref[...], preferred_element_type=jnp.float32
  ) * _dinv_block(d_ref)


def _mid_body(p_ref, g1_ref, d_ref, b1_ref, w2_ref, o_ref):
  dinv = _dinv_block(d_ref)
  s = p_ref[0] + p_ref[1] + g1_ref[...]
  t = jnp.maximum(s * dinv + b1_ref[...], 0.0)
  o_ref[...] = (
      jnp.dot(t, w2_ref[...], preferred_element_type=jnp.float32) * dinv
  )


def _final_body(p_ref, g2_ref, d_ref, b2_ref, o_ref):
  dinv = _dinv_block(d_ref)
  s = p_ref[0] + p_ref[1] + g2_ref[...]
  o = s[:, :D_OUT] * dinv + b2_ref[...]
  m = jnp.max(o, axis=1, keepdims=True)
  lse = jnp.log(jnp.sum(jnp.exp(o - m), axis=1, keepdims=True)) + m
  o_ref[...] = o - lse


def _row_spec(w):
  return pl.BlockSpec((_RB, w), lambda i: (i, 0))


def _full_spec(shape):
  nd = len(shape)
  return pl.BlockSpec(shape, lambda i: (0,) * nd)


def _deg_spec():
  return pl.BlockSpec((NC, _RB, DEG_W), lambda i: (0, i, 0))


def _part_spec(w):
  return pl.BlockSpec((NC, _RB, w), lambda i: (0, i, 0))


def kernel(x, edge_index, W1, b1, W2, b2):
  src = edge_index[0]
  dst = edge_index[1]
  pad = EP - E
  ar = jnp.arange(pad, dtype=jnp.int32)
  srcw = jnp.concatenate([src, ar % N]).reshape(NW, CH, CK)
  dstw = jnp.concatenate([dst, N + ar % CK]).reshape(NW, CH, CK)

  cz = jnp.stack([
      jnp.zeros((CK, DEG_W), jnp.float32),
      jnp.ones((CK, DEG_W), jnp.float32),
  ])
  degp = _make_sc_degree()(dstw, cz)

  g1 = pl.pallas_call(
      _mm1_body,
      grid=(_GRID,),
      in_specs=[_row_spec(D_IN), _full_spec((D_IN, D_H)), _deg_spec()],
      out_specs=_row_spec(D_H),
      out_shape=jax.ShapeDtypeStruct((N, D_H), jnp.float32),
  )(x, W1, degp)

  p1 = _make_sc_scatter(D_H)(g1, srcw, dstw)

  b1r = b1.reshape(1, D_H)
  w2p = jnp.zeros((D_H, D2P), jnp.float32).at[:, :D_OUT].set(W2)
  g2 = pl.pallas_call(
      _mid_body,
      grid=(_GRID,),
      in_specs=[
          _part_spec(D_H),
          _row_spec(D_H),
          _deg_spec(),
          _full_spec((1, D_H)),
          _full_spec((D_H, D2P)),
      ],
      out_specs=_row_spec(D2P),
      out_shape=jax.ShapeDtypeStruct((N, D2P), jnp.float32),
  )(p1, g1, degp, b1r, w2p)

  p2 = _make_sc_scatter(D2P)(g2, srcw, dstw)

  b2r = b2.reshape(1, D_OUT)
  out = pl.pallas_call(
      _final_body,
      grid=(_GRID,),
      in_specs=[
          _part_spec(D2P),
          _row_spec(D2P),
          _deg_spec(),
          _full_spec((1, D_OUT)),
      ],
      out_specs=_row_spec(D_OUT),
      out_shape=jax.ShapeDtypeStruct((N, D_OUT), jnp.float32),
  )(p2, g2, degp, b2r)

  return out

# --- scband reference (transcript-rebuilt; emitter-appended) ---
"""Pipeline reference for scband-standard-gcn-85985245266465 (READ-ONLY COPY).

The authoritative reference and input builder live on the scoring server;
editing this copy changes nothing except your own understanding.
"""

import jax, jax.numpy as jnp
import numpy as np

N = 10000
E = 320000
D_IN = 128
D_H = 128
D_OUT = 40


def setup_inputs(seed: int = 0) -> dict:
    key = jax.random.key(seed)
    k1, k2, k3, k4, k5, k6 = jax.random.split(key, 6)
    x = jax.random.normal(k1, (N, D_IN), dtype=jnp.float32)
    edge_index = jax.random.randint(k2, (2, E), 0, N, dtype=jnp.int32)
    W1 = jax.random.normal(k3, (D_IN, D_H), dtype=jnp.float32) * (1.0 / np.sqrt(D_IN))
    b1 = jnp.zeros((D_H,), dtype=jnp.float32)
    W2 = jax.random.normal(k4, (D_H, D_OUT), dtype=jnp.float32) * (1.0 / np.sqrt(D_H))
    b2 = jnp.zeros((D_OUT,), dtype=jnp.float32)
    return {"x": x, "edge_index": edge_index, "W1": W1, "b1": b1, "W2": W2, "b2": b2}


def _gcn_conv(h, src, dst, W, b, num_nodes):
    # PyG GCNConv: linear transform, then symmetric-normalized aggregation
    # with self-loops: out = D^{-1/2} (A + I) D^{-1/2} (h W) + b
    h = h @ W
    loop = jnp.arange(num_nodes, dtype=src.dtype)
    src_sl = jnp.concatenate([src, loop])
    dst_sl = jnp.concatenate([dst, loop])
    deg = jax.ops.segment_sum(
        jnp.ones_like(dst_sl, dtype=h.dtype), dst_sl, num_segments=num_nodes
    )
    deg_inv_sqrt = jnp.where(deg > 0, 1.0 / jnp.sqrt(deg), 0.0)
    norm = deg_inv_sqrt[src_sl] * deg_inv_sqrt[dst_sl]
    msgs = h[src_sl] * norm[:, None]
    out = jax.ops.segment_sum(msgs, dst_sl, num_segments=num_nodes)
    return out + b


def reference(x, edge_index, W1, b1, W2, b2):
    src = edge_index[0]
    dst = edge_index[1]
    h = _gcn_conv(x, src, dst, W1, b1, N)
    h = jax.nn.relu(h)
    # dropout is identity in eval mode (training=False)
    out = _gcn_conv(h, src, dst, W2, b2, N)
    return jax.nn.log_softmax(out, axis=1)

if __name__ == "__main__":
    import jax
    _d = setup_inputs()
    print(jax.jit(kernel)(*tuple(_d.values())))

</pallas_src>

<mosaic_0001>
#map = affine_map<(d0, d1) -> (0, 0)>
#map1 = affine_map<(d0, d1) -> (0, 0, 0)>
module attributes {stable_mosaic.version = 14 : i64} {
  func.func @k(%arg0: i32, %arg1: i32, %arg2: memref<10000x128xf32, #tpu.memory_space<hbm>>, %arg3: memref<32x90x112xi32, #tpu.memory_space<hbm>>, %arg4: memref<32x90x112xi32, #tpu.memory_space<hbm>>, %arg5: memref<2x10240x128xf32, #tpu.memory_space<hbm>>, %arg6: memref<8x112xi32, #tpu.memory_space<vmem>>, %arg7: memref<8x112xi32, #tpu.memory_space<vmem>>, %arg8: memref<3x112x128xf32, #tpu.memory_space<vmem>>, %arg9: memref<10240x128xf32, #tpu.memory_space<vmem_shared>>, %arg10: memref<!tpu.dma_semaphore, #tpu.memory_space<semaphore_mem>>, %arg11: memref<!tpu.dma_semaphore, #tpu.memory_space<semaphore_mem>>, %arg12: memref<!tpu.dma_semaphore, #tpu.memory_space<semaphore_mem>>, %arg13: memref<!tpu.dma_semaphore, #tpu.memory_space<semaphore_mem>>) attributes {dimension_semantics = [#tpu.dimension_semantics<core_parallel>, #tpu.dimension_semantics<subcore_parallel>], iteration_bounds = array<i64: 2, 16>, scalar_prefetch = 0 : i64, scratch_operands = 8 : i64, tpu.core_type = #tpu.core_type<sc_vector_subcore>, window_params = [{transform_indices = #map}, {transform_indices = #map1}, {transform_indices = #map1}, {transform_indices = #map1}]} {
    %mul3A = arith.constant 2 : i32
    %mul3A_0 = arith.muli %arg1, %mul3A : i32
    %add3A = arith.addi %mul3A_0, %arg0 : i32
    %mul3A_1 = arith.constant 640 : i32
    %mul3A_2 = arith.muli %arg1, %mul3A_1 : i32
    %dma_start3A = arith.constant 0 : i32
    %dma_start3A_3 = arith.constant 0 : i32
    %dma_start3A_4 = arith.constant 0 : i32
    %dma_start3A_5 = tpu.memref_slice %arg6[%dma_start3A_3, %dma_start3A_4] : memref<8x112xi32, #tpu.memory_space<vmem>> -> memref<1x112xi32, #tpu.memory_space<vmem>>
    %dma_start3A_6 = tpu.memref_squeeze %dma_start3A_5 : memref<1x112xi32, #tpu.memory_space<vmem>> -> memref<112xi32, #tpu.memory_space<vmem>>
    %dma_start3A_7 = arith.constant 0 : i32
    %dma_start3A_8 = tpu.memref_slice %arg3[%add3A, %dma_start3A, %dma_start3A_7] : memref<32x90x112xi32, #tpu.memory_space<hbm>> -> memref<1x1x112xi32, #tpu.memory_space<hbm>>
    %dma_start3A_9 = tpu.memref_squeeze %dma_start3A_8 : memref<1x1x112xi32, #tpu.memory_space<hbm>> -> memref<112xi32, #tpu.memory_space<hbm>>
    %dma_start3A_10 = arith.constant 0 : i32
    %dma_start3A_11 = tpu.memref_slice %arg6[%dma_start3A_3, %dma_start3A_10] : memref<8x112xi32, #tpu.memory_space<vmem>> -> memref<1x112xi32, #tpu.memory_space<vmem>>
    %dma_start3A_12 = tpu.memref_squeeze %dma_start3A_11 : memref<1x112xi32, #tpu.memory_space<vmem>> -> memref<112xi32, #tpu.memory_space<vmem>>
    %dma_start3A_13 = arith.constant 0 : i32
    %dma_start3A_14 = tpu.memref_slice %arg3[%add3A, %dma_start3A, %dma_start3A_13] : memref<32x90x112xi32, #tpu.memory_space<hbm>> -> memref<1x1x112xi32, #tpu.memory_space<hbm>>
    %dma_start3A_15 = tpu.memref_squeeze %dma_start3A_14 : memref<1x1x112xi32, #tpu.memory_space<hbm>> -> memref<112xi32, #tpu.memory_space<hbm>>
    tpu.enqueue_dma source(%dma_start3A_15 : memref<112xi32, #tpu.memory_space<hbm>>) target(%dma_start3A_12 : memref<112xi32, #tpu.memory_space<vmem>>) target_semaphore(%arg12 : memref<!tpu.dma_semaphore, #tpu.memory_space<semaphore_mem>>)
    %dma_start3A_16 = arith.constant 0 : i32
    %dma_start3A_17 = arith.constant 0 : i32
    %dma_start3A_18 = arith.constant 0 : i32
    %dma_start3A_19 = tpu.memref_slice %arg7[%dma_start3A_17, %dma_start3A_18] : memref<8x112xi32, #tpu.memory_space<vmem>> -> memref<1x112xi32, #tpu.memory_space<vmem>>
    %dma_start3A_20 = tpu.memref_squeeze %dma_start3A_19 : memref<1x112xi32, #tpu.memory_space<vmem>> -> memref<112xi32, #tpu.memory_space<vmem>>
    %dma_start3A_21 = arith.constant 0 : i32
    %dma_start3A_22 = tpu.memref_slice %arg4[%add3A, %dma_start3A_16, %dma_start3A_21] : memref<32x90x112xi32, #tpu.memory_space<hbm>> -> memref<1x1x112xi32, #tpu.memory_space<hbm>>
    %dma_start3A_23 = tpu.memref_squeeze %dma_start3A_22 : memref<1x1x112xi32, #tpu.memory_space<hbm>> -> memref<112xi32, #tpu.memory_space<hbm>>
    %dma_start3A_24 = arith.constant 0 : i32
    %dma_start3A_25 = tpu.memref_slice %arg7[%dma_start3A_17, %dma_start3A_24] : memref<8x112xi32, #tpu.memory_space<vmem>> -> memref<1x112xi32, #tpu.memory_space<vmem>>
    %dma_start3A_26 = tpu.memref_squeeze %dma_start3A_25 : memref<1x112xi32, #tpu.memory_space<vmem>> -> memref<112xi32, #tpu.memory_space<vmem>>
    %dma_start3A_27 = arith.constant 0 : i32
    %dma_start3A_28 = tpu.memref_slice %arg4[%add3A, %dma_start3A_16, %dma_start3A_27] : memref<32x90x112xi32, #tpu.memory_space<hbm>> -> memref<1x1x112xi32, #tpu.memory_space<hbm>>
    %dma_start3A_29 = tpu.memref_squeeze %dma_start3A_28 : memref<1x1x112xi32, #tpu.memory_space<hbm>> -> memref<112xi32, #tpu.memory_space<hbm>>
    tpu.enqueue_dma source(%dma_start3A_29 : memref<112xi32, #tpu.memory_space<hbm>>) target(%dma_start3A_26 : memref<112xi32, #tpu.memory_space<vmem>>) target_semaphore(%arg13 : memref<!tpu.dma_semaphore, #tpu.memory_space<semaphore_mem>>)
    %dma_start3A_30 = arith.constant 1 : i32
    %dma_start3A_31 = arith.constant 1 : i32
    %dma_start3A_32 = arith.constant 0 : i32
    %dma_start3A_33 = tpu.memref_slice %arg6[%dma_start3A_31, %dma_start3A_32] : memref<8x112xi32, #tpu.memory_space<vmem>> -> memref<1x112xi32, #tpu.memory_space<vmem>>
    %dma_start3A_34 = tpu.memref_squeeze %dma_start3A_33 : memref<1x112xi32, #tpu.memory_space<vmem>> -> memref<112xi32, #tpu.memory_space<vmem>>
    %dma_start3A_35 = arith.constant 0 : i32
    %dma_start3A_36 = tpu.memref_slice %arg3[%add3A, %dma_start3A_30, %dma_start3A_35] : memref<32x90x112xi32, #tpu.memory_space<hbm>> -> memref<1x1x112xi32, #tpu.memory_space<hbm>>
    %dma_start3A_37 = tpu.memref_squeeze %dma_start3A_36 : memref<1x1x112xi32, #tpu.memory_space<hbm>> -> memref<112xi32, #tpu.memory_space<hbm>>
    %dma_start3A_38 = arith.constant 0 : i32
    %dma_start3A_39 = tpu.memref_slice %arg6[%dma_start3A_31, %dma_start3A_38] : memref<8x112xi32, #tpu.memory_space<vmem>> -> memref<1x112xi32, #tpu.memory_space<vmem>>
    %dma_start3A_40 = tpu.memref_squeeze %dma_start3A_39 : memref<1x112xi32, #tpu.memory_space<vmem>> -> memref<112xi32, #tpu.memory_space<vmem>>
    %dma_start3A_41 = arith.constant 0 : i32
    %dma_start3A_42 = tpu.memref_slice %arg3[%add3A, %dma_start3A_30, %dma_start3A_41] : memref<32x90x112xi32, #tpu.memory_space<hbm>> -> memref<1x1x112xi32, #tpu.memory_space<hbm>>
    %dma_start3A_43 = tpu.memref_squeeze %dma_start3A_42 : memref<1x1x112xi32, #tpu.memory_space<hbm>> -> memref<112xi32, #tpu.memory_space<hbm>>
    tpu.enqueue_dma source(%dma_start3A_43 : memref<112xi32, #tpu.memory_space<hbm>>) target(%dma_start3A_40 : memref<112xi32, #tpu.memory_space<vmem>>) target_semaphore(%arg12 : memref<!tpu.dma_semaphore, #tpu.memory_space<semaphore_mem>>)
    %dma_start3A_44 = arith.constant 1 : i32
    %dma_start3A_45 = arith.constant 1 : i32
    %dma_start3A_46 = arith.constant 0 : i32
    %dma_start3A_47 = tpu.memref_slice %arg7[%dma_start3A_45, %dma_start3A_46] : memref<8x112xi32, #tpu.memory_space<vmem>> -> memref<1x112xi32, #tpu.memory_space<vmem>>
    %dma_start3A_48 = tpu.memref_squeeze %dma_start3A_47 : memref<1x112xi32, #tpu.memory_space<vmem>> -> memref<112xi32, #tpu.memory_space<vmem>>
    %dma_start3A_49 = arith.constant 0 : i32
    %dma_start3A_50 = tpu.memref_slice %arg4[%add3A, %dma_start3A_44, %dma_start3A_49] : memref<32x90x112xi32, #tpu.memory_space<hbm>> -> memref<1x1x112xi32, #tpu.memory_space<hbm>>
    %dma_start3A_51 = tpu.memref_squeeze %dma_start3A_50 : memref<1x1x112xi32, #tpu.memory_space<hbm>> -> memref<112xi32, #tpu.memory_space<hbm>>
    %dma_start3A_52 = arith.constant 0 : i32
    %dma_start3A_53 = tpu.memref_slice %arg7[%dma_start3A_45, %dma_start3A_52] : memref<8x112xi32, #tpu.memory_space<vmem>> -> memref<1x112xi32, #tpu.memory_space<vmem>>
    %dma_start3A_54 = tpu.memref_squeeze %dma_start3A_53 : memref<1x112xi32, #tpu.memory_space<vmem>> -> memref<112xi32, #tpu.memory_space<vmem>>
    %dma_start3A_55 = arith.constant 0 : i32
    %dma_start3A_56 = tpu.memref_slice %arg4[%add3A, %dma_start3A_44, %dma_start3A_55] : memref<32x90x112xi32, #tpu.memory_space<hbm>> -> memref<1x1x112xi32, #tpu.memory_space<hbm>>
    %dma_start3A_57 = tpu.memref_squeeze %dma_start3A_56 : memref<1x1x112xi32, #tpu.memory_space<hbm>> -> memref<112xi32, #tpu.memory_space<hbm>>
    tpu.enqueue_dma source(%dma_start3A_57 : memref<112xi32, #tpu.memory_space<hbm>>) target(%dma_start3A_54 : memref<112xi32, #tpu.memory_space<vmem>>) target_semaphore(%arg13 : memref<!tpu.dma_semaphore, #tpu.memory_space<semaphore_mem>>)
    %dma_start3A_58 = arith.constant 2 : i32
    %dma_start3A_59 = arith.constant 2 : i32
    %dma_start3A_60 = arith.constant 0 : i32
    %dma_start3A_61 = tpu.memref_slice %arg6[%dma_start3A_59, %dma_start3A_60] : memref<8x112xi32, #tpu.memory_space<vmem>> -> memref<1x112xi32, #tpu.memory_space<vmem>>
    %dma_start3A_62 = tpu.memref_squeeze %dma_start3A_61 : memref<1x112xi32, #tpu.memory_space<vmem>> -> memref<112xi32, #tpu.memory_space<vmem>>
    %dma_start3A_63 = arith.constant 0 : i32
    %dma_start3A_64 = tpu.memref_slice %arg3[%add3A, %dma_start3A_58, %dma_start3A_63] : memref<32x90x112xi32, #tpu.memory_space<hbm>> -> memref<1x1x112xi32, #tpu.memory_space<hbm>>
    %dma_start3A_65 = tpu.memref_squeeze %dma_start3A_64 : memref<1x1x112xi32, #tpu.memory_space<hbm>> -> memref<112xi32, #tpu.memory_space<hbm>>
    %dma_start3A_66 = arith.constant 0 : i32
    %dma_start3A_67 = tpu.memref_slice %arg6[%dma_start3A_59, %dma_start3A_66] : memref<8x112xi32, #tpu.memory_space<vmem>> -> memref<1x112xi32, #tpu.memory_space<vmem>>
    %dma_start3A_68 = tpu.memref_squeeze %dma_start3A_67 : memref<1x112xi32, #tpu.memory_space<vmem>> -> memref<112xi32, #tpu.memory_space<vmem>>
    %dma_start3A_69 = arith.constant 0 : i32
    %dma_start3A_70 = tpu.memref_slice %arg3[%add3A, %dma_start3A_58, %dma_start3A_69] : memref<32x90x112xi32, #tpu.memory_space<hbm>> -> memref<1x1x112xi32, #tpu.memory_space<hbm>>
    %dma_start3A_71 = tpu.memref_squeeze %dma_start3A_70 : memref<1x1x112xi32, #tpu.memory_space<hbm>> -> memref<112xi32, #tpu.memory_space<hbm>>
    tpu.enqueue_dma source(%dma_start3A_71 : memref<112xi32, #tpu.memory_space<hbm>>) target(%dma_start3A_68 : memref<112xi32, #tpu.memory_space<vmem>>) target_semaphore(%arg12 : memref<!tpu.dma_semaphore, #tpu.memory_space<semaphore_mem>>)
    %dma_start3A_72 = arith.constant 2 : i32
    %dma_start3A_73 = arith.constant 2 : i32
    %dma_start3A_74 = arith.constant 0 : i32
    %dma_start3A_75 = tpu.memref_slice %arg7[%dma_start3A_73, %dma_start3A_74] : memref<8x112xi32, #tpu.memory_space<vmem>> -> memref<1x112xi32, #tpu.memory_space<vmem>>
    %dma_start3A_76 = tpu.memref_squeeze %dma_start3A_75 : memref<1x112xi32, #tpu.memory_space<vmem>> -> memref<112xi32, #tpu.memory_space<vmem>>
    %dma_start3A_77 = arith.constant 0 : i32
    %dma_start3A_78 = tpu.memref_slice %arg4[%add3A, %dma_start3A_72, %dma_start3A_77] : memref<32x90x112xi32, #tpu.memory_space<hbm>> -> memref<1x1x112xi32, #tpu.memory_space<hbm>>
    %dma_start3A_79 = tpu.memref_squeeze %dma_start3A_78 : memref<1x1x112xi32, #tpu.memory_space<hbm>> -> memref<112xi32, #tpu.memory_space<hbm>>
    %dma_start3A_80 = arith.constant 0 : i32
    %dma_start3A_81 = tpu.memref_slice %arg7[%dma_start3A_73, %dma_start3A_80] : memref<8x112xi32, #tpu.memory_space<vmem>> -> memref<1x112xi32, #tpu.memory_space<vmem>>
    %dma_start3A_82 = tpu.memref_squeeze %dma_start3A_81 : memref<1x112xi32, #tpu.memory_space<vmem>> -> memref<112xi32, #tpu.memory_space<vmem>>
    %dma_start3A_83 = arith.constant 0 : i32
    %dma_start3A_84 = tpu.memref_slice %arg4[%add3A, %dma_start3A_72, %dma_start3A_83] : memref<32x90x112xi32, #tpu.memory_space<hbm>> -> memref<1x1x112xi32, #tpu.memory_space<hbm>>
    %dma_start3A_85 = tpu.memref_squeeze %dma_start3A_84 : memref<1x1x112xi32, #tpu.memory_space<hbm>> -> memref<112xi32, #tpu.memory_space<hbm>>
    tpu.enqueue_dma source(%dma_start3A_85 : memref<112xi32, #tpu.memory_space<hbm>>) target(%dma_start3A_82 : memref<112xi32, #tpu.memory_space<vmem>>) target_semaphore(%arg13 : memref<!tpu.dma_semaphore, #tpu.memory_space<semaphore_mem>>)
    %scan3A = arith.constant 0 : i32
    %scan3A_86 = arith.constant 0 : i32
    %scan3A_87 = arith.constant 0 : i32
    %scan3A_88 = arith.constant 112 : i32
    %scan3A_89 = arith.addi %scan3A_87, %scan3A_88 : i32
    %scan3A_90 = arith.constant 1 : i32
    scf.for %scan3A_448 = %scan3A_87 to %scan3A_89 step %scan3A_90  : i32 {
      %broadcast_in_dim3A = arith.constant 0.000000e+00 : f32
      %broadcast_in_dim3A_449 = vector.broadcast %broadcast_in_dim3A : f32 to vector<16xf32>
      %swap3A = arith.constant 0 : i32
      %swap3A_450 = arith.constant 0 : i32
      %swap3A_451 = tpu.memref_slice %arg8[%scan3A_86, %swap3A, %swap3A_450] : memref<3x112x128xf32, #tpu.memory_space<vmem>> -> memref<1x112x128xf32, #tpu.memory_space<vmem>>
      %swap3A_452 = tpu.memref_squeeze %swap3A_451 : memref<1x112x128xf32, #tpu.memory_space<vmem>> -> memref<112x128xf32, #tpu.memory_space<vmem>>
      %swap3A_453 = arith.index_cast %scan3A_448 : i32 to index
      %swap3A_454 = arith.constant 0 : index
      %swap3A_455 = tpu.vector_load %swap3A_452[%swap3A_453, %swap3A_454] {strides = array<i32>} : memref<112x128xf32, #tpu.memory_space<vmem>>, vector<1x16xf32>,
      %swap3A_456 = vector.shape_cast %swap3A_455 : vector<1x16xf32> to vector<16xf32>
      %swap3A_457 = vector.shape_cast %broadcast_in_dim3A_449 : vector<16xf32> to vector<1x16xf32>
      tpu.vector_store %swap3A_452[%swap3A_453, %swap3A_454], %swap3A_457 {strides = array<i32>} : memref<112x128xf32, #tpu.memory_space<vmem>>, vector<1x16xf32>,
      %broadcast_in_dim3A_458 = arith.constant 0.000000e+00 : f32
      %broadcast_in_dim3A_459 = vector.broadcast %broadcast_in_dim3A_458 : f32 to vector<16xf32>
      %swap3A_460 = arith.constant 0 : i32
      %swap3A_461 = arith.constant 0 : i32
      %swap3A_462 = tpu.memref_slice %arg8[%scan3A_86, %swap3A_460, %swap3A_461] : memref<3x112x128xf32, #tpu.memory_space<vmem>> -> memref<1x112x128xf32, #tpu.memory_space<vmem>>
      %swap3A_463 = tpu.memref_squeeze %swap3A_462 : memref<1x112x128xf32, #tpu.memory_space<vmem>> -> memref<112x128xf32, #tpu.memory_space<vmem>>
      %swap3A_464 = arith.index_cast %scan3A_448 : i32 to index
      %swap3A_465 = arith.constant 16 : index
      %swap3A_466 = tpu.vector_load %swap3A_463[%swap3A_464, %swap3A_465] {strides = array<i32>} : memref<112x128xf32, #tpu.memory_space<vmem>>, vector<1x16xf32>,
      %swap3A_467 = vector.shape_cast %swap3A_466 : vector<1x16xf32> to vector<16xf32>
      %swap3A_468 = vector.shape_cast %broadcast_in_dim3A_459 : vector<16xf32> to vector<1x16xf32>
      tpu.vector_store %swap3A_463[%swap3A_464, %swap3A_465], %swap3A_468 {strides = array<i32>} : memref<112x128xf32, #tpu.memory_space<vmem>>, vector<1x16xf32>,
      %broadcast_in_dim3A_469 = arith.constant 0.000000e+00 : f32
      %broadcast_in_dim3A_470 = vector.broadcast %broadcast_in_dim3A_469 : f32 to vector<16xf32>
      %swap3A_471 = arith.constant 0 : i32
      %swap3A_472 = arith.constant 0 : i32
      %swap3A_473 = tpu.memref_slice %arg8[%scan3A_86, %swap3A_471, %swap3A_472] : memref<3x112x128xf32, #tpu.memory_space<vmem>> -> memref<1x112x128xf32, #tpu.memory_space<vmem>>
      %swap3A_474 = tpu.memref_squeeze %swap3A_473 : memref<1x112x128xf32, #tpu.memory_space<vmem>> -> memref<112x128xf32, #tpu.memory_space<vmem>>
      %swap3A_475 = arith.index_cast %scan3A_448 : i32 to index
      %swap3A_476 = arith.constant 32 : index
      %swap3A_477 = tpu.vector_load %swap3A_474[%swap3A_475, %swap3A_476] {strides = array<i32>} : memref<112x128xf32, #tpu.memory_space<vmem>>, vector<1x16xf32>,
      %swap3A_478 = vector.shape_cast %swap3A_477 : vector<1x16xf32> to vector<16xf32>
      %swap3A_479 = vector.shape_cast %broadcast_in_dim3A_470 : vector<16xf32> to vector<1x16xf32>
      tpu.vector_store %swap3A_474[%swap3A_475, %swap3A_476], %swap3A_479 {strides = array<i32>} : memref<112x128xf32, #tpu.memory_space<vmem>>, vector<1x16xf32>,
      %broadcast_in_dim3A_480 = arith.constant 0.000000e+00 : f32
      %broadcast_in_dim3A_481 = vector.broadcast %broadcast_in_dim3A_480 : f32 to vector<16xf32>
      %swap3A_482 = arith.constant 0 : i32
      %swap3A_483 = arith.constant 0 : i32
      %swap3A_484 = tpu.memref_slice %arg8[%scan3A_86, %swap3A_482, %swap3A_483] : memref<3x112x128xf32, #tpu.memory_space<vmem>> -> memref<1x112x128xf32, #tpu.memory_space<vmem>>
      %swap3A_485 = tpu.memref_squeeze %swap3A_484 : memref<1x112x128xf32, #tpu.memory_space<vmem>> -> memref<112x128xf32, #tpu.memory_space<vmem>>
      %swap3A_486 = arith.index_cast %scan3A_448 : i32 to index
      %swap3A_487 = arith.constant 48 : index
      %swap3A_488 = tpu.vector_load %swap3A_485[%swap3A_486, %swap3A_487] {strides = array<i32>} : memref<112x128xf32, #tpu.memory_space<vmem>>, vector<1x16xf32>,
      %swap3A_489 = vector.shape_cast %swap3A_488 : vector<1x16xf32> to vector<16xf32>
      %swap3A_490 = vector.shape_cast %broadcast_in_dim3A_481 : vector<16xf32> to vector<1x16xf32>
      tpu.vector_store %swap3A_485[%swap3A_486, %swap3A_487], %swap3A_490 {strides = array<i32>} : memref<112x128xf32, #tpu.memory_space<vmem>>, vector<1x16xf32>,
      %broadcast_in_dim3A_491 = arith.constant 0.000000e+00 : f32
      %broadcast_in_dim3A_492 = vector.broadcast %broadcast_in_dim3A_491 : f32 to vector<16xf32>
      %swap3A_493 = arith.constant 0 : i32
      %swap3A_494 = arith.constant 0 : i32
      %swap3A_495 = tpu.memref_slice %arg8[%scan3A_86, %swap3A_493, %swap3A_494] : memref<3x112x128xf32, #tpu.memory_space<vmem>> -> memref<1x112x128xf32, #tpu.memory_space<vmem>>
      %swap3A_496 = tpu.memref_squeeze %swap3A_495 : memref<1x112x128xf32, #tpu.memory_space<vmem>> -> memref<112x128xf32, #tpu.memory_space<vmem>>
      %swap3A_497 = arith.index_cast %scan3A_448 : i32 to index
      %swap3A_498 = arith.constant 64 : index
      %swap3A_499 = tpu.vector_load %swap3A_496[%swap3A_497, %swap3A_498] {strides = array<i32>} : memref<112x128xf32, #tpu.memory_space<vmem>>, vector<1x16xf32>,
      %swap3A_500 = vector.shape_cast %swap3A_499 : vector<1x16xf32> to vector<16xf32>
      %swap3A_501 = vector.shape_cast %broadcast_in_dim3A_492 : vector<16xf32> to vector<1x16xf32>
      tpu.vector_store %swap3A_496[%swap3A_497, %swap3A_498], %swap3A_501 {strides = array<i32>} : memref<112x128xf32, #tpu.memory_space<vmem>>, vector<1x16xf32>,
      %broadcast_in_dim3A_502 = arith.constant 0.000000e+00 : f32
      %broadcast_in_dim3A_503 = vector.broadcast %broadcast_in_dim3A_502 : f32 to vector<16xf32>
      %swap3A_504 = arith.constant 0 : i32
      %swap3A_505 = arith.constant 0 : i32
      %swap3A_506 = tpu.memref_slice %arg8[%scan3A_86, %swap3A_504, %swap3A_505] : memref<3x112x128xf32, #tpu.memory_space<vmem>> -> memref<1x112x128xf32, #tpu.memory_space<vmem>>
      %swap3A_507 = tpu.memref_squeeze %swap3A_506 : memref<1x112x128xf32, #tpu.memory_space<vmem>> -> memref<112x128xf32, #tpu.memory_space<vmem>>
      %swap3A_508 = arith.index_cast %scan3A_448 : i32 to index
      %swap3A_509 = arith.constant 80 : index
      %swap3A_510 = tpu.vector_load %swap3A_507[%swap3A_508, %swap3A_509] {strides = array<i32>} : memref<112x128xf32, #tpu.memory_space<vmem>>, vector<1x16xf32>,
      %swap3A_511 = vector.shape_cast %swap3A_510 : vector<1x16xf32> to vector<16xf32>
      %swap3A_512 = vector.shape_cast %broadcast_in_dim3A_503 : vector<16xf32> to vector<1x16xf32>
      tpu.vector_store %swap3A_507[%swap3A_508, %swap3A_509], %swap3A_512 {strides = array<i32>} : memref<112x128xf32, #tpu.memory_space<vmem>>, vector<1x16xf32>,
      %broadcast_in_dim3A_513 = arith.constant 0.000000e+00 : f32
      %broadcast_in_dim3A_514 = vector.broadcast %broadcast_in_dim3A_513 : f32 to vector<16xf32>
      %swap3A_515 = arith.constant 0 : i32
      %swap3A_516 = arith.constant 0 : i32
      %swap3A_517 = tpu.memref_slice %arg8[%scan3A_86, %swap3A_515, %swap3A_516] : memref<3x112x128xf32, #tpu.memory_space<vmem>> -> memref<1x112x128xf32, #tpu.memory_space<vmem>>
      %swap3A_518 = tpu.memref_squeeze %swap3A_517 : memref<1x112x128xf32, #tpu.memory_space<vmem>> -> memref<112x128xf32, #tpu.memory_space<vmem>>
      %swap3A_519 = arith.index_cast %scan3A_448 : i32 to index
      %swap3A_520 = arith.constant 96 : index
      %swap3A_521 = tpu.vector_load %swap3A_518[%swap3A_519, %swap3A_520] {strides = array<i32>} : memref<112x128xf32, #tpu.memory_space<vmem>>, vector<1x16xf32>,
      %swap3A_522 = vector.shape_cast %swap3A_521 : vector<1x16xf32> to vector<16xf32>
      %swap3A_523 = vector.shape_cast %broadcast_in_dim3A_514 : vector<16xf32> to vector<1x16xf32>
      tpu.vector_store %swap3A_518[%swap3A_519, %swap3A_520], %swap3A_523 {strides = array<i32>} : memref<112x128xf32, #tpu.memory_space<vmem>>, vector<1x16xf32>,
      %broadcast_in_dim3A_524 = arith.constant 0.000000e+00 : f32
      %broadcast_in_dim3A_525 = vector.broadcast %broadcast_in_dim3A_524 : f32 to vector<16xf32>
      %swap3A_526 = arith.constant 0 : i32
      %swap3A_527 = arith.constant 0 : i32
      %swap3A_528 = tpu.memref_slice %arg8[%scan3A_86, %swap3A_526, %swap3A_527] : memref<3x112x128xf32, #tpu.memory_space<vmem>> -> memref<1x112x128xf32, #tpu.memory_space<vmem>>
      %swap3A_529 = tpu.memref_squeeze %swap3A_528 : memref<1x112x128xf32, #tpu.memory_space<vmem>> -> memref<112x128xf32, #tpu.memory_space<vmem>>
      %swap3A_530 = arith.index_cast %scan3A_448 : i32 to index
      %swap3A_531 = arith.constant 112 : index
      %swap3A_532 = tpu.vector_load %swap3A_529[%swap3A_530, %swap3A_531] {strides = array<i32>} : memref<112x128xf32, #tpu.memory_space<vmem>>, vector<1x16xf32>,
      %swap3A_533 = vector.shape_cast %swap3A_532 : vector<1x16xf32> to vector<16xf32>
      %swap3A_534 = vector.shape_cast %broadcast_in_dim3A_525 : vector<16xf32> to vector<1x16xf32>
      tpu.vector_store %swap3A_529[%swap3A_530, %swap3A_531], %swap3A_534 {strides = array<i32>} : memref<112x128xf32, #tpu.memory_space<vmem>>, vector<1x16xf32>,
    }
    %scan3A_91 = arith.constant 112 : i32
    %add3A_92 = arith.constant 0 : i32
    %add3A_93 = arith.addi %mul3A_2, %add3A_92 : i32
    %dma_start3A_94 = arith.constant 0 : i32
    %dma_start3A_95 = arith.constant 0 : i32
    %dma_start3A_96 = arith.constant 0 : i32
    %dma_start3A_97 = tpu.memref_slice %arg8[%dma_start3A_94, %dma_start3A_95, %dma_start3A_96] : memref<3x112x128xf32, #tpu.memory_space<vmem>> -> memref<1x64x128xf32, #tpu.memory_space<vmem>>
    %dma_start3A_98 = tpu.memref_squeeze %dma_start3A_97 : memref<1x64x128xf32, #tpu.memory_space<vmem>> -> memref<64x128xf32, #tpu.memory_space<vmem>>
    %dma_start3A_99 = arith.constant 0 : i32
    %dma_start3A_100 = tpu.memref_slice %arg9[%add3A_93, %dma_start3A_99] : memref<10240x128xf32, #tpu.memory_space<vmem_shared>> -> memref<64x128xf32, #tpu.memory_space<vmem_shared>>
    %dma_start3A_101 = arith.constant 0 : i32
    %dma_start3A_102 = tpu.memref_slice %arg9[%add3A_93, %dma_start3A_101] : memref<10240x128xf32, #tpu.memory_space<vmem_shared>> -> memref<64x128xf32, #tpu.memory_space<vmem_shared>>
    %dma_start3A_103 = arith.constant 0 : i32
    %dma_start3A_104 = arith.constant 0 : i32
    %dma_start3A_105 = tpu.memref_slice %arg8[%dma_start3A_94, %dma_start3A_103, %dma_start3A_104] : memref<3x112x128xf32, #tpu.memory_space<vmem>> -> memref<1x64x128xf32, #tpu.memory_space<vmem>>
    %dma_start3A_106 = tpu.memref_squeeze %dma_start3A_105 : memref<1x64x128xf32, #tpu.memory_space<vmem>> -> memref<64x128xf32, #tpu.memory_space<vmem>>
    tpu.enqueue_dma source(%dma_start3A_106 : memref<64x128xf32, #tpu.memory_space<vmem>>) target(%dma_start3A_102 : memref<64x128xf32, #tpu.memory_space<vmem_shared>>) target_semaphore(%arg11 : memref<!tpu.dma_semaphore, #tpu.memory_space<semaphore_mem>>)
    %add3A_107 = arith.constant 64 : i32
    %add3A_108 = arith.addi %mul3A_2, %add3A_107 : i32
    %dma_start3A_109 = arith.constant 0 : i32
    %dma_start3A_110 = arith.constant 0 : i32
    %dma_start3A_111 = arith.constant 0 : i32
    %dma_start3A_112 = tpu.memref_slice %arg8[%dma_start3A_109, %dma_start3A_110, %dma_start3A_111] : memref<3x112x128xf32, #tpu.memory_space<vmem>> -> memref<1x64x128xf32, #tpu.memory_space<vmem>>
    %dma_start3A_113 = tpu.memref_squeeze %dma_start3A_112 : memref<1x64x128xf32, #tpu.memory_space<vmem>> -> memref<64x128xf32, #tpu.memory_space<vmem>>
    %dma_start3A_114 = arith.constant 0 : i32
    %dma_start3A_115 = tpu.memref_slice %arg9[%add3A_108, %dma_start3A_114] : memref<10240x128xf32, #tpu.memory_space<vmem_shared>> -> memref<64x128xf32, #tpu.memory_space<vmem_shared>>
    %dma_start3A_116 = arith.constant 0 : i32
    %dma_start3A_117 = tpu.memref_slice %arg9[%add3A_108, %dma_start3A_116] : memref<10240x128xf32, #tpu.memory_space<vmem_shared>> -> memref<64x128xf32, #tpu.memory_space<vmem_shared>>
    %dma_start3A_118 = arith.constant 0 : i32
    %dma_start3A_119 = arith.constant 0 : i32
    %dma_start3A_120 = tpu.memref_slice %arg8[%dma_start3A_109, %dma_start3A_118, %dma_start3A_119] : memref<3x112x128xf32, #tpu.memory_space<vmem>> -> memref<1x64x128xf32, #tpu.memory_space<vmem>>
    %dma_start3A_121 = tpu.memref_squeeze %dma_start3A_120 : memref<1x64x128xf32, #tpu.memory_space<vmem>> -> memref<64x128xf32, #tpu.memory_space<vmem>>
    tpu.enqueue_dma source(%dma_start3A_121 : memref<64x128xf32, #tpu.memory_space<vmem>>) target(%dma_start3A_117 : memref<64x128xf32, #tpu.memory_space<vmem_shared>>) target_semaphore(%arg11 : memref<!tpu.dma_semaphore, #tpu.memory_space<semaphore_mem>>)
    %add3A_122 = arith.constant 128 : i32
    %add3A_123 = arith.addi %mul3A_2, %add3A_122 : i32
    %dma_start3A_124 = arith.constant 0 : i32
    %dma_start3A_125 = arith.constant 0 : i32
    %dma_start3A_126 = arith.constant 0 : i32
    %dma_start3A_127 = tpu.memref_slice %arg8[%dma_start3A_124, %dma_start3A_125, %dma_start3A_126] : memref<3x112x128xf32, #tpu.memory_space<vmem>> -> memref<1x64x128xf32, #tpu.memory_space<vmem>>
    %dma_start3A_128 = tpu.memref_squeeze %dma_start3A_127 : memref<1x64x128xf32, #tpu.memory_space<vmem>> -> memref<64x128xf32, #tpu.memory_space<vmem>>
    %dma_start3A_129 = arith.constant 0 : i32
    %dma_start3A_130 = tpu.memref_slice %arg9[%add3A_123, %dma_start3A_129] : memref<10240x128xf32, #tpu.memory_space<vmem_shared>> -> memref<64x128xf32, #tpu.memory_space<vmem_shared>>
    %dma_start3A_131 = arith.constant 0 : i32
    %dma_start3A_132 = tpu.memref_slice %arg9[%add3A_123, %dma_start3A_131] : memref<10240x128xf32, #tpu.memory_space<vmem_shared>> -> memref<64x128xf32, #tpu.memory_space<vmem_shared>>
    %dma_start3A_133 = arith.constant 0 : i32
    %dma_start3A_134 = arith.constant 0 : i32
    %dma_start3A_135 = tpu.memref_slice %arg8[%dma_start3A_124, %dma_start3A_133, %dma_start3A_134] : memref<3x112x128xf32, #tpu.memory_space<vmem>> -> memref<1x64x128xf32, #tpu.memory_space<vmem>>
    %dma_start3A_136 = tpu.memref_squeeze %dma_start3A_135 : memref<1x64x128xf32, #tpu.memory_space<vmem>> -> memref<64x128xf32, #tpu.memory_space<vmem>>
    tpu.enqueue_dma source(%dma_start3A_136 : memref<64x128xf32, #tpu.memory_space<vmem>>) target(%dma_start3A_132 : memref<64x128xf32, #tpu.memory_space<vmem_shared>>) target_semaphore(%arg11 : memref<!tpu.dma_semaphore, #tpu.memory_space<semaphore_mem>>)
    %add3A_137 = arith.constant 192 : i32
    %add3A_138 = arith.addi %mul3A_2, %add3A_137 : i32
    %dma_start3A_139 = arith.constant 0 : i32
    %dma_start3A_140 = arith.constant 0 : i32
    %dma_start3A_141 = arith.constant 0 : i32
    %dma_start3A_142 = tpu.memref_slice %arg8[%dma_start3A_139, %dma_start3A_140, %dma_start3A_141] : memref<3x112x128xf32, #tpu.memory_space<vmem>> -> memref<1x64x128xf32, #tpu.memory_space<vmem>>
    %dma_start3A_143 = tpu.memref_squeeze %dma_start3A_142 : memref<1x64x128xf32, #tpu.memory_space<vmem>> -> memref<64x128xf32, #tpu.memory_space<vmem>>
    %dma_start3A_144 = arith.constant 0 : i32
    %dma_start3A_145 = tpu.memref_slice %arg9[%add3A_138, %dma_start3A_144] : memref<10240x128xf32, #tpu.memory_space<vmem_shared>> -> memref<64x128xf32, #tpu.memory_space<vmem_shared>>
    %dma_start3A_146 = arith.constant 0 : i32
    %dma_start3A_147 = tpu.memref_slice %arg9[%add3A_138, %dma_start3A_146] : memref<10240x128xf32, #tpu.memory_space<vmem_shared>> -> memref<64x128xf32, #tpu.memory_space<vmem_shared>>
    %dma_start3A_148 = arith.constant 0 : i32
    %dma_start3A_149 = arith.constant 0 : i32
    %dma_start3A_150 = tpu.memref_slice %arg8[%dma_start3A_139, %dma_start3A_148, %dma_start3A_149] : memref<3x112x128xf32, #tpu.memory_space<vmem>> -> memref<1x64x128xf32, #tpu.memory_space<vmem>>
    %dma_start3A_151 = tpu.memref_squeeze %dma_start3A_150 : memref<1x64x128xf32, #tpu.memory_space<vmem>> -> memref<64x128xf32, #tpu.memory_space<vmem>>
    tpu.enqueue_dma source(%dma_start3A_151 : memref<64x128xf32, #tpu.memory_space<vmem>>) target(%dma_start3A_147 : memref<64x128xf32, #tpu.memory_space<vmem_shared>>) target_semaphore(%arg11 : memref<!tpu.dma_semaphore, #tpu.memory_space<semaphore_mem>>)
    %add3A_152 = arith.constant 256 : i32
    %add3A_153 = arith.addi %mul3A_2, %add3A_152 : i32
    %dma_start3A_154 = arith.constant 0 : i32
    %dma_start3A_155 = arith.constant 0 : i32
    %dma_start3A_156 = arith.constant 0 : i32
    %dma_start3A_157 = tpu.memref_slice %arg8[%dma_start3A_154, %dma_start3A_155, %dma_start3A_156] : memref<3x112x128xf32, #tpu.memory_space<vmem>> -> memref<1x64x128xf32, #tpu.memory_space<vmem>>
    %dma_start3A_158 = tpu.memref_squeeze %dma_start3A_157 : memref<1x64x128xf32, #tpu.memory_space<vmem>> -> memref<64x128xf32, #tpu.memory_space<vmem>>
    %dma_start3A_159 = arith.constant 0 : i32
    %dma_start3A_160 = tpu.memref_slice %arg9[%add3A_153, %dma_start3A_159] : memref<10240x128xf32, #tpu.memory_space<vmem_shared>> -> memref<64x128xf32, #tpu.memory_space<vmem_shared>>
    %dma_start3A_161 = arith.constant 0 : i32
    %dma_start3A_162 = tpu.memref_slice %arg9[%add3A_153, %dma_start3A_161] : memref<10240x128xf32, #tpu.memory_space<vmem_shared>> -> memref<64x128xf32, #tpu.memory_space<vmem_shared>>
    %dma_start3A_163 = arith.constant 0 : i32
    %dma_start3A_164 = arith.constant 0 : i32
    %dma_start3A_165 = tpu.memref_slice %arg8[%dma_start3A_154, %dma_start3A_163, %dma_start3A_164] : memref<3x112x128xf32, #tpu.memory_space<vmem>> -> memref<1x64x128xf32, #tpu.memory_space<vmem>>
    %dma_start3A_166 = tpu.memref_squeeze %dma_start3A_165 : memref<1x64x128xf32, #tpu.memory_space<vmem>> -> memref<64x128xf32, #tpu.memory_space<vmem>>
    tpu.enqueue_dma source(%dma_start3A_166 : memref<64x128xf32, #tpu.memory_space<vmem>>) target(%dma_start3A_162 : memref<64x128xf32, #tpu.memory_space<vmem_shared>>) target_semaphore(%arg11 : memref<!tpu.dma_semaphore, #tpu.memory_space<semaphore_mem>>)
    %add3A_167 = arith.constant 320 : i32
    %add3A_168 = arith.addi %mul3A_2, %add3A_167 : i32
    %dma_start3A_169 = arith.constant 0 : i32
    %dma_start3A_170 = arith.constant 0 : i32
    %dma_start3A_171 = arith.constant 0 : i32
    %dma_start3A_172 = tpu.memref_slice %arg8[%dma_start3A_169, %dma_start3A_170, %dma_start3A_171] : memref<3x112x128xf32, #tpu.memory_space<vmem>> -> memref<1x64x128xf32, #tpu.memory_space<vmem>>
    %dma_start3A_173 = tpu.memref_squeeze %dma_start3A_172 : memref<1x64x128xf32, #tpu.memory_space<vmem>> -> memref<64x128xf32, #tpu.memory_space<vmem>>
    %dma_start3A_174 = arith.constant 0 : i32
    %dma_start3A_175 = tpu.memref_slice %arg9[%add3A_168, %dma_start3A_174] : memref<10240x128xf32, #tpu.memory_space<vmem_shared>> -> memref<64x128xf32, #tpu.memory_space<vmem_shared>>
    %dma_start3A_176 = arith.constant 0 : i32
    %dma_start3A_177 = tpu.memref_slice %arg9[%add3A_168, %dma_start3A_176] : memref<10240x128xf32, #tpu.memory_space<vmem_shared>> -> memref<64x128xf32, #tpu.memory_space<vmem_shared>>
    %dma_start3A_178 = arith.constant 0 : i32
    %dma_start3A_179 = arith.constant 0 : i32
    %dma_start3A_180 = tpu.memref_slice %arg8[%dma_start3A_169, %dma_start3A_178, %dma_start3A_179] : memref<3x112x128xf32, #tpu.memory_space<vmem>> -> memref<1x64x128xf32, #tpu.memory_space<vmem>>
    %dma_start3A_181 = tpu.memref_squeeze %dma_start3A_180 : memref<1x64x128xf32, #tpu.memory_space<vmem>> -> memref<64x128xf32, #tpu.memory_space<vmem>>
    tpu.enqueue_dma source(%dma_start3A_181 : memref<64x128xf32, #tpu.memory_space<vmem>>) target(%dma_start3A_177 : memref<64x128xf32, #tpu.memory_space<vmem_shared>>) target_semaphore(%arg11 : memref<!tpu.dma_semaphore, #tpu.memory_space<semaphore_mem>>)
    %add3A_182 = arith.constant 384 : i32
    %add3A_183 = arith.addi %mul3A_2, %add3A_182 : i32
    %dma_start3A_184 = arith.constant 0 : i32
    %dma_start3A_185 = arith.constant 0 : i32
    %dma_start3A_186 = arith.constant 0 : i32
    %dma_start3A_187 = tpu.memref_slice %arg8[%dma_start3A_184, %dma_start3A_185, %dma_start3A_186] : memref<3x112x128xf32, #tpu.memory_space<vmem>> -> memref<1x64x128xf32, #tpu.memory_space<vmem>>
    %dma_start3A_188 = tpu.memref_squeeze %dma_start3A_187 : memref<1x64x128xf32, #tpu.memory_space<vmem>> -> memref<64x128xf32, #tpu.memory_space<vmem>>
    %dma_start3A_189 = arith.constant 0 : i32
    %dma_start3A_190 = tpu.memref_slice %arg9[%add3A_183, %dma_start3A_189] : memref<10240x128xf32, #tpu.memory_space<vmem_shared>> -> memref<64x128xf32, #tpu.memory_space<vmem_shared>>
    %dma_start3A_191 = arith.constant 0 : i32
    %dma_start3A_192 = tpu.memref_slice %arg9[%add3A_183, %dma_start3A_191] : memref<10240x128xf32, #tpu.memory_space<vmem_shared>> -> memref<64x128xf32, #tpu.memory_space<vmem_shared>>
    %dma_start3A_193 = arith.constant 0 : i32
    %dma_start3A_194 = arith.constant 0 : i32
    %dma_start3A_195 = tpu.memref_slice %arg8[%dma_start3A_184, %dma_start3A_193, %dma_start3A_194] : memref<3x112x128xf32, #tpu.memory_space<vmem>> -> memref<1x64x128xf32, #tpu.memory_space<vmem>>
    %dma_start3A_196 = tpu.memref_squeeze %dma_start3A_195 : memref<1x64x128xf32, #tpu.memory_space<vmem>> -> memref<64x128xf32, #tpu.memory_space<vmem>>
    tpu.enqueue_dma source(%dma_start3A_196 : memref<64x128xf32, #tpu.memory_space<vmem>>) target(%dma_start3A_192 : memref<64x128xf32, #tpu.memory_space<vmem_shared>>) target_semaphore(%arg11 : memref<!tpu.dma_semaphore, #tpu.memory_space<semaphore_mem>>)
    %add3A_197 = arith.constant 448 : i32
    %add3A_198 = arith.addi %mul3A_2, %add3A_197 : i32
    %dma_start3A_199 = arith.constant 0 : i32
    %dma_start3A_200 = arith.constant 0 : i32
    %dma_start3A_201 = arith.constant 0 : i32
    %dma_start3A_202 = tpu.memref_slice %arg8[%dma_start3A_199, %dma_start3A_200, %dma_start3A_201] : memref<3x112x128xf32, #tpu.memory_space<vmem>> -> memref<1x64x128xf32, #tpu.memory_space<vmem>>
    %dma_start3A_203 = tpu.memref_squeeze %dma_start3A_202 : memref<1x64x128xf32, #tpu.memory_space<vmem>> -> memref<64x128xf32, #tpu.memory_space<vmem>>
    %dma_start3A_204 = arith.constant 0 : i32
    %dma_start3A_205 = tpu.memref_slice %arg9[%add3A_198, %dma_start3A_204] : memref<10240x128xf32, #tpu.memory_space<vmem_shared>> -> memref<64x128xf32, #tpu.memory_space<vmem_shared>>
    %dma_start3A_206 = arith.constant 0 : i32
    %dma_start3A_207 = tpu.memref_slice %arg9[%add3A_198, %dma_start3A_206] : memref<10240x128xf32, #tpu.memory_space<vmem_shared>> -> memref<64x128xf32, #tpu.memory_space<vmem_shared>>
    %dma_start3A_208 = arith.constant 0 : i32
    %dma_start3A_209 = arith.constant 0 : i32
    %dma_start3A_210 = tpu.memref_slice %arg8[%dma_start3A_199, %dma_start3A_208, %dma_start3A_209] : memref<3x112x128xf32, #tpu.memory_space<vmem>> -> memref<1x64x128xf32, #tpu.memory_space<vmem>>
    %dma_start3A_211 = tpu.memref_squeeze %dma_start3A_210 : memref<1x64x128xf32, #tpu.memory_space<vmem>> -> memref<64x128xf32, #tpu.memory_space<vmem>>
    tpu.enqueue_dma source(%dma_start3A_211 : memref<64x128xf32, #tpu.memory_space<vmem>>) target(%dma_start3A_207 : memref<64x128xf32, #tpu.memory_space<vmem_shared>>) target_semaphore(%arg11 : memref<!tpu.dma_semaphore, #tpu.memory_space<semaphore_mem>>)
    %add3A_212 = arith.constant 512 : i32
    %add3A_213 = arith.addi %mul3A_2, %add3A_212 : i32
    %dma_start3A_214 = arith.constant 0 : i32
    %dma_start3A_215 = arith.constant 0 : i32
    %dma_start3A_216 = arith.constant 0 : i32
    %dma_start3A_217 = tpu.memref_slice %arg8[%dma_start3A_214, %dma_start3A_215, %dma_start3A_216] : memref<3x112x128xf32, #tpu.memory_space<vmem>> -> memref<1x64x128xf32, #tpu.memory_space<vmem>>
    %dma_start3A_218 = tpu.memref_squeeze %dma_start3A_217 : memref<1x64x128xf32, #tpu.memory_space<vmem>> -> memref<64x128xf32, #tpu.memory_space<vmem>>
    %dma_start3A_219 = arith.constant 0 : i32
    %dma_start3A_220 = tpu.memref_slice %arg9[%add3A_213, %dma_start3A_219] : memref<10240x128xf32, #tpu.memory_space<vmem_shared>> -> memref<64x128xf32, #tpu.memory_space<vmem_shared>>
    %dma_start3A_221 = arith.constant 0 : i32
    %dma_start3A_222 = tpu.memref_slice %arg9[%add3A_213, %dma_start3A_221] : memref<10240x128xf32, #tpu.memory_space<vmem_shared>> -> memref<64x128xf32, #tpu.memory_space<vmem_shared>>
    %dma_start3A_223 = arith.constant 0 : i32
    %dma_start3A_224 = arith.constant 0 : i32
    %dma_start3A_225 = tpu.memref_slice %arg8[%dma_start3A_214, %dma_start3A_223, %dma_start3A_224] : memref<3x112x128xf32, #tpu.memory_space<vmem>> -> memref<1x64x128xf32, #tpu.memory_space<vmem>>
    %dma_start3A_226 = tpu.memref_squeeze %dma_start3A_225 : memref<1x64x128xf32, #tpu.memory_space<vmem>> -> memref<64x128xf32, #tpu.memory_space<vmem>>
    tpu.enqueue_dma source(%dma_start3A_226 : memref<64x128xf32, #tpu.memory_space<vmem>>) target(%dma_start3A_222 : memref<64x128xf32, #tpu.memory_space<vmem_shared>>) target_semaphore(%arg11 : memref<!tpu.dma_semaphore, #tpu.memory_space<semaphore_mem>>)
    %add3A_227 = arith.constant 576 : i32
    %add3A_228 = arith.addi %mul3A_2, %add3A_227 : i32
    %dma_start3A_229 = arith.constant 0 : i32
    %dma_start3A_230 = arith.constant 0 : i32
    %dma_start3A_231 = arith.constant 0 : i32
    %dma_start3A_232 = tpu.memref_slice %arg8[%dma_start3A_229, %dma_start3A_230, %dma_start3A_231] : memref<3x112x128xf32, #tpu.memory_space<vmem>> -> memref<1x64x128xf32, #tpu.memory_space<vmem>>
    %dma_start3A_233 = tpu.memref_squeeze %dma_start3A_232 : memref<1x64x128xf32, #tpu.memory_space<vmem>> -> memref<64x128xf32, #tpu.memory_space<vmem>>
    %dma_start3A_234 = arith.constant 0 : i32
    %dma_start3A_235 = tpu.memref_slice %arg9[%add3A_228, %dma_start3A_234] : memref<10240x128xf32, #tpu.memory_space<vmem_shared>> -> memref<64x128xf32, #tpu.memory_space<vmem_shared>>
    %dma_start3A_236 = arith.constant 0 : i32
    %dma_start3A_237 = tpu.memref_slice %arg9[%add3A_228, %dma_start3A_236] : memref<10240x128xf32, #tpu.memory_space<vmem_shared>> -> memref<64x128xf32, #tpu.memory_space<vmem_shared>>
    %dma_start3A_238 = arith.constant 0 : i32
    %dma_start3A_239 = arith.constant 0 : i32
    %dma_start3A_240 = tpu.memref_slice %arg8[%dma_start3A_229, %dma_start3A_238, %dma_start3A_239] : memref<3x112x128xf32, #tpu.memory_space<vmem>> -> memref<1x64x128xf32, #tpu.memory_space<vmem>>
    %dma_start3A_241 = tpu.memref_squeeze %dma_start3A_240 : memref<1x64x128xf32, #tpu.memory_space<vmem>> -> memref<64x128xf32, #tpu.memory_space<vmem>>
    tpu.enqueue_dma source(%dma_start3A_241 : memref<64x128xf32, #tpu.memory_space<vmem>>) target(%dma_start3A_237 : memref<64x128xf32, #tpu.memory_space<vmem_shared>>) target_semaphore(%arg11 : memref<!tpu.dma_semaphore, #tpu.memory_space<semaphore_mem>>)
    %add3A_242 = arith.constant 0 : i32
    %add3A_243 = arith.addi %mul3A_2, %add3A_242 : i32
    %dma_wait3A = arith.constant 0 : i32
    %dma_wait3A_244 = arith.constant 0 : i32
    %dma_wait3A_245 = arith.constant 0 : i32
    %dma_wait3A_246 = tpu.memref_slice %arg8[%dma_wait3A, %dma_wait3A_244, %dma_wait3A_245] : memref<3x112x128xf32, #tpu.memory_space<vmem>> -> memref<1x64x128xf32, #tpu.memory_space<vmem>>
    %dma_wait3A_247 = tpu.memref_squeeze %dma_wait3A_246 : memref<1x64x128xf32, #tpu.memory_space<vmem>> -> memref<64x128xf32, #tpu.memory_space<vmem>>
    %dma_wait3A_248 = arith.constant 0 : i32
    %dma_wait3A_249 = tpu.memref_slice %arg9[%add3A_243, %dma_wait3A_248] : memref<10240x128xf32, #tpu.memory_space<vmem_shared>> -> memref<64x128xf32, #tpu.memory_space<vmem_shared>>
    %dma_wait3A_250 = arith.constant 0 : i32
    %dma_wait3A_251 = tpu.memref_slice %arg9[%add3A_243, %dma_wait3A_250] : memref<10240x128xf32, #tpu.memory_space<vmem_shared>> -> memref<64x128xf32, #tpu.memory_space<vmem_shared>>
    %dma_wait3A_252 = arith.constant 0 : i32
    %dma_wait3A_253 = arith.constant 0 : i32
    %dma_wait3A_254 = tpu.memref_slice %arg8[%dma_wait3A, %dma_wait3A_252, %dma_wait3A_253] : memref<3x112x128xf32, #tpu.memory_space<vmem>> -> memref<1x64x128xf32, #tpu.memory_space<vmem>>
    %dma_wait3A_255 = tpu.memref_squeeze %dma_wait3A_254 : memref<1x64x128xf32, #tpu.memory_space<vmem>> -> memref<64x128xf32, #tpu.memory_space<vmem>>
    tpu.wait_dma2 semaphore(%arg11 : memref<!tpu.dma_semaphore, #tpu.memory_space<semaphore_mem>>) src(%dma_wait3A_255 : memref<64x128xf32, #tpu.memory_space<vmem>>) dst(%dma_wait3A_251 : memref<64x128xf32, #tpu.memory_space<vmem_shared>>)
    %add3A_256 = arith.constant 64 : i32
    %add3A_257 = arith.addi %mul3A_2, %add3A_256 : i32
    %dma_wait3A_258 = arith.constant 0 : i32
    %dma_wait3A_259 = arith.constant 0 : i32
    %dma_wait3A_260 = arith.constant 0 : i32
    %dma_wait3A_261 = tpu.memref_slice %arg8[%dma_wait3A_258, %dma_wait3A_259, %dma_wait3A_260] : memref<3x112x128xf32, #tpu.memory_space<vmem>> -> memref<1x64x128xf32, #tpu.memory_space<vmem>>
    %dma_wait3A_262 = tpu.memref_squeeze %dma_wait3A_261 : memref<1x64x128xf32, #tpu.memory_space<vmem>> -> memref<64x128xf32, #tpu.memory_space<vmem>>
    %dma_wait3A_263 = arith.constant 0 : i32
    %dma_wait3A_264 = tpu.memref_slice %arg9[%add3A_257, %dma_wait3A_263] : memref<10240x128xf32, #tpu.memory_space<vmem_shared>> -> memref<64x128xf32, #tpu.memory_space<vmem_shared>>
    %dma_wait3A_265 = arith.constant 0 : i32
    %dma_wait3A_266 = tpu.memref_slice %arg9[%add3A_257, %dma_wait3A_265] : memref<10240x128xf32, #tpu.memory_space<vmem_shared>> -> memref<64x128xf32, #tpu.memory_space<vmem_shared>>
    %dma_wait3A_267 = arith.constant 0 : i32
    %dma_wait3A_268 = arith.constant 0 : i32
    %dma_wait3A_269 = tpu.memref_slice %arg8[%dma_wait3A_258, %dma_wait3A_267, %dma_wait3A_268] : memref<3x112x128xf32, #tpu.memory_space<vmem>> -> memref<1x64x128xf32, #tpu.memory_space<vmem>>
    %dma_wait3A_270 = tpu.memref_squeeze %dma_wait3A_269 : memref<1x64x128xf32, #tpu.memory_space<vmem>> -> memref<64x128xf32, #tpu.memory_space<vmem>>
    tpu.wait_dma2 semaphore(%arg11 : memref<!tpu.dma_semaphore, #tpu.memory_space<semaphore_mem>>) src(%dma_wait3A_270 : memref<64x128xf32, #tpu.memory_space<vmem>>) dst(%dma_wait3A_266 : memref<64x128xf32, #tpu.memory_space<vmem_shared>>)
    %add3A_271 = arith.constant 128 : i32
    %add3A_272 = arith.addi %mul3A_2, %add3A_271 : i32
    %dma_wait3A_273 = arith.constant 0 : i32
    %dma_wait3A_274 = arith.constant 0 : i32
    %dma_wait3A_275 = arith.constant 0 : i32
    %dma_wait3A_276 = tpu.memref_slice %arg8[%dma_wait3A_273, %dma_wait3A_274, %dma_wait3A_275] : memref<3x112x128xf32, #tpu.memory_space<vmem>> -> memref<1x64x128xf32, #tpu.memory_space<vmem>>
    %dma_wait3A_277 = tpu.memref_squeeze %dma_wait3A_276 : memref<1x64x128xf32, #tpu.memory_space<vmem>> -> memref<64x128xf32, #tpu.memory_space<vmem>>
    %dma_wait3A_278 = arith.constant 0 : i32
    %dma_wait3A_279 = tpu.memref_slice %arg9[%add3A_272, %dma_wait3A_278] : memref<10240x128xf32, #tpu.memory_space<vmem_shared>> -> memref<64x128xf32, #tpu.memory_space<vmem_shared>>
    %dma_wait3A_280 = arith.constant 0 : i32
    %dma_wait3A_281 = tpu.memref_slice %arg9[%add3A_272, %dma_wait3A_280] : memref<10240x128xf32, #tpu.memory_space<vmem_shared>> -> memref<64x128xf32, #tpu.memory_space<vmem_shared>>
    %dma_wait3A_282 = arith.constant 0 : i32
    %dma_wait3A_283 = arith.constant 0 : i32
    %dma_wait3A_284 = tpu.memref_slice %arg8[%dma_wait3A_273, %dma_wait3A_282, %dma_wait3A_283] : memref<3x112x128xf32, #tpu.memory_space<vmem>> -> memref<1x64x128xf32, #tpu.memory_space<vmem>>
    %dma_wait3A_285 = tpu.memref_squeeze %dma_wait3A_284 : memref<1x64x128xf32, #tpu.memory_space<vmem>> -> memref<64x128xf32, #tpu.memory_space<vmem>>
    tpu.wait_dma2 semaphore(%arg11 : memref<!tpu.dma_semaphore, #tpu.memory_space<semaphore_mem>>) src(%dma_wait3A_285 : memref<64x128xf32, #tpu.memory_space<vmem>>) dst(%dma_wait3A_281 : memref<64x128xf32, #tpu.memory_space<vmem_shared>>)
    %add3A_286 = arith.constant 192 : i32
    %add3A_287 = arith.addi %mul3A_2, %add3A_286 : i32
    %dma_wait3A_288 = arith.constant 0 : i32
    %dma_wait3A_289 = arith.constant 0 : i32
    %dma_wait3A_290 = arith.constant 0 : i32
    %dma_wait3A_291 = tpu.memref_slice %arg8[%dma_wait3A_288, %dma_wait3A_289, %dma_wait3A_290] : memref<3x112x128xf32, #tpu.memory_space<vmem>> -> memref<1x64x128xf32, #tpu.memory_space<vmem>>
    %dma_wait3A_292 = tpu.memref_squeeze %dma_wait3A_291 : memref<1x64x128xf32, #tpu.memory_space<vmem>> -> memref<64x128xf32, #tpu.memory_space<vmem>>
    %dma_wait3A_293 = arith.constant 0 : i32
    %dma_wait3A_294 = tpu.memref_slice %arg9[%add3A_287, %dma_wait3A_293] : memref<10240x128xf32, #tpu.memory_space<vmem_shared>> -> memref<64x128xf32, #tpu.memory_space<vmem_shared>>
    %dma_wait3A_295 = arith.constant 0 : i32
    %dma_wait3A_296 = tpu.memref_slice %arg9[%add3A_287, %dma_wait3A_295] : memref<10240x128xf32, #tpu.memory_space<vmem_shared>> -> memref<64x128xf32, #tpu.memory_space<vmem_shared>>
    %dma_wait3A_297 = arith.constant 0 : i32
    %dma_wait3A_298 = arith.constant 0 : i32
    %dma_wait3A_299 = tpu.memref_slice %arg8[%dma_wait3A_288, %dma_wait3A_297, %dma_wait3A_298] : memref<3x112x128xf32, #tpu.memory_space<vmem>> -> memref<1x64x128xf32, #tpu.memory_space<vmem>>
    %dma_wait3A_300 = tpu.memref_squeeze %dma_wait3A_299 : memref<1x64x128xf32, #tpu.memory_space<vmem>> -> memref<64x128xf32, #tpu.memory_space<vmem>>
    tpu.wait_dma2 semaphore(%arg11 : memref<!tpu.dma_semaphore, #tpu.memory_space<semaphore_mem>>) src(%dma_wait3A_300 : memref<64x128xf32, #tpu.memory_space<vmem>>) dst(%dma_wait3A_296 : memref<64x128xf32, #tpu.memory_space<vmem_shared>>)
    %add3A_301 = arith.constant 256 : i32
    %add3A_302 = arith.addi %mul3A_2, %add3A_301 : i32
    %dma_wait3A_303 = arith.constant 0 : i32
    %dma_wait3A_304 = arith.constant 0 : i32
    %dma_wait3A_305 = arith.constant 0 : i32
    %dma_wait3A_306 = tpu.memref_slice %arg8[%dma_wait3A_303, %dma_wait3A_304, %dma_wait3A_305] : memref<3x112x128xf32, #tpu.memory_space<vmem>> -> memref<1x64x128xf32, #tpu.memory_space<vmem>>
    %dma_wait3A_307 = tpu.memref_squeeze %dma_wait3A_306 : memref<1x64x128xf32, #tpu.memory_space<vmem>> -> memref<64x128xf32, #tpu.memory_space<vmem>>
    %dma_wait3A_308 = arith.constant 0 : i32
    %dma_wait3A_309 = tpu.memref_slice %arg9[%add3A_302, %dma_wait3A_308] : memref<10240x128xf32, #tpu.memory_space<vmem_shared>> -> memref<64x128xf32, #tpu.memory_space<vmem_shared>>
    %dma_wait3A_310 = arith.constant 0 : i32
    %dma_wait3A_311 = tpu.memref_slice %arg9[%add3A_302, %dma_wait3A_310] : memref<10240x128xf32, #tpu.memory_space<vmem_shared>> -> memref<64x128xf32, #tpu.memory_space<vmem_shared>>
    %dma_wait3A_312 = arith.constant 0 : i32
    %dma_wait3A_313 = arith.constant 0 : i32
    %dma_wait3A_314 = tpu.memref_slice %arg8[%dma_wait3A_303, %dma_wait3A_312, %dma_wait3A_313] : memref<3x112x128xf32, #tpu.memory_space<vmem>> -> memref<1x64x128xf32, #tpu.memory_space<vmem>>
    %dma_wait3A_315 = tpu.memref_squeeze %dma_wait3A_314 : memref<1x64x128xf32, #tpu.memory_space<vmem>> -> memref<64x128xf32, #tpu.memory_space<vmem>>
    tpu.wait_dma2 semaphore(%arg11 : memref<!tpu.dma_semaphore, #tpu.memory_space<semaphore_mem>>) src(%dma_wait3A_315 : memref<64x128xf32, #tpu.memory_space<vmem>>) dst(%dma_wait3A_311 : memref<64x128xf32, #tpu.memory_space<vmem_shared>>)
    %add3A_316 = arith.constant 320 : i32
    %add3A_317 = arith.addi %mul3A_2, %add3A_316 : i32
    %dma_wait3A_318 = arith.constant 0 : i32
    %dma_wait3A_319 = arith.constant 0 : i32
    %dma_wait3A_320 = arith.constant 0 : i32
    %dma_wait3A_321 = tpu.memref_slice %arg8[%dma_wait3A_318, %dma_wait3A_319, %dma_wait3A_320] : memref<3x112x128xf32, #tpu.memory_space<vmem>> -> memref<1x64x128xf32, #tpu.memory_space<vmem>>
    %dma_wait3A_322 = tpu.memref_squeeze %dma_wait3A_321 : memref<1x64x128xf32, #tpu.memory_space<vmem>> -> memref<64x128xf32, #tpu.memory_space<vmem>>
    %dma_wait3A_323 = arith.constant 0 : i32
    %dma_wait3A_324 = tpu.memref_slice %arg9[%add3A_317, %dma_wait3A_323] : memref<10240x128xf32, #tpu.memory_space<vmem_shared>> -> memref<64x128xf32, #tpu.memory_space<vmem_shared>>
    %dma_wait3A_325 = arith.constant 0 : i32
    %dma_wait3A_326 = tpu.memref_slice %arg9[%add3A_317, %dma_wait3A_325] : memref<10240x128xf32, #tpu.memory_space<vmem_shared>> -> memref<64x128xf32, #tpu.memory_space<vmem_shared>>
    %dma_wait3A_327 = arith.constant 0 : i32
    %dma_wait3A_328 = arith.constant 0 : i32
    %dma_wait3A_329 = tpu.memref_slice %arg8[%dma_wait3A_318, %dma_wait3A_327, %dma_wait3A_328] : memref<3x112x128xf32, #tpu.memory_space<vmem>> -> memref<1x64x128xf32, #tpu.memory_space<vmem>>
    %dma_wait3A_330 = tpu.memref_squeeze %dma_wait3A_329 : memref<1x64x128xf32, #tpu.memory_space<vmem>> -> memref<64x128xf32, #tpu.memory_space<vmem>>
    tpu.wait_dma2 semaphore(%arg11 : memref<!tpu.dma_semaphore, #tpu.memory_space<semaphore_mem>>) src(%dma_wait3A_330 : memref<64x128xf32, #tpu.memory_space<vmem>>) dst(%dma_wait3A_326 : memref<64x128xf32, #tpu.memory_space<vmem_shared>>)
    %add3A_331 = arith.constant 384 : i32
    %add3A_332 = arith.addi %mul3A_2, %add3A_331 : i32
    %dma_wait3A_333 = arith.constant 0 : i32
    %dma_wait3A_334 = arith.constant 0 : i32
    %dma_wait3A_335 = arith.constant 0 : i32
    %dma_wait3A_336 = tpu.memref_slice %arg8[%dma_wait3A_333, %dma_wait3A_334, %dma_wait3A_335] : memref<3x112x128xf32, #tpu.memory_space<vmem>> -> memref<1x64x128xf32, #tpu.memory_space<vmem>>
    %dma_wait3A_337 = tpu.memref_squeeze %dma_wait3A_336 : memref<1x64x128xf32, #tpu.memory_space<vmem>> -> memref<64x128xf32, #tpu.memory_space<vmem>>
    %dma_wait3A_338 = arith.constant 0 : i32
    %dma_wait3A_339 = tpu.memref_slice %arg9[%add3A_332, %dma_wait3A_338] : memref<10240x128xf32, #tpu.memory_space<vmem_shared>> -> memref<64x128xf32, #tpu.memory_space<vmem_shared>>
    %dma_wait3A_340 = arith.constant 0 : i32
    %dma_wait3A_341 = tpu.memref_slice %arg9[%add3A_332, %dma_wait3A_340] : memref<10240x128xf32, #tpu.memory_space<vmem_shared>> -> memref<64x128xf32, #tpu.memory_space<vmem_shared>>
    %dma_wait3A_342 = arith.constant 0 : i32
    %dma_wait3A_343 = arith.constant 0 : i32
    %dma_wait3A_344 = tpu.memref_slice %arg8[%dma_wait3A_333, %dma_wait3A_342, %dma_wait3A_343] : memref<3x112x128xf32, #tpu.memory_space<vmem>> -> memref<1x64x128xf32, #tpu.memory_space<vmem>>
    %dma_wait3A_345 = tpu.memref_squeeze %dma_wait3A_344 : memref<1x64x128xf32, #tpu.memory_space<vmem>> -> memref<64x128xf32, #tpu.memory_space<vmem>>
    tpu.wait_dma2 semaphore(%arg11 : memref<!tpu.dma_semaphore, #tpu.memory_space<semaphore_mem>>) src(%dma_wait3A_345 : memref<64x128xf32, #tpu.memory_space<vmem>>) dst(%dma_wait3A_341 : memref<64x128xf32, #tpu.memory_space<vmem_shared>>)
    %add3A_346 = arith.constant 448 : i32
    %add3A_347 = arith.addi %mul3A_2, %add3A_346 : i32
    %dma_wait3A_348 = arith.constant 0 : i32
    %dma_wait3A_349 = arith.constant 0 : i32
    %dma_wait3A_350 = arith.constant 0 : i32
    %dma_wait3A_351 = tpu.memref_slice %arg8[%dma_wait3A_348, %dma_wait3A_349, %dma_wait3A_350] : memref<3x112x128xf32, #tpu.memory_space<vmem>> -> memref<1x64x128xf32, #tpu.memory_space<vmem>>
    %dma_wait3A_352 = tpu.memref_squeeze %dma_wait3A_351 : memref<1x64x128xf32, #tpu.memory_space<vmem>> -> memref<64x128xf32, #tpu.memory_space<vmem>>
    %dma_wait3A_353 = arith.constant 0 : i32
    %dma_wait3A_354 = tpu.memref_slice %arg9[%add3A_347, %dma_wait3A_353] : memref<10240x128xf32, #tpu.memory_space<vmem_shared>> -> memref<64x128xf32, #tpu.memory_space<vmem_shared>>
    %dma_wait3A_355 = arith.constant 0 : i32
    %dma_wait3A_356 = tpu.memref_slice %arg9[%add3A_347, %dma_wait3A_355] : memref<10240x128xf32, #tpu.memory_space<vmem_shared>> -> memref<64x128xf32, #tpu.memory_space<vmem_shared>>
    %dma_wait3A_357 = arith.constant 0 : i32
    %dma_wait3A_358 = arith.constant 0 : i32
    %dma_wait3A_359 = tpu.memref_slice %arg8[%dma_wait3A_348, %dma_wait3A_357, %dma_wait3A_358] : memref<3x112x128xf32, #tpu.memory_space<vmem>> -> memref<1x64x128xf32, #tpu.memory_space<vmem>>
    %dma_wait3A_360 = tpu.memref_squeeze %dma_wait3A_359 : memref<1x64x128xf32, #tpu.memory_space<vmem>> -> memref<64x128xf32, #tpu.memory_space<vmem>>
    tpu.wait_dma2 semaphore(%arg11 : memref<!tpu.dma_semaphore, #tpu.memory_space<semaphore_mem>>) src(%dma_wait3A_360 : memref<64x128xf32, #tpu.memory_space<vmem>>) dst(%dma_wait3A_356 : memref<64x128xf32, #tpu.memory_space<vmem_shared>>)
    %add3A_361 = arith.constant 512 : i32
    %add3A_362 = arith.addi %mul3A_2, %add3A_361 : i32
    %dma_wait3A_363 = arith.constant 0 : i32
    %dma_wait3A_364 = arith.constant 0 : i32
    %dma_wait3A_365 = arith.constant 0 : i32
    %dma_wait3A_366 = tpu.memref_slice %arg8[%dma_wait3A_363, %dma_wait3A_364, %dma_wait3A_365] : memref<3x112x128xf32, #tpu.memory_space<vmem>> -> memref<1x64x128xf32, #tpu.memory_space<vmem>>
    %dma_wait3A_367 = tpu.memref_squeeze %dma_wait3A_366 : memref<1x64x128xf32, #tpu.memory_space<vmem>> -> memref<64x128xf32, #tpu.memory_space<vmem>>
    %dma_wait3A_368 = arith.constant 0 : i32
    %dma_wait3A_369 = tpu.memref_slice %arg9[%add3A_362, %dma_wait3A_368] : memref<10240x128xf32, #tpu.memory_space<vmem_shared>> -> memref<64x128xf32, #tpu.memory_space<vmem_shared>>
    %dma_wait3A_370 = arith.constant 0 : i32
    %dma_wait3A_371 = tpu.memref_slice %arg9[%add3A_362, %dma_wait3A_370] : memref<10240x128xf32, #tpu.memory_space<vmem_shared>> -> memref<64x128xf32, #tpu.memory_space<vmem_shared>>
    %dma_wait3A_372 = arith.constant 0 : i32
    %dma_wait3A_373 = arith.constant 0 : i32
    %dma_wait3A_374 = tpu.memref_slice %arg8[%dma_wait3A_363, %dma_wait3A_372, %dma_wait3A_373] : memref<3x112x128xf32, #tpu.memory_space<vmem>> -> memref<1x64x128xf32, #tpu.memory_space<vmem>>
    %dma_wait3A_375 = tpu.memref_squeeze %dma_wait3A_374 : memref<1x64x128xf32, #tpu.memory_space<vmem>> -> memref<64x128xf32, #tpu.memory_space<vmem>>
    tpu.wait_dma2 semaphore(%arg11 : memref<!tpu.dma_semaphore, #tpu.memory_space<semaphore_mem>>) src(%dma_wait3A_375 : memref<64x128xf32, #tpu.memory_space<vmem>>) dst(%dma_wait3A_371 : memref<64x128xf32, #tpu.memory_space<vmem_shared>>)
    %add3A_376 = arith.constant 576 : i32
    %add3A_377 = arith.addi %mul3A_2, %add3A_376 : i32
    %dma_wait3A_378 = arith.constant 0 : i32
    %dma_wait3A_379 = arith.constant 0 : i32
    %dma_wait3A_380 = arith.constant 0 : i32
    %dma_wait3A_381 = tpu.memref_slice %arg8[%dma_wait3A_378, %dma_wait3A_379, %dma_wait3A_380] : memref<3x112x128xf32, #tpu.memory_space<vmem>> -> memref<1x64x128xf32, #tpu.memory_space<vmem>>
    %dma_wait3A_382 = tpu.memref_squeeze %dma_wait3A_381 : memref<1x64x128xf32, #tpu.memory_space<vmem>> -> memref<64x128xf32, #tpu.memory_space<vmem>>
    %dma_wait3A_383 = arith.constant 0 : i32
    %dma_wait3A_384 = tpu.memref_slice %arg9[%add3A_377, %dma_wait3A_383] : memref<10240x128xf32, #tpu.memory_space<vmem_shared>> -> memref<64x128xf32, #tpu.memory_space<vmem_shared>>
    %dma_wait3A_385 = arith.constant 0 : i32
    %dma_wait3A_386 = tpu.memref_slice %arg9[%add3A_377, %dma_wait3A_385] : memref<10240x128xf32, #tpu.memory_space<vmem_shared>> -> memref<64x128xf32, #tpu.memory_space<vmem_shared>>
    %dma_wait3A_387 = arith.constant 0 : i32
    %dma_wait3A_388 = arith.constant 0 : i32
    %dma_wait3A_389 = tpu.memref_slice %arg8[%dma_wait3A_378, %dma_wait3A_387, %dma_wait3A_388] : memref<3x112x128xf32, #tpu.memory_space<vmem>> -> memref<1x64x128xf32, #tpu.memory_space<vmem>>
    %dma_wait3A_390 = tpu.memref_squeeze %dma_wait3A_389 : memref<1x64x128xf32, #tpu.memory_space<vmem>> -> memref<64x128xf32, #tpu.memory_space<vmem>>
    tpu.wait_dma2 semaphore(%arg11 : memref<!tpu.dma_semaphore, #tpu.memory_space<semaphore_mem>>) src(%dma_wait3A_390 : memref<64x128xf32, #tpu.memory_space<vmem>>) dst(%dma_wait3A_386 : memref<64x128xf32, #tpu.memory_space<vmem_shared>>)
    %barrier3A = arith.constant 0 : index
    tpu.barrier barrier_id(%barrier3A)
    %dma_wait3A_391 = arith.constant 0 : i32
    %dma_wait3A_392 = arith.constant 0 : i32
    %dma_wait3A_393 = arith.constant 0 : i32
    %dma_wait3A_394 = tpu.memref_slice %arg6[%dma_wait3A_392, %dma_wait3A_393] : memref<8x112xi32, #tpu.memory_space<vmem>> -> memref<1x112xi32, #tpu.memory_space<vmem>>
    %dma_wait3A_395 = tpu.memref_squeeze %dma_wait3A_394 : memref<1x112xi32, #tpu.memory_space<vmem>> -> memref<112xi32, #tpu.memory_space<vmem>>
    %dma_wait3A_396 = arith.constant 0 : i32
    %dma_wait3A_397 = tpu.memref_slice %arg3[%add3A, %dma_wait3A_391, %dma_wait3A_396] : memref<32x90x112xi32, #tpu.memory_space<hbm>> -> memref<1x1x112xi32, #tpu.memory_space<hbm>>
    %dma_wait3A_398 = tpu.memref_squeeze %dma_wait3A_397 : memref<1x1x112xi32, #tpu.memory_space<hbm>> -> memref<112xi32, #tpu.memory_space<hbm>>
    %dma_wait3A_399 = arith.constant 0 : i32
    %dma_wait3A_400 = tpu.memref_slice %arg6[%dma_wait3A_392, %dma_wait3A_399] : memref<8x112xi32, #tpu.memory_space<vmem>> -> memref<1x112xi32, #tpu.memory_space<vmem>>
    %dma_wait3A_401 = tpu.memref_squeeze %dma_wait3A_400 : memref<1x112xi32, #tpu.memory_space<vmem>> -> memref<112xi32, #tpu.memory_space<vmem>>
    %dma_wait3A_402 = arith.constant 0 : i32
    %dma_wait3A_403 = tpu.memref_slice %arg3[%add3A, %dma_wait3A_391, %dma_wait3A_402] : memref<32x90x112xi32, #tpu.memory_space<hbm>> -> memref<1x1x112xi32, #tpu.memory_space<hbm>>
    %dma_wait3A_404 = tpu.memref_squeeze %dma_wait3A_403 : memref<1x1x112xi32, #tpu.memory_space<hbm>> -> memref<112xi32, #tpu.memory_space<hbm>>
    tpu.wait_dma2 semaphore(%arg12 : memref<!tpu.dma_semaphore, #tpu.memory_space<semaphore_mem>>) src(%dma_wait3A_404 : memref<112xi32, #tpu.memory_space<hbm>>) dst(%dma_wait3A_401 : memref<112xi32, #tpu.memory_space<vmem>>)
    %dma_start3A_405 = arith.constant 0 : i32
    %dma_start3A_406 = arith.constant 0 : i32
    %dma_start3A_407 = arith.constant 0 : i32
    %dma_start3A_408 = arith.constant 0 : i32
    %dma_start3A_409 = tpu.memref_slice %arg8[%dma_start3A_406, %dma_start3A_407, %dma_start3A_408] : memref<3x112x128xf32, #tpu.memory_space<vmem>> -> memref<1x112x128xf32, #tpu.memory_space<vmem>>
    %dma_start3A_410 = tpu.memref_squeeze %dma_start3A_409 : memref<1x112x128xf32, #tpu.memory_space<vmem>> -> memref<112x128xf32, #tpu.memory_space<vmem>>
    %dma_start3A_411 = arith.constant 0 : i32
    %dma_start3A_412 = tpu.memref_slice %arg6[%dma_start3A_405, %dma_start3A_411] : memref<8x112xi32, #tpu.memory_space<vmem>> -> memref<1x112xi32, #tpu.memory_space<vmem>>
    %dma_start3A_413 = tpu.memref_squeeze %dma_start3A_412 : memref<1x112xi32, #tpu.memory_space<vmem>> -> memref<112xi32, #tpu.memory_space<vmem>>
    %dma_start3A_414 = arith.constant 0 : i32
    %dma_start3A_415 = arith.constant 0 : i32
    %dma_start3A_416 = tpu.memref_slice %arg2[%dma_start3A_414, %dma_start3A_415] : memref<10000x128xf32, #tpu.memory_space<hbm>> -> memref<10000x128xf32, #tpu.memory_space<hbm>>
    tpu.enqueue_indirect_dma source(%dma_start3A_416 : memref<10000x128xf32, #tpu.memory_space<hbm>>) target(%dma_start3A_410 : memref<112x128xf32, #tpu.memory_space<vmem>>) offsets(%dma_start3A_413 : memref<112xi32, #tpu.memory_space<vmem>>) semaphore(%arg10 : memref<!tpu.dma_semaphore, #tpu.memory_space<semaphore_mem>>)
    %scan3A_417 = arith.constant 0 : i32
    %scan3A_418 = arith.constant 0 : i32
    %scan3A_419 = arith.constant 90 : i32
    %scan3A_420 = arith.addi %scan3A_418, %scan3A_419 : i32
    %scan3A_421 = arith.constant 1 : i32
    scf.for %scan3A_448 = %scan3A_418 to %scan3A_420 step %scan3A_421  : i32 {
      %rem3A = arith.constant 3 : i32
      %rem3A_449 = arith.remsi %scan3A_448, %rem3A : i32
      %rem3A_450 = arith.constant 8 : i32
      %rem3A_451 = arith.remsi %scan3A_448, %rem3A_450 : i32
      %dma_wait3A_452 = arith.constant 0 : i32
      %dma_wait3A_453 = arith.constant 0 : i32
      %dma_wait3A_454 = tpu.memref_slice %arg8[%rem3A_449, %dma_wait3A_452, %dma_wait3A_453] : memref<3x112x128xf32, #tpu.memory_space<vmem>> -> memref<1x112x128xf32, #tpu.memory_space<vmem>>
      %dma_wait3A_455 = tpu.memref_squeeze %dma_wait3A_454 : memref<1x112x128xf32, #tpu.memory_space<vmem>> -> memref<112x128xf32, #tpu.memory_space<vmem>>
      %dma_wait3A_456 = arith.constant 0 : i32
      %dma_wait3A_457 = tpu.memref_slice %arg6[%rem3A_451, %dma_wait3A_456] : memref<8x112xi32, #tpu.memory_space<vmem>> -> memref<1x112xi32, #tpu.memory_space<vmem>>
      %dma_wait3A_458 = tpu.memref_squeeze %dma_wait3A_457 : memref<1x112xi32, #tpu.memory_space<vmem>> -> memref<112xi32, #tpu.memory_space<vmem>>
      %dma_wait3A_459 = arith.constant 0 : i32
      %dma_wait3A_460 = arith.constant 0 : i32
      %dma_wait3A_461 = tpu.memref_slice %arg2[%dma_wait3A_459, %dma_wait3A_460] : memref<10000x128xf32, #tpu.memory_space<hbm>> -> memref<10000x128xf32, #tpu.memory_space<hbm>>
      tpu.wait_indirect_dma semaphore(%arg10 : memref<!tpu.dma_semaphore, #tpu.memory_space<semaphore_mem>>) src(%dma_wait3A_461 : memref<10000x128xf32, #tpu.memory_space<hbm>>) dst(%dma_wait3A_455 : memref<112x128xf32, #tpu.memory_space<vmem>>)
      %ge3A = arith.constant 2 : i32
      %ge3A_462 = arith.cmpi sge, %scan3A_448, %ge3A : i32
      %convert_element_type3A = arith.extui %ge3A_462 : i1 to i32
      %cond3A = arith.constant 0 : i32
      %cond3A_463 = arith.cmpi ne, %convert_element_type3A, %cond3A : i32
      scf.if %cond3A_463 {
        %add3A_499 = arith.constant 1 : i32
        %add3A_500 = arith.addi %scan3A_448, %add3A_499 : i32
        %rem3A_501 = arith.constant 3 : i32
        %rem3A_502 = arith.remsi %add3A_500, %rem3A_501 : i32
        %sub3A = arith.constant 2 : i32
        %sub3A_503 = arith.subi %scan3A_448, %sub3A : i32
        %rem3A_504 = arith.constant 8 : i32
        %rem3A_505 = arith.remsi %sub3A_503, %rem3A_504 : i32
        %dma_wait3A_506 = arith.constant 0 : i32
        %dma_wait3A_507 = arith.constant 0 : i32
        %dma_wait3A_508 = tpu.memref_slice %arg8[%rem3A_502, %dma_wait3A_506, %dma_wait3A_507] : memref<3x112x128xf32, #tpu.memory_space<vmem>> -> memref<1x112x128xf32, #tpu.memory_space<vmem>>
        %dma_wait3A_509 = tpu.memref_squeeze %dma_wait3A_508 : memref<1x112x128xf32, #tpu.memory_space<vmem>> -> memref<112x128xf32, #tpu.memory_space<vmem>>
        %dma_wait3A_510 = arith.constant 0 : i32
        %dma_wait3A_511 = tpu.memref_slice %arg7[%rem3A_505, %dma_wait3A_510] : memref<8x112xi32, #tpu.memory_space<vmem>> -> memref<1x112xi32, #tpu.memory_space<vmem>>
        %dma_wait3A_512 = tpu.memref_squeeze %dma_wait3A_511 : memref<1x112xi32, #tpu.memory_space<vmem>> -> memref<112xi32, #tpu.memory_space<vmem>>
        %dma_wait3A_513 = arith.constant 0 : i32
        %dma_wait3A_514 = arith.constant 0 : i32
        %dma_wait3A_515 = tpu.memref_slice %arg9[%dma_wait3A_513, %dma_wait3A_514] : memref<10240x128xf32, #tpu.memory_space<vmem_shared>> -> memref<10240x128xf32, #tpu.memory_space<vmem_shared>>
        tpu.wait_indirect_dma semaphore(%arg11 : memref<!tpu.dma_semaphore, #tpu.memory_space<semaphore_mem>>) src(%dma_wait3A_509 : memref<112x128xf32, #tpu.memory_space<vmem>>) dst(%dma_wait3A_515 : memref<10240x128xf32, #tpu.memory_space<vmem_shared>>)
      } else {
      }
      %add3A_464 = arith.constant 1 : i32
      %add3A_465 = arith.addi %scan3A_448, %add3A_464 : i32
      %lt3A = arith.constant 90 : i32
      %lt3A_466 = arith.cmpi slt, %add3A_465, %lt3A : i32
      %convert_element_type3A_467 = arith.extui %lt3A_466 : i1 to i32
      %cond3A_468 = arith.constant 0 : i32
      %cond3A_469 = arith.cmpi ne, %convert_element_type3A_467, %cond3A_468 : i32
      scf.if %cond3A_469 {
        %add3A_499 = arith.constant 1 : i32
        %add3A_500 = arith.addi %scan3A_448, %add3A_499 : i32
        %rem3A_501 = arith.constant 8 : i32
        %rem3A_502 = arith.remsi %add3A_500, %rem3A_501 : i32
        %add3A_503 = arith.constant 1 : i32
        %add3A_504 = arith.addi %scan3A_448, %add3A_503 : i32
        %dma_wait3A_505 = arith.constant 0 : i32
        %dma_wait3A_506 = tpu.memref_slice %arg6[%rem3A_502, %dma_wait3A_505] : memref<8x112xi32, #tpu.memory_space<vmem>> -> memref<1x112xi32, #tpu.memory_space<vmem>>
        %dma_wait3A_507 = tpu.memref_squeeze %dma_wait3A_506 : memref<1x112xi32, #tpu.memory_space<vmem>> -> memref<112xi32, #tpu.memory_space<vmem>>
        %dma_wait3A_508 = arith.constant 0 : i32
        %dma_wait3A_509 = tpu.memref_slice %arg3[%add3A, %add3A_504, %dma_wait3A_508] : memref<32x90x112xi32, #tpu.memory_space<hbm>> -> memref<1x1x112xi32, #tpu.memory_space<hbm>>
        %dma_wait3A_510 = tpu.memref_squeeze %dma_wait3A_509 : memref<1x1x112xi32, #tpu.memory_space<hbm>> -> memref<112xi32, #tpu.memory_space<hbm>>
        %dma_wait3A_511 = arith.constant 0 : i32
        %dma_wait3A_512 = tpu.memref_slice %arg6[%rem3A_502, %dma_wait3A_511] : memref<8x112xi32, #tpu.memory_space<vmem>> -> memref<1x112xi32, #tpu.memory_space<vmem>>
        %dma_wait3A_513 = tpu.memref_squeeze %dma_wait3A_512 : memref<1x112xi32, #tpu.memory_space<vmem>> -> memref<112xi32, #tpu.memory_space<vmem>>
        %dma_wait3A_514 = arith.constant 0 : i32
        %dma_wait3A_515 = tpu.memref_slice %arg3[%add3A, %add3A_504, %dma_wait3A_514] : memref<32x90x112xi32, #tpu.memory_space<hbm>> -> memref<1x1x112xi32, #tpu.memory_space<hbm>>
        %dma_wait3A_516 = tpu.memref_squeeze %dma_wait3A_515 : memref<1x1x112xi32, #tpu.memory_space<hbm>> -> memref<112xi32, #tpu.memory_space<hbm>>
        tpu.wait_dma2 semaphore(%arg12 : memref<!tpu.dma_semaphore, #tpu.memory_space<semaphore_mem>>) src(%dma_wait3A_516 : memref<112xi32, #tpu.memory_space<hbm>>) dst(%dma_wait3A_513 : memref<112xi32, #tpu.memory_space<vmem>>)
        %add3A_517 = arith.constant 1 : i32
        %add3A_518 = arith.addi %scan3A_448, %add3A_517 : i32
        %rem3A_519 = arith.constant 3 : i32
        %rem3A_520 = arith.remsi %add3A_518, %rem3A_519 : i32
        %dma_start3A_521 = arith.constant 0 : i32
        %dma_start3A_522 = arith.constant 0 : i32
        %dma_start3A_523 = tpu.memref_slice %arg8[%rem3A_520, %dma_start3A_521, %dma_start3A_522] : memref<3x112x128xf32, #tpu.memory_space<vmem>> -> memref<1x112x128xf32, #tpu.memory_space<vmem>>
        %dma_start3A_524 = tpu.memref_squeeze %dma_start3A_523 : memref<1x112x128xf32, #tpu.memory_space<vmem>> -> memref<112x128xf32, #tpu.memory_space<vmem>>
        %dma_start3A_525 = arith.constant 0 : i32
        %dma_start3A_526 = tpu.memref_slice %arg6[%rem3A_502, %dma_start3A_525] : memref<8x112xi32, #tpu.memory_space<vmem>> -> memref<1x112xi32, #tpu.memory_space<vmem>>
        %dma_start3A_527 = tpu.memref_squeeze %dma_start3A_526 : memref<1x112xi32, #tpu.memory_space<vmem>> -> memref<112xi32, #tpu.memory_space<vmem>>
        %dma_start3A_528 = arith.constant 0 : i32
        %dma_start3A_529 = arith.constant 0 : i32
        %dma_start3A_530 = tpu.memref_slice %arg2[%dma_start3A_528, %dma_start3A_529] : memref<10000x128xf32, #tpu.memory_space<hbm>> -> memref<10000x128xf32, #tpu.memory_space<hbm>>
        tpu.enqueue_indirect_dma source(%dma_start3A_530 : memref<10000x128xf32, #tpu.memory_space<hbm>>) target(%dma_start3A_524 : memref<112x128xf32, #tpu.memory_space<vmem>>) offsets(%dma_start3A_527 : memref<112xi32, #tpu.memory_space<vmem>>) semaphore(%arg10 : memref<!tpu.dma_semaphore, #tpu.memory_space<semaphore_mem>>)
      } else {
      }
      %dma_wait3A_470 = arith.constant 0 : i32
      %dma_wait3A_471 = tpu.memref_slice %arg7[%rem3A_451, %dma_wait3A_470] : memref<8x112xi32, #tpu.memory_space<vmem>> -> memref<1x112xi32, #tpu.memory_space<vmem>>
      %dma_wait3A_472 = tpu.memref_squeeze %dma_wait3A_471 : memref<1x112xi32, #tpu.memory_space<vmem>> -> memref<112xi32, #tpu.memory_space<vmem>>
      %dma_wait3A_473 = arith.constant 0 : i32
      %dma_wait3A_474 = tpu.memref_slice %arg4[%add3A, %scan3A_448, %dma_wait3A_473] : memref<32x90x112xi32, #tpu.memory_space<hbm>> -> memref<1x1x112xi32, #tpu.memory_space<hbm>>
      %dma_wait3A_475 = tpu.memref_squeeze %dma_wait3A_474 : memref<1x1x112xi32, #tpu.memory_space<hbm>> -> memref<112xi32, #tpu.memory_space<hbm>>
      %dma_wait3A_476 = arith.constant 0 : i32
      %dma_wait3A_477 = tpu.memref_slice %arg7[%rem3A_451, %dma_wait3A_476] : memref<8x112xi32, #tpu.memory_space<vmem>> -> memref<1x112xi32, #tpu.memory_space<vmem>>
      %dma_wait3A_478 = tpu.memref_squeeze %dma_wait3A_477 : memref<1x112xi32, #tpu.memory_space<vmem>> -> memref<112xi32, #tpu.memory_space<vmem>>
      %dma_wait3A_479 = arith.constant 0 : i32
      %dma_wait3A_480 = tpu.memref_slice %arg4[%add3A, %scan3A_448, %dma_wait3A_479] : memref<32x90x112xi32, #tpu.memory_space<hbm>> -> memref<1x1x112xi32, #tpu.memory_space<hbm>>
      %dma_wait3A_481 = tpu.memref_squeeze %dma_wait3A_480 : memref<1x1x112xi32, #tpu.memory_space<hbm>> -> memref<112xi32, #tpu.memory_space<hbm>>
      tpu.wait_dma2 semaphore(%arg13 : memref<!tpu.dma_semaphore, #tpu.memory_space<semaphore_mem>>) src(%dma_wait3A_481 : memref<112xi32, #tpu.memory_space<hbm>>) dst(%dma_wait3A_478 : memref<112xi32, #tpu.memory_space<vmem>>)
      %dma_start3A_482 = arith.constant 0 : i32
      %dma_start3A_483 = arith.constant 0 : i32
      %dma_start3A_484 = tpu.memref_slice %arg8[%rem3A_449, %dma_start3A_482, %dma_start3A_483] : memref<3x112x128xf32, #tpu.memory_space<vmem>> -> memref<1x112x128xf32, #tpu.memory_space<vmem>>
      %dma_start3A_485 = tpu.memref_squeeze %dma_start3A_484 : memref<1x112x128xf32, #tpu.memory_space<vmem>> -> memref<112x128xf32, #tpu.memory_space<vmem>>
      %dma_start3A_486 = arith.constant 0 : i32
      %dma_start3A_487 = tpu.memref_slice %arg7[%rem3A_451, %dma_start3A_486] : memref<8x112xi32, #tpu.memory_space<vmem>> -> memref<1x112xi32, #tpu.memory_space<vmem>>
      %dma_start3A_488 = tpu.memref_squeeze %dma_start3A_487 : memref<1x112xi32, #tpu.memory_space<vmem>> -> memref<112xi32, #tpu.memory_space<vmem>>
      %dma_start3A_489 = arith.constant 0 : i32
      %dma_start3A_490 = arith.constant 0 : i32
      %dma_start3A_491 = tpu.memref_slice %arg9[%dma_start3A_489, %dma_start3A_490] : memref<10240x128xf32, #tpu.memory_space<vmem_shared>> -> memref<10240x128xf32, #tpu.memory_space<vmem_shared>>
      tpu.enqueue_indirect_dma source(%dma_start3A_485 : memref<112x128xf32, #tpu.memory_space<vmem>>) target(%dma_start3A_491 : memref<10240x128xf32, #tpu.memory_space<vmem_shared>>) offsets(%dma_start3A_488 : memref<112xi32, #tpu.memory_space<vmem>>) semaphore(%arg11 : memref<!tpu.dma_semaphore, #tpu.memory_space<semaphore_mem>>) {add = true}
      %add3A_492 = arith.constant 3 : i32
      %add3A_493 = arith.addi %scan3A_448, %add3A_492 : i32
      %lt3A_494 = arith.constant 90 : i32
      %lt3A_495 = arith.cmpi slt, %add3A_493, %lt3A_494 : i32
      %convert_element_type3A_496 = arith.extui %lt3A_495 : i1 to i32
      %cond3A_497 = arith.constant 0 : i32
      %cond3A_498 = arith.cmpi ne, %convert_element_type3A_496, %cond3A_497 : i32
      scf.if %cond3A_498 {
        %add3A_499 = arith.constant 3 : i32
        %add3A_500 = arith.addi %scan3A_448, %add3A_499 : i32
        %rem3A_501 = arith.constant 8 : i32
        %rem3A_502 = arith.remsi %add3A_500, %rem3A_501 : i32
        %add3A_503 = arith.constant 3 : i32
        %add3A_504 = arith.addi %scan3A_448, %add3A_503 : i32
        %dma_start3A_505 = arith.constant 0 : i32
        %dma_start3A_506 = tpu.memref_slice %arg6[%rem3A_502, %dma_start3A_505] : memref<8x112xi32, #tpu.memory_space<vmem>> -> memref<1x112xi32, #tpu.memory_space<vmem>>
        %dma_start3A_507 = tpu.memref_squeeze %dma_start3A_506 : memref<1x112xi32, #tpu.memory_space<vmem>> -> memref<112xi32, #tpu.memory_space<vmem>>
        %dma_start3A_508 = arith.constant 0 : i32
        %dma_start3A_509 = tpu.memref_slice %arg3[%add3A, %add3A_504, %dma_start3A_508] : memref<32x90x112xi32, #tpu.memory_space<hbm>> -> memref<1x1x112xi32, #tpu.memory_space<hbm>>
        %dma_start3A_510 = tpu.memref_squeeze %dma_start3A_509 : memref<1x1x112xi32, #tpu.memory_space<hbm>> -> memref<112xi32, #tpu.memory_space<hbm>>
        %dma_start3A_511 = arith.constant 0 : i32
        %dma_start3A_512 = tpu.memref_slice %arg6[%rem3A_502, %dma_start3A_511] : memref<8x112xi32, #tpu.memory_space<vmem>> -> memref<1x112xi32, #tpu.memory_space<vmem>>
        %dma_start3A_513 = tpu.memref_squeeze %dma_start3A_512 : memref<1x112xi32, #tpu.memory_space<vmem>> -> memref<112xi32, #tpu.memory_space<vmem>>
        %dma_start3A_514 = arith.constant 0 : i32
        %dma_start3A_515 = tpu.memref_slice %arg3[%add3A, %add3A_504, %dma_start3A_514] : memref<32x90x112xi32, #tpu.memory_space<hbm>> -> memref<1x1x112xi32, #tpu.memory_space<hbm>>
        %dma_start3A_516 = tpu.memref_squeeze %dma_start3A_515 : memref<1x1x112xi32, #tpu.memory_space<hbm>> -> memref<112xi32, #tpu.memory_space<hbm>>
        tpu.enqueue_dma source(%dma_start3A_516 : memref<112xi32, #tpu.memory_space<hbm>>) target(%dma_start3A_513 : memref<112xi32, #tpu.memory_space<vmem>>) target_semaphore(%arg12 : memref<!tpu.dma_semaphore, #tpu.memory_space<semaphore_mem>>)
        %add3A_517 = arith.constant 3 : i32
        %add3A_518 = arith.addi %scan3A_448, %add3A_517 : i32
        %dma_start3A_519 = arith.constant 0 : i32
        %dma_start3A_520 = tpu.memref_slice %arg7[%rem3A_502, %dma_start3A_519] : memref<8x112xi32, #tpu.memory_space<vmem>> -> memref<1x112xi32, #tpu.memory_space<vmem>>
        %dma_start3A_521 = tpu.memref_squeeze %dma_start3A_520 : memref<1x112xi32, #tpu.memory_space<vmem>> -> memref<112xi32, #tpu.memory_space<vmem>>
        %dma_start3A_522 = arith.constant 0 : i32
        %dma_start3A_523 = tpu.memref_slice %arg4[%add3A, %add3A_518, %dma_start3A_522] : memref<32x90x112xi32, #tpu.memory_space<hbm>> -> memref<1x1x112xi32, #tpu.memory_space<hbm>>
        %dma_start3A_524 = tpu.memref_squeeze %dma_start3A_523 : memref<1x1x112xi32, #tpu.memory_space<hbm>> -> memref<112xi32, #tpu.memory_space<hbm>>
        %dma_start3A_525 = arith.constant 0 : i32
        %dma_start3A_526 = tpu.memref_slice %arg7[%rem3A_502, %dma_start3A_525] : memref<8x112xi32, #tpu.memory_space<vmem>> -> memref<1x112xi32, #tpu.memory_space<vmem>>
        %dma_start3A_527 = tpu.memref_squeeze %dma_start3A_526 : memref<1x112xi32, #tpu.memory_space<vmem>> -> memref<112xi32, #tpu.memory_space<vmem>>
        %dma_start3A_528 = arith.constant 0 : i32
        %dma_start3A_529 = tpu.memref_slice %arg4[%add3A, %add3A_518, %dma_start3A_528] : memref<32x90x112xi32, #tpu.memory_space<hbm>> -> memref<1x1x112xi32, #tpu.memory_space<hbm>>
        %dma_start3A_530 = tpu.memref_squeeze %dma_start3A_529 : memref<1x1x112xi32, #tpu.memory_space<hbm>> -> memref<112xi32, #tpu.memory_space<hbm>>
        tpu.enqueue_dma source(%dma_start3A_530 : memref<112xi32, #tpu.memory_space<hbm>>) target(%dma_start3A_527 : memref<112xi32, #tpu.memory_space<vmem>>) target_semaphore(%arg13 : memref<!tpu.dma_semaphore, #tpu.memory_space<semaphore_mem>>)
      } else {
      }
    }
    %scan3A_422 = arith.constant 90 : i32
    %dma_wait3A_423 = arith.constant 1 : i32
    %dma_wait3A_424 = arith.constant 0 : i32
    %dma_wait3A_425 = arith.constant 0 : i32
    %dma_wait3A_426 = arith.constant 0 : i32
    %dma_wait3A_427 = tpu.memref_slice %arg8[%dma_wait3A_423, %dma_wait3A_425, %dma_wait3A_426] : memref<3x112x128xf32, #tpu.memory_space<vmem>> -> memref<1x112x128xf32, #tpu.memory_space<vmem>>
    %dma_wait3A_428 = tpu.memref_squeeze %dma_wait3A_427 : memref<1x112x128xf32, #tpu.memory_space<vmem>> -> memref<112x128xf32, #tpu.memory_space<vmem>>
    %dma_wait3A_429 = arith.constant 0 : i32
    %dma_wait3A_430 = tpu.memref_slice %arg7[%dma_wait3A_424, %dma_wait3A_429] : memref<8x112xi32, #tpu.memory_space<vmem>> -> memref<1x112xi32, #tpu.memory_space<vmem>>
    %dma_wait3A_431 = tpu.memref_squeeze %dma_wait3A_430 : memref<1x112xi32, #tpu.memory_space<vmem>> -> memref<112xi32, #tpu.memory_space<vmem>>
    %dma_wait3A_432 = arith.constant 0 : i32
    %dma_wait3A_433 = arith.constant 0 : i32
    %dma_wait3A_434 = tpu.memref_slice %arg9[%dma_wait3A_432, %dma_wait3A_433] : memref<10240x128xf32, #tpu.memory_space<vmem_shared>> -> memref<10240x128xf32, #tpu.memory_space<vmem_shared>>
    tpu.wait_indirect_dma semaphore(%arg11 : memref<!tpu.dma_semaphore, #tpu.memory_space<semaphore_mem>>) src(%dma_wait3A_428 : memref<112x128xf32, #tpu.memory_space<vmem>>) dst(%dma_wait3A_434 : memref<10240x128xf32, #tpu.memory_space<vmem_shared>>)
    %dma_wait3A_435 = arith.constant 2 : i32
    %dma_wait3A_436 = arith.constant 1 : i32
    %dma_wait3A_437 = arith.constant 0 : i32
    %dma_wait3A_438 = arith.constant 0 : i32
    %dma_wait3A_439 = tpu.memref_slice %arg8[%dma_wait3A_435, %dma_wait3A_437, %dma_wait3A_438] : memref<3x112x128xf32, #tpu.memory_space<vmem>> -> memref<1x112x128xf32, #tpu.memory_space<vmem>>
    %dma_wait3A_440 = tpu.memref_squeeze %dma_wait3A_439 : memref<1x112x128xf32, #tpu.memory_space<vmem>> -> memref<112x128xf32, #tpu.memory_space<vmem>>
    %dma_wait3A_441 = arith.constant 0 : i32
    %dma_wait3A_442 = tpu.memref_slice %arg7[%dma_wait3A_436, %dma_wait3A_441] : memref<8x112xi32, #tpu.memory_space<vmem>> -> memref<1x112xi32, #tpu.memory_space<vmem>>
    %dma_wait3A_443 = tpu.memref_squeeze %dma_wait3A_442 : memref<1x112xi32, #tpu.memory_space<vmem>> -> memref<112xi32, #tpu.memory_space<vmem>>
    %dma_wait3A_444 = arith.constant 0 : i32
    %dma_wait3A_445 = arith.constant 0 : i32
    %dma_wait3A_446 = tpu.memref_slice %arg9[%dma_wait3A_444, %dma_wait3A_445] : memref<10240x128xf32, #tpu.memory_space<vmem_shared>> -> memref<10240x128xf32, #tpu.memory_space<vmem_shared>>
    tpu.wait_indirect_dma semaphore(%arg11 : memref<!tpu.dma_semaphore, #tpu.memory_space<semaphore_mem>>) src(%dma_wait3A_440 : memref<112x128xf32, #tpu.memory_space<vmem>>) dst(%dma_wait3A_446 : memref<10240x128xf32, #tpu.memory_space<vmem_shared>>)
    %barrier3A_447 = arith.constant 0 : index
    tpu.barrier barrier_id(%barrier3A_447)
    "tpu.region"() ({
      %run_scoped3A = tpu.sem_alloc : memref<!tpu.dma_semaphore, #tpu.memory_space<semaphore_mem>>
      %dma_start3A_448 = arith.constant 0 : i32
      %dma_start3A_449 = tpu.memref_slice %arg5[%arg0, %mul3A_2, %dma_start3A_448] : memref<2x10240x128xf32, #tpu.memory_space<hbm>> -> memref<1x640x128xf32, #tpu.memory_space<hbm>>
      %dma_start3A_450 = tpu.memref_squeeze %dma_start3A_449 : memref<1x640x128xf32, #tpu.memory_space<hbm>> -> memref<640x128xf32, #tpu.memory_space<hbm>>
      %dma_start3A_451 = arith.constant 0 : i32
      %dma_start3A_452 = tpu.memref_slice %arg9[%mul3A_2, %dma_start3A_451] : memref<10240x128xf32, #tpu.memory_space<vmem_shared>> -> memref<640x128xf32, #tpu.memory_space<vmem_shared>>
      tpu.enqueue_dma source(%dma_start3A_452 : memref<640x128xf32, #tpu.memory_space<vmem_shared>>) target(%dma_start3A_450 : memref<640x128xf32, #tpu.memory_space<hbm>>) target_semaphore(%run_scoped3A : memref<!tpu.dma_semaphore, #tpu.memory_space<semaphore_mem>>)
      %dma_wait3A_453 = arith.constant 0 : i32
      %dma_wait3A_454 = tpu.memref_slice %arg5[%arg0, %mul3A_2, %dma_wait3A_453] : memref<2x10240x128xf32, #tpu.memory_space<hbm>> -> memref<1x640x128xf32, #tpu.memory_space<hbm>>
      %dma_wait3A_455 = tpu.memref_squeeze %dma_wait3A_454 : memref<1x640x128xf32, #tpu.memory_space<hbm>> -> memref<640x128xf32, #tpu.memory_space<hbm>>
      %dma_wait3A_456 = arith.constant 0 : i32
      %dma_wait3A_457 = tpu.memref_slice %arg9[%mul3A_2, %dma_wait3A_456] : memref<10240x128xf32, #tpu.memory_space<vmem_shared>> -> memref<640x128xf32, #tpu.memory_space<vmem_shared>>
      tpu.wait_dma2 semaphore(%run_scoped3A : memref<!tpu.dma_semaphore, #tpu.memory_space<semaphore_mem>>) src(%dma_wait3A_457 : memref<640x128xf32, #tpu.memory_space<vmem_shared>>) dst(%dma_wait3A_455 : memref<640x128xf32, #tpu.memory_space<hbm>>)
      tpu.yield
    }) : () -> ()
    return
  }
}

#map = affine_map<(d0, d1) -> (0, 0, 0)>
module attributes {stable_mosaic.version = 14 : i64} {
  func.func @_sc_degree(%arg0: i32, %arg1: i32, %arg2: memref<32x90x112xi32, #tpu.memory_space<hbm>>, %arg3: memref<2x112x8xf32, #tpu.memory_space<hbm>>, %arg4: memref<2x10240x8xf32, #tpu.memory_space<hbm>>, %arg5: memref<90x112xi32, #tpu.memory_space<vmem>>, %arg6: memref<2x112x8xf32, #tpu.memory_space<vmem>>, %arg7: memref<10240x8xf32, #tpu.memory_space<vmem_shared>>, %arg8: memref<!tpu.dma_semaphore, #tpu.memory_space<semaphore_mem>>) attributes {dimension_semantics = [#tpu.dimension_semantics<core_parallel>, #tpu.dimension_semantics<subcore_parallel>], iteration_bounds = array<i64: 2, 16>, scalar_prefetch = 0 : i64, scratch_operands = 4 : i64, tpu.core_type = #tpu.core_type<sc_vector_subcore>, window_params = [{transform_indices = #map}, {transform_indices = #map}, {transform_indices = #map}]} {
    %mul3A = arith.constant 2 : i32
    %mul3A_0 = arith.muli %arg1, %mul3A : i32
    %add3A = arith.addi %mul3A_0, %arg0 : i32
    %mul3A_1 = arith.constant 640 : i32
    %mul3A_2 = arith.muli %arg1, %mul3A_1 : i32
    "tpu.region"() ({
      %run_scoped3A_133 = tpu.sem_alloc : memref<!tpu.dma_semaphore, #tpu.memory_space<semaphore_mem>>
      tpu.enqueue_dma source(%arg3 : memref<2x112x8xf32, #tpu.memory_space<hbm>>) target(%arg6 : memref<2x112x8xf32, #tpu.memory_space<vmem>>) target_semaphore(%run_scoped3A_133 : memref<!tpu.dma_semaphore, #tpu.memory_space<semaphore_mem>>)
      tpu.wait_dma2 semaphore(%run_scoped3A_133 : memref<!tpu.dma_semaphore, #tpu.memory_space<semaphore_mem>>) src(%arg3 : memref<2x112x8xf32, #tpu.memory_space<hbm>>) dst(%arg6 : memref<2x112x8xf32, #tpu.memory_space<vmem>>)
      tpu.yield
    }) : () -> ()
    %add3A_3 = arith.constant 0 : i32
    %add3A_4 = arith.addi %mul3A_2, %add3A_3 : i32
    %run_scoped3A = arith.constant 0 : i32
    "tpu.region"() ({
      %run_scoped3A_133 = tpu.sem_alloc : memref<!tpu.dma_semaphore, #tpu.memory_space<semaphore_mem>>
      %dma_start3A = arith.constant 0 : i32
      %dma_start3A_134 = arith.constant 0 : i32
      %dma_start3A_135 = tpu.memref_slice %arg6[%run_scoped3A, %dma_start3A, %dma_start3A_134] : memref<2x112x8xf32, #tpu.memory_space<vmem>> -> memref<1x64x8xf32, #tpu.memory_space<vmem>>
      %dma_start3A_136 = tpu.memref_squeeze %dma_start3A_135 : memref<1x64x8xf32, #tpu.memory_space<vmem>> -> memref<64x8xf32, #tpu.memory_space<vmem>>
      %dma_start3A_137 = arith.constant 0 : i32
      %dma_start3A_138 = tpu.memref_slice %arg7[%add3A_4, %dma_start3A_137] : memref<10240x8xf32, #tpu.memory_space<vmem_shared>> -> memref<64x8xf32, #tpu.memory_space<vmem_shared>>
      %dma_start3A_139 = arith.constant 0 : i32
      %dma_start3A_140 = tpu.memref_slice %arg7[%add3A_4, %dma_start3A_139] : memref<10240x8xf32, #tpu.memory_space<vmem_shared>> -> memref<64x8xf32, #tpu.memory_space<vmem_shared>>
      %dma_start3A_141 = arith.constant 0 : i32
      %dma_start3A_142 = arith.constant 0 : i32
      %dma_start3A_143 = tpu.memref_slice %arg6[%run_scoped3A, %dma_start3A_141, %dma_start3A_142] : memref<2x112x8xf32, #tpu.memory_space<vmem>> -> memref<1x64x8xf32, #tpu.memory_space<vmem>>
      %dma_start3A_144 = tpu.memref_squeeze %dma_start3A_143 : memref<1x64x8xf32, #tpu.memory_space<vmem>> -> memref<64x8xf32, #tpu.memory_space<vmem>>
      tpu.enqueue_dma source(%dma_start3A_144 : memref<64x8xf32, #tpu.memory_space<vmem>>) target(%dma_start3A_140 : memref<64x8xf32, #tpu.memory_space<vmem_shared>>) target_semaphore(%run_scoped3A_133 : memref<!tpu.dma_semaphore, #tpu.memory_space<semaphore_mem>>)
      %dma_wait3A_145 = arith.constant 0 : i32
      %dma_wait3A_146 = arith.constant 0 : i32
      %dma_wait3A_147 = tpu.memref_slice %arg6[%run_scoped3A, %dma_wait3A_145, %dma_wait3A_146] : memref<2x112x8xf32, #tpu.memory_space<vmem>> -> memref<1x64x8xf32, #tpu.memory_space<vmem>>
      %dma_wait3A_148 = tpu.memref_squeeze %dma_wait3A_147 : memref<1x64x8xf32, #tpu.memory_space<vmem>> -> memref<64x8xf32, #tpu.memory_space<vmem>>
      %dma_wait3A_149 = arith.constant 0 : i32
      %dma_wait3A_150 = tpu.memref_slice %arg7[%add3A_4, %dma_wait3A_149] : memref<10240x8xf32, #tpu.memory_space<vmem_shared>> -> memref<64x8xf32, #tpu.memory_space<vmem_shared>>
      %dma_wait3A_151 = arith.constant 0 : i32
      %dma_wait3A_152 = tpu.memref_slice %arg7[%add3A_4, %dma_wait3A_151] : memref<10240x8xf32, #tpu.memory_space<vmem_shared>> -> memref<64x8xf32, #tpu.memory_space<vmem_shared>>
      %dma_wait3A_153 = arith.constant 0 : i32
      %dma_wait3A_154 = arith.constant 0 : i32
      %dma_wait3A_155 = tpu.memref_slice %arg6[%run_scoped3A, %dma_wait3A_153, %dma_wait3A_154] : memref<2x112x8xf32, #tpu.memory_space<vmem>> -> memref<1x64x8xf32, #tpu.memory_space<vmem>>
      %dma_wait3A_156 = tpu.memref_squeeze %dma_wait3A_155 : memref<1x64x8xf32, #tpu.memory_space<vmem>> -> memref<64x8xf32, #tpu.memory_space<vmem>>
      tpu.wait_dma2 semaphore(%run_scoped3A_133 : memref<!tpu.dma_semaphore, #tpu.memory_space<semaphore_mem>>) src(%dma_wait3A_156 : memref<64x8xf32, #tpu.memory_space<vmem>>) dst(%dma_wait3A_152 : memref<64x8xf32, #tpu.memory_space<vmem_shared>>)
      tpu.yield
    }) : () -> ()
    %add3A_5 = arith.constant 64 : i32
    %add3A_6 = arith.addi %mul3A_2, %add3A_5 : i32
    %run_scoped3A_7 = arith.constant 0 : i32
    "tpu.region"() ({
      %run_scoped3A_133 = tpu.sem_alloc : memref<!tpu.dma_semaphore, #tpu.memory_space<semaphore_mem>>
      %dma_start3A = arith.constant 0 : i32
      %dma_start3A_134 = arith.constant 0 : i32
      %dma_start3A_135 = tpu.memref_slice %arg6[%run_scoped3A_7, %dma_start3A, %dma_start3A_134] : memref<2x112x8xf32, #tpu.memory_space<vmem>> -> memref<1x64x8xf32, #tpu.memory_space<vmem>>
      %dma_start3A_136 = tpu.memref_squeeze %dma_start3A_135 : memref<1x64x8xf32, #tpu.memory_space<vmem>> -> memref<64x8xf32, #tpu.memory_space<vmem>>
      %dma_start3A_137 = arith.constant 0 : i32
      %dma_start3A_138 = tpu.memref_slice %arg7[%add3A_6, %dma_start3A_137] : memref<10240x8xf32, #tpu.memory_space<vmem_shared>> -> memref<64x8xf32, #tpu.memory_space<vmem_shared>>
      %dma_start3A_139 = arith.constant 0 : i32
      %dma_start3A_140 = tpu.memref_slice %arg7[%add3A_6, %dma_start3A_139] : memref<10240x8xf32, #tpu.memory_space<vmem_shared>> -> memref<64x8xf32, #tpu.memory_space<vmem_shared>>
      %dma_start3A_141 = arith.constant 0 : i32
      %dma_start3A_142 = arith.constant 0 : i32
      %dma_start3A_143 = tpu.memref_slice %arg6[%run_scoped3A_7, %dma_start3A_141, %dma_start3A_142] : memref<2x112x8xf32, #tpu.memory_space<vmem>> -> memref<1x64x8xf32, #tpu.memory_space<vmem>>
      %dma_start3A_144 = tpu.memref_squeeze %dma_start3A_143 : memref<1x64x8xf32, #tpu.memory_space<vmem>> -> memref<64x8xf32, #tpu.memory_space<vmem>>
      tpu.enqueue_dma source(%dma_start3A_144 : memref<64x8xf32, #tpu.memory_space<vmem>>) target(%dma_start3A_140 : memref<64x8xf32, #tpu.memory_space<vmem_shared>>) target_semaphore(%run_scoped3A_133 : memref<!tpu.dma_semaphore, #tpu.memory_space<semaphore_mem>>)
      %dma_wait3A_145 = arith.constant 0 : i32
      %dma_wait3A_146 = arith.constant 0 : i32
      %dma_wait3A_147 = tpu.memref_slice %arg6[%run_scoped3A_7, %dma_wait3A_145, %dma_wait3A_146] : memref<2x112x8xf32, #tpu.memory_space<vmem>> -> memref<1x64x8xf32, #tpu.memory_space<vmem>>
      %dma_wait3A_148 = tpu.memref_squeeze %dma_wait3A_147 : memref<1x64x8xf32, #tpu.memory_space<vmem>> -> memref<64x8xf32, #tpu.memory_space<vmem>>
      %dma_wait3A_149 = arith.constant 0 : i32
      %dma_wait3A_150 = tpu.memref_slice %arg7[%add3A_6, %dma_wait3A_149] : memref<10240x8xf32, #tpu.memory_space<vmem_shared>> -> memref<64x8xf32, #tpu.memory_space<vmem_shared>>
      %dma_wait3A_151 = arith.constant 0 : i32
      %dma_wait3A_152 = tpu.memref_slice %arg7[%add3A_6, %dma_wait3A_151] : memref<10240x8xf32, #tpu.memory_space<vmem_shared>> -> memref<64x8xf32, #tpu.memory_space<vmem_shared>>
      %dma_wait3A_153 = arith.constant 0 : i32
      %dma_wait3A_154 = arith.constant 0 : i32
      %dma_wait3A_155 = tpu.memref_slice %arg6[%run_scoped3A_7, %dma_wait3A_153, %dma_wait3A_154] : memref<2x112x8xf32, #tpu.memory_space<vmem>> -> memref<1x64x8xf32, #tpu.memory_space<vmem>>
      %dma_wait3A_156 = tpu.memref_squeeze %dma_wait3A_155 : memref<1x64x8xf32, #tpu.memory_space<vmem>> -> memref<64x8xf32, #tpu.memory_space<vmem>>
      tpu.wait_dma2 semaphore(%run_scoped3A_133 : memref<!tpu.dma_semaphore, #tpu.memory_space<semaphore_mem>>) src(%dma_wait3A_156 : memref<64x8xf32, #tpu.memory_space<vmem>>) dst(%dma_wait3A_152 : memref<64x8xf32, #tpu.memory_space<vmem_shared>>)
      tpu.yield
    }) : () -> ()
    %add3A_8 = arith.constant 128 : i32
    %add3A_9 = arith.addi %mul3A_2, %add3A_8 : i32
    %run_scoped3A_10 = arith.constant 0 : i32
    "tpu.region"() ({
      %run_scoped3A_133 = tpu.sem_alloc : memref<!tpu.dma_semaphore, #tpu.memory_space<semaphore_mem>>
      %dma_start3A = arith.constant 0 : i32
      %dma_start3A_134 = arith.constant 0 : i32
      %dma_start3A_135 = tpu.memref_slice %arg6[%run_scoped3A_10, %dma_start3A, %dma_start3A_134] : memref<2x112x8xf32, #tpu.memory_space<vmem>> -> memref<1x64x8xf32, #tpu.memory_space<vmem>>
      %dma_start3A_136 = tpu.memref_squeeze %dma_start3A_135 : memref<1x64x8xf32, #tpu.memory_space<vmem>> -> memref<64x8xf32, #tpu.memory_space<vmem>>
      %dma_start3A_137 = arith.constant 0 : i32
      %dma_start3A_138 = tpu.memref_slice %arg7[%add3A_9, %dma_start3A_137] : memref<10240x8xf32, #tpu.memory_space<vmem_shared>> -> memref<64x8xf32, #tpu.memory_space<vmem_shared>>
      %dma_start3A_139 = arith.constant 0 : i32
      %dma_start3A_140 = tpu.memref_slice %arg7[%add3A_9, %dma_start3A_139] : memref<10240x8xf32, #tpu.memory_space<vmem_shared>> -> memref<64x8xf32, #tpu.memory_space<vmem_shared>>
      %dma_start3A_141 = arith.constant 0 : i32
      %dma_start3A_142 = arith.constant 0 : i32
      %dma_start3A_143 = tpu.memref_slice %arg6[%run_scoped3A_10, %dma_start3A_141, %dma_start3A_142] : memref<2x112x8xf32, #tpu.memory_space<vmem>> -> memref<1x64x8xf32, #tpu.memory_space<vmem>>
      %dma_start3A_144 = tpu.memref_squeeze %dma_start3A_143 : memref<1x64x8xf32, #tpu.memory_space<vmem>> -> memref<64x8xf32, #tpu.memory_space<vmem>>
      tpu.enqueue_dma source(%dma_start3A_144 : memref<64x8xf32, #tpu.memory_space<vmem>>) target(%dma_start3A_140 : memref<64x8xf32, #tpu.memory_space<vmem_shared>>) target_semaphore(%run_scoped3A_133 : memref<!tpu.dma_semaphore, #tpu.memory_space<semaphore_mem>>)
      %dma_wait3A_145 = arith.constant 0 : i32
      %dma_wait3A_146 = arith.constant 0 : i32
      %dma_wait3A_147 = tpu.memref_slice %arg6[%run_scoped3A_10, %dma_wait3A_145, %dma_wait3A_146] : memref<2x112x8xf32, #tpu.memory_space<vmem>> -> memref<1x64x8xf32, #tpu.memory_space<vmem>>
      %dma_wait3A_148 = tpu.memref_squeeze %dma_wait3A_147 : memref<1x64x8xf32, #tpu.memory_space<vmem>> -> memref<64x8xf32, #tpu.memory_space<vmem>>
      %dma_wait3A_149 = arith.constant 0 : i32
      %dma_wait3A_150 = tpu.memref_slice %arg7[%add3A_9, %dma_wait3A_149] : memref<10240x8xf32, #tpu.memory_space<vmem_shared>> -> memref<64x8xf32, #tpu.memory_space<vmem_shared>>
      %dma_wait3A_151 = arith.constant 0 : i32
      %dma_wait3A_152 = tpu.memref_slice %arg7[%add3A_9, %dma_wait3A_151] : memref<10240x8xf32, #tpu.memory_space<vmem_shared>> -> memref<64x8xf32, #tpu.memory_space<vmem_shared>>
      %dma_wait3A_153 = arith.constant 0 : i32
      %dma_wait3A_154 = arith.constant 0 : i32
      %dma_wait3A_155 = tpu.memref_slice %arg6[%run_scoped3A_10, %dma_wait3A_153, %dma_wait3A_154] : memref<2x112x8xf32, #tpu.memory_space<vmem>> -> memref<1x64x8xf32, #tpu.memory_space<vmem>>
      %dma_wait3A_156 = tpu.memref_squeeze %dma_wait3A_155 : memref<1x64x8xf32, #tpu.memory_space<vmem>> -> memref<64x8xf32, #tpu.memory_space<vmem>>
      tpu.wait_dma2 semaphore(%run_scoped3A_133 : memref<!tpu.dma_semaphore, #tpu.memory_space<semaphore_mem>>) src(%dma_wait3A_156 : memref<64x8xf32, #tpu.memory_space<vmem>>) dst(%dma_wait3A_152 : memref<64x8xf32, #tpu.memory_space<vmem_shared>>)
      tpu.yield
    }) : () -> ()
    %add3A_11 = arith.constant 192 : i32
    %add3A_12 = arith.addi %mul3A_2, %add3A_11 : i32
    %run_scoped3A_13 = arith.constant 0 : i32
    "tpu.region"() ({
      %run_scoped3A_133 = tpu.sem_alloc : memref<!tpu.dma_semaphore, #tpu.memory_space<semaphore_mem>>
      %dma_start3A = arith.constant 0 : i32
      %dma_start3A_134 = arith.constant 0 : i32
      %dma_start3A_135 = tpu.memref_slice %arg6[%run_scoped3A_13, %dma_start3A, %dma_start3A_134] : memref<2x112x8xf32, #tpu.memory_space<vmem>> -> memref<1x64x8xf32, #tpu.memory_space<vmem>>
      %dma_start3A_136 = tpu.memref_squeeze %dma_start3A_135 : memref<1x64x8xf32, #tpu.memory_space<vmem>> -> memref<64x8xf32, #tpu.memory_space<vmem>>
      %dma_start3A_137 = arith.constant 0 : i32
      %dma_start3A_138 = tpu.memref_slice %arg7[%add3A_12, %dma_start3A_137] : memref<10240x8xf32, #tpu.memory_space<vmem_shared>> -> memref<64x8xf32, #tpu.memory_space<vmem_shared>>
      %dma_start3A_139 = arith.constant 0 : i32
      %dma_start3A_140 = tpu.memref_slice %arg7[%add3A_12, %dma_start3A_139] : memref<10240x8xf32, #tpu.memory_space<vmem_shared>> -> memref<64x8xf32, #tpu.memory_space<vmem_shared>>
      %dma_start3A_141 = arith.constant 0 : i32
      %dma_start3A_142 = arith.constant 0 : i32
      %dma_start3A_143 = tpu.memref_slice %arg6[%run_scoped3A_13, %dma_start3A_141, %dma_start3A_142] : memref<2x112x8xf32, #tpu.memory_space<vmem>> -> memref<1x64x8xf32, #tpu.memory_space<vmem>>
      %dma_start3A_144 = tpu.memref_squeeze %dma_start3A_143 : memref<1x64x8xf32, #tpu.memory_space<vmem>> -> memref<64x8xf32, #tpu.memory_space<vmem>>
      tpu.enqueue_dma source(%dma_start3A_144 : memref<64x8xf32, #tpu.memory_space<vmem>>) target(%dma_start3A_140 : memref<64x8xf32, #tpu.memory_space<vmem_shared>>) target_semaphore(%run_scoped3A_133 : memref<!tpu.dma_semaphore, #tpu.memory_space<semaphore_mem>>)
      %dma_wait3A_145 = arith.constant 0 : i32
      %dma_wait3A_146 = arith.constant 0 : i32
      %dma_wait3A_147 = tpu.memref_slice %arg6[%run_scoped3A_13, %dma_wait3A_145, %dma_wait3A_146] : memref<2x112x8xf32, #tpu.memory_space<vmem>> -> memref<1x64x8xf32, #tpu.memory_space<vmem>>
      %dma_wait3A_148 = tpu.memref_squeeze %dma_wait3A_147 : memref<1x64x8xf32, #tpu.memory_space<vmem>> -> memref<64x8xf32, #tpu.memory_space<vmem>>
      %dma_wait3A_149 = arith.constant 0 : i32
      %dma_wait3A_150 = tpu.memref_slice %arg7[%add3A_12, %dma_wait3A_149] : memref<10240x8xf32, #tpu.memory_space<vmem_shared>> -> memref<64x8xf32, #tpu.memory_space<vmem_shared>>
      %dma_wait3A_151 = arith.constant 0 : i32
      %dma_wait3A_152 = tpu.memref_slice %arg7[%add3A_12, %dma_wait3A_151] : memref<10240x8xf32, #tpu.memory_space<vmem_shared>> -> memref<64x8xf32, #tpu.memory_space<vmem_shared>>
      %dma_wait3A_153 = arith.constant 0 : i32
      %dma_wait3A_154 = arith.constant 0 : i32
      %dma_wait3A_155 = tpu.memref_slice %arg6[%run_scoped3A_13, %dma_wait3A_153, %dma_wait3A_154] : memref<2x112x8xf32, #tpu.memory_space<vmem>> -> memref<1x64x8xf32, #tpu.memory_space<vmem>>
      %dma_wait3A_156 = tpu.memref_squeeze %dma_wait3A_155 : memref<1x64x8xf32, #tpu.memory_space<vmem>> -> memref<64x8xf32, #tpu.memory_space<vmem>>
      tpu.wait_dma2 semaphore(%run_scoped3A_133 : memref<!tpu.dma_semaphore, #tpu.memory_space<semaphore_mem>>) src(%dma_wait3A_156 : memref<64x8xf32, #tpu.memory_space<vmem>>) dst(%dma_wait3A_152 : memref<64x8xf32, #tpu.memory_space<vmem_shared>>)
      tpu.yield
    }) : () -> ()
    %add3A_14 = arith.constant 256 : i32
    %add3A_15 = arith.addi %mul3A_2, %add3A_14 : i32
    %run_scoped3A_16 = arith.constant 0 : i32
    "tpu.region"() ({
      %run_scoped3A_133 = tpu.sem_alloc : memref<!tpu.dma_semaphore, #tpu.memory_space<semaphore_mem>>
      %dma_start3A = arith.constant 0 : i32
      %dma_start3A_134 = arith.constant 0 : i32
      %dma_start3A_135 = tpu.memref_slice %arg6[%run_scoped3A_16, %dma_start3A, %dma_start3A_134] : memref<2x112x8xf32, #tpu.memory_space<vmem>> -> memref<1x64x8xf32, #tpu.memory_space<vmem>>
      %dma_start3A_136 = tpu.memref_squeeze %dma_start3A_135 : memref<1x64x8xf32, #tpu.memory_space<vmem>> -> memref<64x8xf32, #tpu.memory_space<vmem>>
      %dma_start3A_137 = arith.constant 0 : i32
      %dma_start3A_138 = tpu.memref_slice %arg7[%add3A_15, %dma_start3A_137] : memref<10240x8xf32, #tpu.memory_space<vmem_shared>> -> memref<64x8xf32, #tpu.memory_space<vmem_shared>>
      %dma_start3A_139 = arith.constant 0 : i32
      %dma_start3A_140 = tpu.memref_slice %arg7[%add3A_15, %dma_start3A_139] : memref<10240x8xf32, #tpu.memory_space<vmem_shared>> -> memref<64x8xf32, #tpu.memory_space<vmem_shared>>
      %dma_start3A_141 = arith.constant 0 : i32
      %dma_start3A_142 = arith.constant 0 : i32
      %dma_start3A_143 = tpu.memref_slice %arg6[%run_scoped3A_16, %dma_start3A_141, %dma_start3A_142] : memref<2x112x8xf32, #tpu.memory_space<vmem>> -> memref<1x64x8xf32, #tpu.memory_space<vmem>>
      %dma_start3A_144 = tpu.memref_squeeze %dma_start3A_143 : memref<1x64x8xf32, #tpu.memory_space<vmem>> -> memref<64x8xf32, #tpu.memory_space<vmem>>
      tpu.enqueue_dma source(%dma_start3A_144 : memref<64x8xf32, #tpu.memory_space<vmem>>) target(%dma_start3A_140 : memref<64x8xf32, #tpu.memory_space<vmem_shared>>) target_semaphore(%run_scoped3A_133 : memref<!tpu.dma_semaphore, #tpu.memory_space<semaphore_mem>>)
      %dma_wait3A_145 = arith.constant 0 : i32
      %dma_wait3A_146 = arith.constant 0 : i32
      %dma_wait3A_147 = tpu.memref_slice %arg6[%run_scoped3A_16, %dma_wait3A_145, %dma_wait3A_146] : memref<2x112x8xf32, #tpu.memory_space<vmem>> -> memref<1x64x8xf32, #tpu.memory_space<vmem>>
      %dma_wait3A_148 = tpu.memref_squeeze %dma_wait3A_147 : memref<1x64x8xf32, #tpu.memory_space<vmem>> -> memref<64x8xf32, #tpu.memory_space<vmem>>
      %dma_wait3A_149 = arith.constant 0 : i32
      %dma_wait3A_150 = tpu.memref_slice %arg7[%add3A_15, %dma_wait3A_149] : memref<10240x8xf32, #tpu.memory_space<vmem_shared>> -> memref<64x8xf32, #tpu.memory_space<vmem_shared>>
      %dma_wait3A_151 = arith.constant 0 : i32
      %dma_wait3A_152 = tpu.memref_slice %arg7[%add3A_15, %dma_wait3A_151] : memref<10240x8xf32, #tpu.memory_space<vmem_shared>> -> memref<64x8xf32, #tpu.memory_space<vmem_shared>>
      %dma_wait3A_153 = arith.constant 0 : i32
      %dma_wait3A_154 = arith.constant 0 : i32
      %dma_wait3A_155 = tpu.memref_slice %arg6[%run_scoped3A_16, %dma_wait3A_153, %dma_wait3A_154] : memref<2x112x8xf32, #tpu.memory_space<vmem>> -> memref<1x64x8xf32, #tpu.memory_space<vmem>>
      %dma_wait3A_156 = tpu.memref_squeeze %dma_wait3A_155 : memref<1x64x8xf32, #tpu.memory_space<vmem>> -> memref<64x8xf32, #tpu.memory_space<vmem>>
      tpu.wait_dma2 semaphore(%run_scoped3A_133 : memref<!tpu.dma_semaphore, #tpu.memory_space<semaphore_mem>>) src(%dma_wait3A_156 : memref<64x8xf32, #tpu.memory_space<vmem>>) dst(%dma_wait3A_152 : memref<64x8xf32, #tpu.memory_space<vmem_shared>>)
      tpu.yield
    }) : () -> ()
    %add3A_17 = arith.constant 320 : i32
    %add3A_18 = arith.addi %mul3A_2, %add3A_17 : i32
    %run_scoped3A_19 = arith.constant 0 : i32
    "tpu.region"() ({
      %run_scoped3A_133 = tpu.sem_alloc : memref<!tpu.dma_semaphore, #tpu.memory_space<semaphore_mem>>
      %dma_start3A = arith.constant 0 : i32
      %dma_start3A_134 = arith.constant 0 : i32
      %dma_start3A_135 = tpu.memref_slice %arg6[%run_scoped3A_19, %dma_start3A, %dma_start3A_134] : memref<2x112x8xf32, #tpu.memory_space<vmem>> -> memref<1x64x8xf32, #tpu.memory_space<vmem>>
      %dma_start3A_136 = tpu.memref_squeeze %dma_start3A_135 : memref<1x64x8xf32, #tpu.memory_space<vmem>> -> memref<64x8xf32, #tpu.memory_space<vmem>>
      %dma_start3A_137 = arith.constant 0 : i32
      %dma_start3A_138 = tpu.memref_slice %arg7[%add3A_18, %dma_start3A_137] : memref<10240x8xf32, #tpu.memory_space<vmem_shared>> -> memref<64x8xf32, #tpu.memory_space<vmem_shared>>
      %dma_start3A_139 = arith.constant 0 : i32
      %dma_start3A_140 = tpu.memref_slice %arg7[%add3A_18, %dma_start3A_139] : memref<10240x8xf32, #tpu.memory_space<vmem_shared>> -> memref<64x8xf32, #tpu.memory_space<vmem_shared>>
      %dma_start3A_141 = arith.constant 0 : i32
      %dma_start3A_142 = arith.constant 0 : i32
      %dma_start3A_143 = tpu.memref_slice %arg6[%run_scoped3A_19, %dma_start3A_141, %dma_start3A_142] : memref<2x112x8xf32, #tpu.memory_space<vmem>> -> memref<1x64x8xf32, #tpu.memory_space<vmem>>
      %dma_start3A_144 = tpu.memref_squeeze %dma_start3A_143 : memref<1x64x8xf32, #tpu.memory_space<vmem>> -> memref<64x8xf32, #tpu.memory_space<vmem>>
      tpu.enqueue_dma source(%dma_start3A_144 : memref<64x8xf32, #tpu.memory_space<vmem>>) target(%dma_start3A_140 : memref<64x8xf32, #tpu.memory_space<vmem_shared>>) target_semaphore(%run_scoped3A_133 : memref<!tpu.dma_semaphore, #tpu.memory_space<semaphore_mem>>)
      %dma_wait3A_145 = arith.constant 0 : i32
      %dma_wait3A_146 = arith.constant 0 : i32
      %dma_wait3A_147 = tpu.memref_slice %arg6[%run_scoped3A_19, %dma_wait3A_145, %dma_wait3A_146] : memref<2x112x8xf32, #tpu.memory_space<vmem>> -> memref<1x64x8xf32, #tpu.memory_space<vmem>>
      %dma_wait3A_148 = tpu.memref_squeeze %dma_wait3A_147 : memref<1x64x8xf32, #tpu.memory_space<vmem>> -> memref<64x8xf32, #tpu.memory_space<vmem>>
      %dma_wait3A_149 = arith.constant 0 : i32
      %dma_wait3A_150 = tpu.memref_slice %arg7[%add3A_18, %dma_wait3A_149] : memref<10240x8xf32, #tpu.memory_space<vmem_shared>> -> memref<64x8xf32, #tpu.memory_space<vmem_shared>>
      %dma_wait3A_151 = arith.constant 0 : i32
      %dma_wait3A_152 = tpu.memref_slice %arg7[%add3A_18, %dma_wait3A_151] : memref<10240x8xf32, #tpu.memory_space<vmem_shared>> -> memref<64x8xf32, #tpu.memory_space<vmem_shared>>
      %dma_wait3A_153 = arith.constant 0 : i32
      %dma_wait3A_154 = arith.constant 0 : i32
      %dma_wait3A_155 = tpu.memref_slice %arg6[%run_scoped3A_19, %dma_wait3A_153, %dma_wait3A_154] : memref<2x112x8xf32, #tpu.memory_space<vmem>> -> memref<1x64x8xf32, #tpu.memory_space<vmem>>
      %dma_wait3A_156 = tpu.memref_squeeze %dma_wait3A_155 : memref<1x64x8xf32, #tpu.memory_space<vmem>> -> memref<64x8xf32, #tpu.memory_space<vmem>>
      tpu.wait_dma2 semaphore(%run_scoped3A_133 : memref<!tpu.dma_semaphore, #tpu.memory_space<semaphore_mem>>) src(%dma_wait3A_156 : memref<64x8xf32, #tpu.memory_space<vmem>>) dst(%dma_wait3A_152 : memref<64x8xf32, #tpu.memory_space<vmem_shared>>)
      tpu.yield
    }) : () -> ()
    %add3A_20 = arith.constant 384 : i32
    %add3A_21 = arith.addi %mul3A_2, %add3A_20 : i32
    %run_scoped3A_22 = arith.constant 0 : i32
    "tpu.region"() ({
      %run_scoped3A_133 = tpu.sem_alloc : memref<!tpu.dma_semaphore, #tpu.memory_space<semaphore_mem>>
      %dma_start3A = arith.constant 0 : i32
      %dma_start3A_134 = arith.constant 0 : i32
      %dma_start3A_135 = tpu.memref_slice %arg6[%run_scoped3A_22, %dma_start3A, %dma_start3A_134] : memref<2x112x8xf32, #tpu.memory_space<vmem>> -> memref<1x64x8xf32, #tpu.memory_space<vmem>>
      %dma_start3A_136 = tpu.memref_squeeze %dma_start3A_135 : memref<1x64x8xf32, #tpu.memory_space<vmem>> -> memref<64x8xf32, #tpu.memory_space<vmem>>
      %dma_start3A_137 = arith.constant 0 : i32
      %dma_start3A_138 = tpu.memref_slice %arg7[%add3A_21, %dma_start3A_137] : memref<10240x8xf32, #tpu.memory_space<vmem_shared>> -> memref<64x8xf32, #tpu.memory_space<vmem_shared>>
      %dma_start3A_139 = arith.constant 0 : i32
      %dma_start3A_140 = tpu.memref_slice %arg7[%add3A_21, %dma_start3A_139] : memref<10240x8xf32, #tpu.memory_space<vmem_shared>> -> memref<64x8xf32, #tpu.memory_space<vmem_shared>>
      %dma_start3A_141 = arith.constant 0 : i32
      %dma_start3A_142 = arith.constant 0 : i32
      %dma_start3A_143 = tpu.memref_slice %arg6[%run_scoped3A_22, %dma_start3A_141, %dma_start3A_142] : memref<2x112x8xf32, #tpu.memory_space<vmem>> -> memref<1x64x8xf32, #tpu.memory_space<vmem>>
      %dma_start3A_144 = tpu.memref_squeeze %dma_start3A_143 : memref<1x64x8xf32, #tpu.memory_space<vmem>> -> memref<64x8xf32, #tpu.memory_space<vmem>>
      tpu.enqueue_dma source(%dma_start3A_144 : memref<64x8xf32, #tpu.memory_space<vmem>>) target(%dma_start3A_140 : memref<64x8xf32, #tpu.memory_space<vmem_shared>>) target_semaphore(%run_scoped3A_133 : memref<!tpu.dma_semaphore, #tpu.memory_space<semaphore_mem>>)
      %dma_wait3A_145 = arith.constant 0 : i32
      %dma_wait3A_146 = arith.constant 0 : i32
      %dma_wait3A_147 = tpu.memref_slice %arg6[%run_scoped3A_22, %dma_wait3A_145, %dma_wait3A_146] : memref<2x112x8xf32, #tpu.memory_space<vmem>> -> memref<1x64x8xf32, #tpu.memory_space<vmem>>
      %dma_wait3A_148 = tpu.memref_squeeze %dma_wait3A_147 : memref<1x64x8xf32, #tpu.memory_space<vmem>> -> memref<64x8xf32, #tpu.memory_space<vmem>>
      %dma_wait3A_149 = arith.constant 0 : i32
      %dma_wait3A_150 = tpu.memref_slice %arg7[%add3A_21, %dma_wait3A_149] : memref<10240x8xf32, #tpu.memory_space<vmem_shared>> -> memref<64x8xf32, #tpu.memory_space<vmem_shared>>
      %dma_wait3A_151 = arith.constant 0 : i32
      %dma_wait3A_152 = tpu.memref_slice %arg7[%add3A_21, %dma_wait3A_151] : memref<10240x8xf32, #tpu.memory_space<vmem_shared>> -> memref<64x8xf32, #tpu.memory_space<vmem_shared>>
      %dma_wait3A_153 = arith.constant 0 : i32
      %dma_wait3A_154 = arith.constant 0 : i32
      %dma_wait3A_155 = tpu.memref_slice %arg6[%run_scoped3A_22, %dma_wait3A_153, %dma_wait3A_154] : memref<2x112x8xf32, #tpu.memory_space<vmem>> -> memref<1x64x8xf32, #tpu.memory_space<vmem>>
      %dma_wait3A_156 = tpu.memref_squeeze %dma_wait3A_155 : memref<1x64x8xf32, #tpu.memory_space<vmem>> -> memref<64x8xf32, #tpu.memory_space<vmem>>
      tpu.wait_dma2 semaphore(%run_scoped3A_133 : memref<!tpu.dma_semaphore, #tpu.memory_space<semaphore_mem>>) src(%dma_wait3A_156 : memref<64x8xf32, #tpu.memory_space<vmem>>) dst(%dma_wait3A_152 : memref<64x8xf32, #tpu.memory_space<vmem_shared>>)
      tpu.yield
    }) : () -> ()
    %add3A_23 = arith.constant 448 : i32
    %add3A_24 = arith.addi %mul3A_2, %add3A_23 : i32
    %run_scoped3A_25 = arith.constant 0 : i32
    "tpu.region"() ({
      %run_scoped3A_133 = tpu.sem_alloc : memref<!tpu.dma_semaphore, #tpu.memory_space<semaphore_mem>>
      %dma_start3A = arith.constant 0 : i32
      %dma_start3A_134 = arith.constant 0 : i32
      %dma_start3A_135 = tpu.memref_slice %arg6[%run_scoped3A_25, %dma_start3A, %dma_start3A_134] : memref<2x112x8xf32, #tpu.memory_space<vmem>> -> memref<1x64x8xf32, #tpu.memory_space<vmem>>
      %dma_start3A_136 = tpu.memref_squeeze %dma_start3A_135 : memref<1x64x8xf32, #tpu.memory_space<vmem>> -> memref<64x8xf32, #tpu.memory_space<vmem>>
      %dma_start3A_137 = arith.constant 0 : i32
      %dma_start3A_138 = tpu.memref_slice %arg7[%add3A_24, %dma_start3A_137] : memref<10240x8xf32, #tpu.memory_space<vmem_shared>> -> memref<64x8xf32, #tpu.memory_space<vmem_shared>>
      %dma_start3A_139 = arith.constant 0 : i32
      %dma_start3A_140 = tpu.memref_slice %arg7[%add3A_24, %dma_start3A_139] : memref<10240x8xf32, #tpu.memory_space<vmem_shared>> -> memref<64x8xf32, #tpu.memory_space<vmem_shared>>
      %dma_start3A_141 = arith.constant 0 : i32
      %dma_start3A_142 = arith.constant 0 : i32
      %dma_start3A_143 = tpu.memref_slice %arg6[%run_scoped3A_25, %dma_start3A_141, %dma_start3A_142] : memref<2x112x8xf32, #tpu.memory_space<vmem>> -> memref<1x64x8xf32, #tpu.memory_space<vmem>>
      %dma_start3A_144 = tpu.memref_squeeze %dma_start3A_143 : memref<1x64x8xf32, #tpu.memory_space<vmem>> -> memref<64x8xf32, #tpu.memory_space<vmem>>
      tpu.enqueue_dma source(%dma_start3A_144 : memref<64x8xf32, #tpu.memory_space<vmem>>) target(%dma_start3A_140 : memref<64x8xf32, #tpu.memory_space<vmem_shared>>) target_semaphore(%run_scoped3A_133 : memref<!tpu.dma_semaphore, #tpu.memory_space<semaphore_mem>>)
      %dma_wait3A_145 = arith.constant 0 : i32
      %dma_wait3A_146 = arith.constant 0 : i32
      %dma_wait3A_147 = tpu.memref_slice %arg6[%run_scoped3A_25, %dma_wait3A_145, %dma_wait3A_146] : memref<2x112x8xf32, #tpu.memory_space<vmem>> -> memref<1x64x8xf32, #tpu.memory_space<vmem>>
      %dma_wait3A_148 = tpu.memref_squeeze %dma_wait3A_147 : memref<1x64x8xf32, #tpu.memory_space<vmem>> -> memref<64x8xf32, #tpu.memory_space<vmem>>
      %dma_wait3A_149 = arith.constant 0 : i32
      %dma_wait3A_150 = tpu.memref_slice %arg7[%add3A_24, %dma_wait3A_149] : memref<10240x8xf32, #tpu.memory_space<vmem_shared>> -> memref<64x8xf32, #tpu.memory_space<vmem_shared>>
      %dma_wait3A_151 = arith.constant 0 : i32
      %dma_wait3A_152 = tpu.memref_slice %arg7[%add3A_24, %dma_wait3A_151] : memref<10240x8xf32, #tpu.memory_space<vmem_shared>> -> memref<64x8xf32, #tpu.memory_space<vmem_shared>>
      %dma_wait3A_153 = arith.constant 0 : i32
      %dma_wait3A_154 = arith.constant 0 : i32
      %dma_wait3A_155 = tpu.memref_slice %arg6[%run_scoped3A_25, %dma_wait3A_153, %dma_wait3A_154] : memref<2x112x8xf32, #tpu.memory_space<vmem>> -> memref<1x64x8xf32, #tpu.memory_space<vmem>>
      %dma_wait3A_156 = tpu.memref_squeeze %dma_wait3A_155 : memref<1x64x8xf32, #tpu.memory_space<vmem>> -> memref<64x8xf32, #tpu.memory_space<vmem>>
      tpu.wait_dma2 semaphore(%run_scoped3A_133 : memref<!tpu.dma_semaphore, #tpu.memory_space<semaphore_mem>>) src(%dma_wait3A_156 : memref<64x8xf32, #tpu.memory_space<vmem>>) dst(%dma_wait3A_152 : memref<64x8xf32, #tpu.memory_space<vmem_shared>>)
      tpu.yield
    }) : () -> ()
    %add3A_26 = arith.constant 512 : i32
    %add3A_27 = arith.addi %mul3A_2, %add3A_26 : i32
    %run_scoped3A_28 = arith.constant 0 : i32
    "tpu.region"() ({
      %run_scoped3A_133 = tpu.sem_alloc : memref<!tpu.dma_semaphore, #tpu.memory_space<semaphore_mem>>
      %dma_start3A = arith.constant 0 : i32
      %dma_start3A_134 = arith.constant 0 : i32
      %dma_start3A_135 = tpu.memref_slice %arg6[%run_scoped3A_28, %dma_start3A, %dma_start3A_134] : memref<2x112x8xf32, #tpu.memory_space<vmem>> -> memref<1x64x8xf32, #tpu.memory_space<vmem>>
      %dma_start3A_136 = tpu.memref_squeeze %dma_start3A_135 : memref<1x64x8xf32, #tpu.memory_space<vmem>> -> memref<64x8xf32, #tpu.memory_space<vmem>>
      %dma_start3A_137 = arith.constant 0 : i32
      %dma_start3A_138 = tpu.memref_slice %arg7[%add3A_27, %dma_start3A_137] : memref<10240x8xf32, #tpu.memory_space<vmem_shared>> -> memref<64x8xf32, #tpu.memory_space<vmem_shared>>
      %dma_start3A_139 = arith.constant 0 : i32
      %dma_start3A_140 = tpu.memref_slice %arg7[%add3A_27, %dma_start3A_139] : memref<10240x8xf32, #tpu.memory_space<vmem_shared>> -> memref<64x8xf32, #tpu.memory_space<vmem_shared>>
      %dma_start3A_141 = arith.constant 0 : i32
      %dma_start3A_142 = arith.constant 0 : i32
      %dma_start3A_143 = tpu.memref_slice %arg6[%run_scoped3A_28, %dma_start3A_141, %dma_start3A_142] : memref<2x112x8xf32, #tpu.memory_space<vmem>> -> memref<1x64x8xf32, #tpu.memory_space<vmem>>
      %dma_start3A_144 = tpu.memref_squeeze %dma_start3A_143 : memref<1x64x8xf32, #tpu.memory_space<vmem>> -> memref<64x8xf32, #tpu.memory_space<vmem>>
      tpu.enqueue_dma source(%dma_start3A_144 : memref<64x8xf32, #tpu.memory_space<vmem>>) target(%dma_start3A_140 : memref<64x8xf32, #tpu.memory_space<vmem_shared>>) target_semaphore(%run_scoped3A_133 : memref<!tpu.dma_semaphore, #tpu.memory_space<semaphore_mem>>)
      %dma_wait3A_145 = arith.constant 0 : i32
      %dma_wait3A_146 = arith.constant 0 : i32
      %dma_wait3A_147 = tpu.memref_slice %arg6[%run_scoped3A_28, %dma_wait3A_145, %dma_wait3A_146] : memref<2x112x8xf32, #tpu.memory_space<vmem>> -> memref<1x64x8xf32, #tpu.memory_space<vmem>>
      %dma_wait3A_148 = tpu.memref_squeeze %dma_wait3A_147 : memref<1x64x8xf32, #tpu.memory_space<vmem>> -> memref<64x8xf32, #tpu.memory_space<vmem>>
      %dma_wait3A_149 = arith.constant 0 : i32
      %dma_wait3A_150 = tpu.memref_slice %arg7[%add3A_27, %dma_wait3A_149] : memref<10240x8xf32, #tpu.memory_space<vmem_shared>> -> memref<64x8xf32, #tpu.memory_space<vmem_shared>>
      %dma_wait3A_151 = arith.constant 0 : i32
      %dma_wait3A_152 = tpu.memref_slice %arg7[%add3A_27, %dma_wait3A_151] : memref<10240x8xf32, #tpu.memory_space<vmem_shared>> -> memref<64x8xf32, #tpu.memory_space<vmem_shared>>
      %dma_wait3A_153 = arith.constant 0 : i32
      %dma_wait3A_154 = arith.constant 0 : i32
      %dma_wait3A_155 = tpu.memref_slice %arg6[%run_scoped3A_28, %dma_wait3A_153, %dma_wait3A_154] : memref<2x112x8xf32, #tpu.memory_space<vmem>> -> memref<1x64x8xf32, #tpu.memory_space<vmem>>
      %dma_wait3A_156 = tpu.memref_squeeze %dma_wait3A_155 : memref<1x64x8xf32, #tpu.memory_space<vmem>> -> memref<64x8xf32, #tpu.memory_space<vmem>>
      tpu.wait_dma2 semaphore(%run_scoped3A_133 : memref<!tpu.dma_semaphore, #tpu.memory_space<semaphore_mem>>) src(%dma_wait3A_156 : memref<64x8xf32, #tpu.memory_space<vmem>>) dst(%dma_wait3A_152 : memref<64x8xf32, #tpu.memory_space<vmem_shared>>)
      tpu.yield
    }) : () -> ()
    %add3A_29 = arith.constant 576 : i32
    %add3A_30 = arith.addi %mul3A_2, %add3A_29 : i32
    %run_scoped3A_31 = arith.constant 0 : i32
    "tpu.region"() ({
      %run_scoped3A_133 = tpu.sem_alloc : memref<!tpu.dma_semaphore, #tpu.memory_space<semaphore_mem>>
      %dma_start3A = arith.constant 0 : i32
      %dma_start3A_134 = arith.constant 0 : i32
      %dma_start3A_135 = tpu.memref_slice %arg6[%run_scoped3A_31, %dma_start3A, %dma_start3A_134] : memref<2x112x8xf32, #tpu.memory_space<vmem>> -> memref<1x64x8xf32, #tpu.memory_space<vmem>>
      %dma_start3A_136 = tpu.memref_squeeze %dma_start3A_135 : memref<1x64x8xf32, #tpu.memory_space<vmem>> -> memref<64x8xf32, #tpu.memory_space<vmem>>
      %dma_start3A_137 = arith.constant 0 : i32
      %dma_start3A_138 = tpu.memref_slice %arg7[%add3A_30, %dma_start3A_137] : memref<10240x8xf32, #tpu.memory_space<vmem_shared>> -> memref<64x8xf32, #tpu.memory_space<vmem_shared>>
      %dma_start3A_139 = arith.constant 0 : i32
      %dma_start3A_140 = tpu.memref_slice %arg7[%add3A_30, %dma_start3A_139] : memref<10240x8xf32, #tpu.memory_space<vmem_shared>> -> memref<64x8xf32, #tpu.memory_space<vmem_shared>>
      %dma_start3A_141 = arith.constant 0 : i32
      %dma_start3A_142 = arith.constant 0 : i32
      %dma_start3A_143 = tpu.memref_slice %arg6[%run_scoped3A_31, %dma_start3A_141, %dma_start3A_142] : memref<2x112x8xf32, #tpu.memory_space<vmem>> -> memref<1x64x8xf32, #tpu.memory_space<vmem>>
      %dma_start3A_144 = tpu.memref_squeeze %dma_start3A_143 : memref<1x64x8xf32, #tpu.memory_space<vmem>> -> memref<64x8xf32, #tpu.memory_space<vmem>>
      tpu.enqueue_dma source(%dma_start3A_144 : memref<64x8xf32, #tpu.memory_space<vmem>>) target(%dma_start3A_140 : memref<64x8xf32, #tpu.memory_space<vmem_shared>>) target_semaphore(%run_scoped3A_133 : memref<!tpu.dma_semaphore, #tpu.memory_space<semaphore_mem>>)
      %dma_wait3A_145 = arith.constant 0 : i32
      %dma_wait3A_146 = arith.constant 0 : i32
      %dma_wait3A_147 = tpu.memref_slice %arg6[%run_scoped3A_31, %dma_wait3A_145, %dma_wait3A_146] : memref<2x112x8xf32, #tpu.memory_space<vmem>> -> memref<1x64x8xf32, #tpu.memory_space<vmem>>
      %dma_wait3A_148 = tpu.memref_squeeze %dma_wait3A_147 : memref<1x64x8xf32, #tpu.memory_space<vmem>> -> memref<64x8xf32, #tpu.memory_space<vmem>>
      %dma_wait3A_149 = arith.constant 0 : i32
      %dma_wait3A_150 = tpu.memref_slice %arg7[%add3A_30, %dma_wait3A_149] : memref<10240x8xf32, #tpu.memory_space<vmem_shared>> -> memref<64x8xf32, #tpu.memory_space<vmem_shared>>
      %dma_wait3A_151 = arith.constant 0 : i32
      %dma_wait3A_152 = tpu.memref_slice %arg7[%add3A_30, %dma_wait3A_151] : memref<10240x8xf32, #tpu.memory_space<vmem_shared>> -> memref<64x8xf32, #tpu.memory_space<vmem_shared>>
      %dma_wait3A_153 = arith.constant 0 : i32
      %dma_wait3A_154 = arith.constant 0 : i32
      %dma_wait3A_155 = tpu.memref_slice %arg6[%run_scoped3A_31, %dma_wait3A_153, %dma_wait3A_154] : memref<2x112x8xf32, #tpu.memory_space<vmem>> -> memref<1x64x8xf32, #tpu.memory_space<vmem>>
      %dma_wait3A_156 = tpu.memref_squeeze %dma_wait3A_155 : memref<1x64x8xf32, #tpu.memory_space<vmem>> -> memref<64x8xf32, #tpu.memory_space<vmem>>
      tpu.wait_dma2 semaphore(%run_scoped3A_133 : memref<!tpu.dma_semaphore, #tpu.memory_space<semaphore_mem>>) src(%dma_wait3A_156 : memref<64x8xf32, #tpu.memory_space<vmem>>) dst(%dma_wait3A_152 : memref<64x8xf32, #tpu.memory_space<vmem_shared>>)
      tpu.yield
    }) : () -> ()
    "tpu.region"() ({
      %run_scoped3A_133 = tpu.sem_alloc : memref<!tpu.dma_semaphore, #tpu.memory_space<semaphore_mem>>
      %dma_start3A = arith.constant 0 : i32
      %dma_start3A_134 = arith.constant 0 : i32
      %dma_start3A_135 = tpu.memref_slice %arg2[%add3A, %dma_start3A, %dma_start3A_134] : memref<32x90x112xi32, #tpu.memory_space<hbm>> -> memref<1x90x112xi32, #tpu.memory_space<hbm>>
      %dma_start3A_136 = tpu.memref_squeeze %dma_start3A_135 : memref<1x90x112xi32, #tpu.memory_space<hbm>> -> memref<90x112xi32, #tpu.memory_space<hbm>>
      %dma_start3A_137 = arith.constant 0 : i32
      %dma_start3A_138 = arith.constant 0 : i32
      %dma_start3A_139 = tpu.memref_slice %arg2[%add3A, %dma_start3A_137, %dma_start3A_138] : memref<32x90x112xi32, #tpu.memory_space<hbm>> -> memref<1x90x112xi32, #tpu.memory_space<hbm>>
      %dma_start3A_140 = tpu.memref_squeeze %dma_start3A_139 : memref<1x90x112xi32, #tpu.memory_space<hbm>> -> memref<90x112xi32, #tpu.memory_space<hbm>>
      tpu.enqueue_dma source(%dma_start3A_140 : memref<90x112xi32, #tpu.memory_space<hbm>>) target(%arg5 : memref<90x112xi32, #tpu.memory_space<vmem>>) target_semaphore(%run_scoped3A_133 : memref<!tpu.dma_semaphore, #tpu.memory_space<semaphore_mem>>)
      %dma_wait3A_141 = arith.constant 0 : i32
      %dma_wait3A_142 = arith.constant 0 : i32
      %dma_wait3A_143 = tpu.memref_slice %arg2[%add3A, %dma_wait3A_141, %dma_wait3A_142] : memref<32x90x112xi32, #tpu.memory_space<hbm>> -> memref<1x90x112xi32, #tpu.memory_space<hbm>>
      %dma_wait3A_144 = tpu.memref_squeeze %dma_wait3A_143 : memref<1x90x112xi32, #tpu.memory_space<hbm>> -> memref<90x112xi32, #tpu.memory_space<hbm>>
      %dma_wait3A_145 = arith.constant 0 : i32
      %dma_wait3A_146 = arith.constant 0 : i32
      %dma_wait3A_147 = tpu.memref_slice %arg2[%add3A, %dma_wait3A_145, %dma_wait3A_146] : memref<32x90x112xi32, #tpu.memory_space<hbm>> -> memref<1x90x112xi32, #tpu.memory_space<hbm>>
      %dma_wait3A_148 = tpu.memref_squeeze %dma_wait3A_147 : memref<1x90x112xi32, #tpu.memory_space<hbm>> -> memref<90x112xi32, #tpu.memory_space<hbm>>
      tpu.wait_dma2 semaphore(%run_scoped3A_133 : memref<!tpu.dma_semaphore, #tpu.memory_space<semaphore_mem>>) src(%dma_wait3A_148 : memref<90x112xi32, #tpu.memory_space<hbm>>) dst(%arg5 : memref<90x112xi32, #tpu.memory_space<vmem>>)
      tpu.yield
    }) : () -> ()
    %barrier3A = arith.constant 0 : index
    tpu.barrier barrier_id(%barrier3A)
    %scan3A = arith.constant 0 : i32
    %scan3A_32 = arith.constant 0 : i32
    %scan3A_33 = arith.constant 90 : i32
    %scan3A_34 = arith.addi %scan3A_32, %scan3A_33 : i32
    %scan3A_35 = arith.constant 1 : i32
    scf.for %scan3A_133 = %scan3A_32 to %scan3A_34 step %scan3A_35  : i32 {
      %ge3A = arith.constant 8 : i32
      %ge3A_134 = arith.cmpi sge, %scan3A_133, %ge3A : i32
      %convert_element_type3A = arith.extui %ge3A_134 : i1 to i32
      %cond3A = arith.constant 0 : i32
      %cond3A_135 = arith.cmpi ne, %convert_element_type3A, %cond3A : i32
      scf.if %cond3A_135 {
        %sub3A = arith.constant 8 : i32
        %sub3A_146 = arith.subi %scan3A_133, %sub3A : i32
        %dma_wait3A_147 = arith.constant 1 : i32
        %dma_wait3A_148 = arith.constant 0 : i32
        %dma_wait3A_149 = arith.constant 0 : i32
        %dma_wait3A_150 = tpu.memref_slice %arg6[%dma_wait3A_147, %dma_wait3A_148, %dma_wait3A_149] : memref<2x112x8xf32, #tpu.memory_space<vmem>> -> memref<1x112x8xf32, #tpu.memory_space<vmem>>
        %dma_wait3A_151 = tpu.memref_squeeze %dma_wait3A_150 : memref<1x112x8xf32, #tpu.memory_space<vmem>> -> memref<112x8xf32, #tpu.memory_space<vmem>>
        %dma_wait3A_152 = arith.constant 0 : i32
        %dma_wait3A_153 = tpu.memref_slice %arg5[%sub3A_146, %dma_wait3A_152] : memref<90x112xi32, #tpu.memory_space<vmem>> -> memref<1x112xi32, #tpu.memory_space<vmem>>
        %dma_wait3A_154 = tpu.memref_squeeze %dma_wait3A_153 : memref<1x112xi32, #tpu.memory_space<vmem>> -> memref<112xi32, #tpu.memory_space<vmem>>
        %dma_wait3A_155 = arith.constant 0 : i32
        %dma_wait3A_156 = arith.constant 0 : i32
        %dma_wait3A_157 = tpu.memref_slice %arg7[%dma_wait3A_155, %dma_wait3A_156] : memref<10240x8xf32, #tpu.memory_space<vmem_shared>> -> memref<10240x8xf32, #tpu.memory_space<vmem_shared>>
        tpu.wait_indirect_dma semaphore(%arg8 : memref<!tpu.dma_semaphore, #tpu.memory_space<semaphore_mem>>) src(%dma_wait3A_151 : memref<112x8xf32, #tpu.memory_space<vmem>>) dst(%dma_wait3A_157 : memref<10240x8xf32, #tpu.memory_space<vmem_shared>>)
      } else {
      }
      %dma_start3A = arith.constant 1 : i32
      %dma_start3A_136 = arith.constant 0 : i32
      %dma_start3A_137 = arith.constant 0 : i32
      %dma_start3A_138 = tpu.memref_slice %arg6[%dma_start3A, %dma_start3A_136, %dma_start3A_137] : memref<2x112x8xf32, #tpu.memory_space<vmem>> -> memref<1x112x8xf32, #tpu.memory_space<vmem>>
      %dma_start3A_139 = tpu.memref_squeeze %dma_start3A_138 : memref<1x112x8xf32, #tpu.memory_space<vmem>> -> memref<112x8xf32, #tpu.memory_space<vmem>>
      %dma_start3A_140 = arith.constant 0 : i32
      %dma_start3A_141 = tpu.memref_slice %arg5[%scan3A_133, %dma_start3A_140] : memref<90x112xi32, #tpu.memory_space<vmem>> -> memref<1x112xi32, #tpu.memory_space<vmem>>
      %dma_start3A_142 = tpu.memref_squeeze %dma_start3A_141 : memref<1x112xi32, #tpu.memory_space<vmem>> -> memref<112xi32, #tpu.memory_space<vmem>>
      %dma_start3A_143 = arith.constant 0 : i32
      %dma_start3A_144 = arith.constant 0 : i32
      %dma_start3A_145 = tpu.memref_slice %arg7[%dma_start3A_143, %dma_start3A_144] : memref<10240x8xf32, #tpu.memory_space<vmem_shared>> -> memref<10240x8xf32, #tpu.memory_space<vmem_shared>>
      tpu.enqueue_indirect_dma source(%dma_start3A_139 : memref<112x8xf32, #tpu.memory_space<vmem>>) target(%dma_start3A_145 : memref<10240x8xf32, #tpu.memory_space<vmem_shared>>) offsets(%dma_start3A_142 : memref<112xi32, #tpu.memory_space<vmem>>) semaphore(%arg8 : memref<!tpu.dma_semaphore, #tpu.memory_space<semaphore_mem>>) {add = true}
    }
    %scan3A_36 = arith.constant 90 : i32
    %dma_wait3A = arith.constant 1 : i32
    %dma_wait3A_37 = arith.constant 82 : i32
    %dma_wait3A_38 = arith.constant 0 : i32
    %dma_wait3A_39 = arith.constant 0 : i32
    %dma_wait3A_40 = tpu.memref_slice %arg6[%dma_wait3A, %dma_wait3A_38, %dma_wait3A_39] : memref<2x112x8xf32, #tpu.memory_space<vmem>> -> memref<1x112x8xf32, #tpu.memory_space<vmem>>
    %dma_wait3A_41 = tpu.memref_squeeze %dma_wait3A_40 : memref<1x112x8xf32, #tpu.memory_space<vmem>> -> memref<112x8xf32, #tpu.memory_space<vmem>>
    %dma_wait3A_42 = arith.constant 0 : i32
    %dma_wait3A_43 = tpu.memref_slice %arg5[%dma_wait3A_37, %dma_wait3A_42] : memref<90x112xi32, #tpu.memory_space<vmem>> -> memref<1x112xi32, #tpu.memory_space<vmem>>
    %dma_wait3A_44 = tpu.memref_squeeze %dma_wait3A_43 : memref<1x112xi32, #tpu.memory_space<vmem>> -> memref<112xi32, #tpu.memory_space<vmem>>
    %dma_wait3A_45 = arith.constant 0 : i32
    %dma_wait3A_46 = arith.constant 0 : i32
    %dma_wait3A_47 = tpu.memref_slice %arg7[%dma_wait3A_45, %dma_wait3A_46] : memref<10240x8xf32, #tpu.memory_space<vmem_shared>> -> memref<10240x8xf32, #tpu.memory_space<vmem_shared>>
    tpu.wait_indirect_dma semaphore(%arg8 : memref<!tpu.dma_semaphore, #tpu.memory_space<semaphore_mem>>) src(%dma_wait3A_41 : memref<112x8xf32, #tpu.memory_space<vmem>>) dst(%dma_wait3A_47 : memref<10240x8xf32, #tpu.memory_space<vmem_shared>>)
    %dma_wait3A_48 = arith.constant 1 : i32
    %dma_wait3A_49 = arith.constant 83 : i32
    %dma_wait3A_50 = arith.constant 0 : i32
    %dma_wait3A_51 = arith.constant 0 : i32
    %dma_wait3A_52 = tpu.memref_slice %arg6[%dma_wait3A_48, %dma_wait3A_50, %dma_wait3A_51] : memref<2x112x8xf32, #tpu.memory_space<vmem>> -> memref<1x112x8xf32, #tpu.memory_space<vmem>>
    %dma_wait3A_53 = tpu.memref_squeeze %dma_wait3A_52 : memref<1x112x8xf32, #tpu.memory_space<vmem>> -> memref<112x8xf32, #tpu.memory_space<vmem>>
    %dma_wait3A_54 = arith.constant 0 : i32
    %dma_wait3A_55 = tpu.memref_slice %arg5[%dma_wait3A_49, %dma_wait3A_54] : memref<90x112xi32, #tpu.memory_space<vmem>> -> memref<1x112xi32, #tpu.memory_space<vmem>>
    %dma_wait3A_56 = tpu.memref_squeeze %dma_wait3A_55 : memref<1x112xi32, #tpu.memory_space<vmem>> -> memref<112xi32, #tpu.memory_space<vmem>>
    %dma_wait3A_57 = arith.constant 0 : i32
    %dma_wait3A_58 = arith.constant 0 : i32
    %dma_wait3A_59 = tpu.memref_slice %arg7[%dma_wait3A_57, %dma_wait3A_58] : memref<10240x8xf32, #tpu.memory_space<vmem_shared>> -> memref<10240x8xf32, #tpu.memory_space<vmem_shared>>
    tpu.wait_indirect_dma semaphore(%arg8 : memref<!tpu.dma_semaphore, #tpu.memory_space<semaphore_mem>>) src(%dma_wait3A_53 : memref<112x8xf32, #tpu.memory_space<vmem>>) dst(%dma_wait3A_59 : memref<10240x8xf32, #tpu.memory_space<vmem_shared>>)
    %dma_wait3A_60 = arith.constant 1 : i32
    %dma_wait3A_61 = arith.constant 84 : i32
    %dma_wait3A_62 = arith.constant 0 : i32
    %dma_wait3A_63 = arith.constant 0 : i32
    %dma_wait3A_64 = tpu.memref_slice %arg6[%dma_wait3A_60, %dma_wait3A_62, %dma_wait3A_63] : memref<2x112x8xf32, #tpu.memory_space<vmem>> -> memref<1x112x8xf32, #tpu.memory_space<vmem>>
    %dma_wait3A_65 = tpu.memref_squeeze %dma_wait3A_64 : memref<1x112x8xf32, #tpu.memory_space<vmem>> -> memref<112x8xf32, #tpu.memory_space<vmem>>
    %dma_wait3A_66 = arith.constant 0 : i32
    %dma_wait3A_67 = tpu.memref_slice %arg5[%dma_wait3A_61, %dma_wait3A_66] : memref<90x112xi32, #tpu.memory_space<vmem>> -> memref<1x112xi32, #tpu.memory_space<vmem>>
    %dma_wait3A_68 = tpu.memref_squeeze %dma_wait3A_67 : memref<1x112xi32, #tpu.memory_space<vmem>> -> memref<112xi32, #tpu.memory_space<vmem>>
    %dma_wait3A_69 = arith.constant 0 : i32
    %dma_wait3A_70 = arith.constant 0 : i32
    %dma_wait3A_71 = tpu.memref_slice %arg7[%dma_wait3A_69, %dma_wait3A_70] : memref<10240x8xf32, #tpu.memory_space<vmem_shared>> -> memref<10240x8xf32, #tpu.memory_space<vmem_shared>>
    tpu.wait_indirect_dma semaphore(%arg8 : memref<!tpu.dma_semaphore, #tpu.memory_space<semaphore_mem>>) src(%dma_wait3A_65 : memref<112x8xf32, #tpu.memory_space<vmem>>) dst(%dma_wait3A_71 : memref<10240x8xf32, #tpu.memory_space<vmem_shared>>)
    %dma_wait3A_72 = arith.constant 1 : i32
    %dma_wait3A_73 = arith.constant 85 : i32
    %dma_wait3A_74 = arith.constant 0 : i32
    %dma_wait3A_75 = arith.constant 0 : i32
    %dma_wait3A_76 = tpu.memref_slice %arg6[%dma_wait3A_72, %dma_wait3A_74, %dma_wait3A_75] : memref<2x112x8xf32, #tpu.memory_space<vmem>> -> memref<1x112x8xf32, #tpu.memory_space<vmem>>
    %dma_wait3A_77 = tpu.memref_squeeze %dma_wait3A_76 : memref<1x112x8xf32, #tpu.memory_space<vmem>> -> memref<112x8xf32, #tpu.memory_space<vmem>>
    %dma_wait3A_78 = arith.constant 0 : i32
    %dma_wait3A_79 = tpu.memref_slice %arg5[%dma_wait3A_73, %dma_wait3A_78] : memref<90x112xi32, #tpu.memory_space<vmem>> -> memref<1x112xi32, #tpu.memory_space<vmem>>
    %dma_wait3A_80 = tpu.memref_squeeze %dma_wait3A_79 : memref<1x112xi32, #tpu.memory_space<vmem>> -> memref<112xi32, #tpu.memory_space<vmem>>
    %dma_wait3A_81 = arith.constant 0 : i32
    %dma_wait3A_82 = arith.constant 0 : i32
    %dma_wait3A_83 = tpu.memref_slice %arg7[%dma_wait3A_81, %dma_wait3A_82] : memref<10240x8xf32, #tpu.memory_space<vmem_shared>> -> memref<10240x8xf32, #tpu.memory_space<vmem_shared>>
    tpu.wait_indirect_dma semaphore(%arg8 : memref<!tpu.dma_semaphore, #tpu.memory_space<semaphore_mem>>) src(%dma_wait3A_77 : memref<112x8xf32, #tpu.memory_space<vmem>>) dst(%dma_wait3A_83 : memref<10240x8xf32, #tpu.memory_space<vmem_shared>>)
    %dma_wait3A_84 = arith.constant 1 : i32
    %dma_wait3A_85 = arith.constant 86 : i32
    %dma_wait3A_86 = arith.constant 0 : i32
    %dma_wait3A_87 = arith.constant 0 : i32
    %dma_wait3A_88 = tpu.memref_slice %arg6[%dma_wait3A_84, %dma_wait3A_86, %dma_wait3A_87] : memref<2x112x8xf32, #tpu.memory_space<vmem>> -> memref<1x112x8xf32, #tpu.memory_space<vmem>>
    %dma_wait3A_89 = tpu.memref_squeeze %dma_wait3A_88 : memref<1x112x8xf32, #tpu.memory_space<vmem>> -> memref<112x8xf32, #tpu.memory_space<vmem>>
    %dma_wait3A_90 = arith.constant 0 : i32
    %dma_wait3A_91 = tpu.memref_slice %arg5[%dma_wait3A_85, %dma_wait3A_90] : memref<90x112xi32, #tpu.memory_space<vmem>> -> memref<1x112xi32, #tpu.memory_space<vmem>>
    %dma_wait3A_92 = tpu.memref_squeeze %dma_wait3A_91 : memref<1x112xi32, #tpu.memory_space<vmem>> -> memref<112xi32, #tpu.memory_space<vmem>>
    %dma_wait3A_93 = arith.constant 0 : i32
    %dma_wait3A_94 = arith.constant 0 : i32
    %dma_wait3A_95 = tpu.memref_slice %arg7[%dma_wait3A_93, %dma_wait3A_94] : memref<10240x8xf32, #tpu.memory_space<vmem_shared>> -> memref<10240x8xf32, #tpu.memory_space<vmem_shared>>
    tpu.wait_indirect_dma semaphore(%arg8 : memref<!tpu.dma_semaphore, #tpu.memory_space<semaphore_mem>>) src(%dma_wait3A_89 : memref<112x8xf32, #tpu.memory_space<vmem>>) dst(%dma_wait3A_95 : memref<10240x8xf32, #tpu.memory_space<vmem_shared>>)
    %dma_wait3A_96 = arith.constant 1 : i32
    %dma_wait3A_97 = arith.constant 87 : i32
    %dma_wait3A_98 = arith.constant 0 : i32
    %dma_wait3A_99 = arith.constant 0 : i32
    %dma_wait3A_100 = tpu.memref_slice %arg6[%dma_wait3A_96, %dma_wait3A_98, %dma_wait3A_99] : memref<2x112x8xf32, #tpu.memory_space<vmem>> -> memref<1x112x8xf32, #tpu.memory_space<vmem>>
    %dma_wait3A_101 = tpu.memref_squeeze %dma_wait3A_100 : memref<1x112x8xf32, #tpu.memory_space<vmem>> -> memref<112x8xf32, #tpu.memory_space<vmem>>
    %dma_wait3A_102 = arith.constant 0 : i32
    %dma_wait3A_103 = tpu.memref_slice %arg5[%dma_wait3A_97, %dma_wait3A_102] : memref<90x112xi32, #tpu.memory_space<vmem>> -> memref<1x112xi32, #tpu.memory_space<vmem>>
    %dma_wait3A_104 = tpu.memref_squeeze %dma_wait3A_103 : memref<1x112xi32, #tpu.memory_space<vmem>> -> memref<112xi32, #tpu.memory_space<vmem>>
    %dma_wait3A_105 = arith.constant 0 : i32
    %dma_wait3A_106 = arith.constant 0 : i32
    %dma_wait3A_107 = tpu.memref_slice %arg7[%dma_wait3A_105, %dma_wait3A_106] : memref<10240x8xf32, #tpu.memory_space<vmem_shared>> -> memref<10240x8xf32, #tpu.memory_space<vmem_shared>>
    tpu.wait_indirect_dma semaphore(%arg8 : memref<!tpu.dma_semaphore, #tpu.memory_space<semaphore_mem>>) src(%dma_wait3A_101 : memref<112x8xf32, #tpu.memory_space<vmem>>) dst(%dma_wait3A_107 : memref<10240x8xf32, #tpu.memory_space<vmem_shared>>)
    %dma_wait3A_108 = arith.constant 1 : i32
    %dma_wait3A_109 = arith.constant 88 : i32
    %dma_wait3A_110 = arith.constant 0 : i32
    %dma_wait3A_111 = arith.constant 0 : i32
    %dma_wait3A_112 = tpu.memref_slice %arg6[%dma_wait3A_108, %dma_wait3A_110, %dma_wait3A_111] : memref<2x112x8xf32, #tpu.memory_space<vmem>> -> memref<1x112x8xf32, #tpu.memory_space<vmem>>
    %dma_wait3A_113 = tpu.memref_squeeze %dma_wait3A_112 : memref<1x112x8xf32, #tpu.memory_space<vmem>> -> memref<112x8xf32, #tpu.memory_space<vmem>>
    %dma_wait3A_114 = arith.constant 0 : i32
    %dma_wait3A_115 = tpu.memref_slice %arg5[%dma_wait3A_109, %dma_wait3A_114] : memref<90x112xi32, #tpu.memory_space<vmem>> -> memref<1x112xi32, #tpu.memory_space<vmem>>
    %dma_wait3A_116 = tpu.memref_squeeze %dma_wait3A_115 : memref<1x112xi32, #tpu.memory_space<vmem>> -> memref<112xi32, #tpu.memory_space<vmem>>
    %dma_wait3A_117 = arith.constant 0 : i32
    %dma_wait3A_118 = arith.constant 0 : i32
    %dma_wait3A_119 = tpu.memref_slice %arg7[%dma_wait3A_117, %dma_wait3A_118] : memref<10240x8xf32, #tpu.memory_space<vmem_shared>> -> memref<10240x8xf32, #tpu.memory_space<vmem_shared>>
    tpu.wait_indirect_dma semaphore(%arg8 : memref<!tpu.dma_semaphore, #tpu.memory_space<semaphore_mem>>) src(%dma_wait3A_113 : memref<112x8xf32, #tpu.memory_space<vmem>>) dst(%dma_wait3A_119 : memref<10240x8xf32, #tpu.memory_space<vmem_shared>>)
    %dma_wait3A_120 = arith.constant 1 : i32
    %dma_wait3A_121 = arith.constant 89 : i32
    %dma_wait3A_122 = arith.constant 0 : i32
    %dma_wait3A_123 = arith.constant 0 : i32
    %dma_wait3A_124 = tpu.memref_slice %arg6[%dma_wait3A_120, %dma_wait3A_122, %dma_wait3A_123] : memref<2x112x8xf32, #tpu.memory_space<vmem>> -> memref<1x112x8xf32, #tpu.memory_space<vmem>>
    %dma_wait3A_125 = tpu.memref_squeeze %dma_wait3A_124 : memref<1x112x8xf32, #tpu.memory_space<vmem>> -> memref<112x8xf32, #tpu.memory_space<vmem>>
    %dma_wait3A_126 = arith.constant 0 : i32
    %dma_wait3A_127 = tpu.memref_slice %arg5[%dma_wait3A_121, %dma_wait3A_126] : memref<90x112xi32, #tpu.memory_space<vmem>> -> memref<1x112xi32, #tpu.memory_space<vmem>>
    %dma_wait3A_128 = tpu.memref_squeeze %dma_wait3A_127 : memref<1x112xi32, #tpu.memory_space<vmem>> -> memref<112xi32, #tpu.memory_space<vmem>>
    %dma_wait3A_129 = arith.constant 0 : i32
    %dma_wait3A_130 = arith.constant 0 : i32
    %dma_wait3A_131 = tpu.memref_slice %arg7[%dma_wait3A_129, %dma_wait3A_130] : memref<10240x8xf32, #tpu.memory_space<vmem_shared>> -> memref<10240x8xf32, #tpu.memory_space<vmem_shared>>
    tpu.wait_indirect_dma semaphore(%arg8 : memref<!tpu.dma_semaphore, #tpu.memory_space<semaphore_mem>>) src(%dma_wait3A_125 : memref<112x8xf32, #tpu.memory_space<vmem>>) dst(%dma_wait3A_131 : memref<10240x8xf32, #tpu.memory_space<vmem_shared>>)
    %barrier3A_132 = arith.constant 0 : index
    tpu.barrier barrier_id(%barrier3A_132)
    "tpu.region"() ({
      %run_scoped3A_133 = tpu.sem_alloc : memref<!tpu.dma_semaphore, #tpu.memory_space<semaphore_mem>>
      %dma_start3A = arith.constant 0 : i32
      %dma_start3A_134 = tpu.memref_slice %arg4[%arg0, %mul3A_2, %dma_start3A] : memref<2x10240x8xf32, #tpu.memory_space<hbm>> -> memref<1x640x8xf32, #tpu.memory_space<hbm>>
      %dma_start3A_135 = tpu.memref_squeeze %dma_start3A_134 : memref<1x640x8xf32, #tpu.memory_space<hbm>> -> memref<640x8xf32, #tpu.memory_space<hbm>>
      %dma_start3A_136 = arith.constant 0 : i32
      %dma_start3A_137 = tpu.memref_slice %arg7[%mul3A_2, %dma_start3A_136] : memref<10240x8xf32, #tpu.memory_space<vmem_shared>> -> memref<640x8xf32, #tpu.memory_space<vmem_shared>>
      tpu.enqueue_dma source(%dma_start3A_137 : memref<640x8xf32, #tpu.memory_space<vmem_shared>>) target(%dma_start3A_135 : memref<640x8xf32, #tpu.memory_space<hbm>>) target_semaphore(%run_scoped3A_133 : memref<!tpu.dma_semaphore, #tpu.memory_space<semaphore_mem>>)
      %dma_wait3A_138 = arith.constant 0 : i32
      %dma_wait3A_139 = tpu.memref_slice %arg4[%arg0, %mul3A_2, %dma_wait3A_138] : memref<2x10240x8xf32, #tpu.memory_space<hbm>> -> memref<1x640x8xf32, #tpu.memory_space<hbm>>
      %dma_wait3A_140 = tpu.memref_squeeze %dma_wait3A_139 : memref<1x640x8xf32, #tpu.memory_space<hbm>> -> memref<640x8xf32, #tpu.memory_space<hbm>>
      %dma_wait3A_141 = arith.constant 0 : i32
      %dma_wait3A_142 = tpu.memref_slice %arg7[%mul3A_2, %dma_wait3A_141] : memref<10240x8xf32, #tpu.memory_space<vmem_shared>> -> memref<640x8xf32, #tpu.memory_space<vmem_shared>>
      tpu.wait_dma2 semaphore(%run_scoped3A_133 : memref<!tpu.dma_semaphore, #tpu.memory_space<semaphore_mem>>) src(%dma_wait3A_142 : memref<640x8xf32, #tpu.memory_space<vmem_shared>>) dst(%dma_wait3A_140 : memref<640x8xf32, #tpu.memory_space<hbm>>)
      tpu.yield
    }) : () -> ()
    return
  }
}

#map = affine_map<(d0, d1) -> (0, 0)>
#map1 = affine_map<(d0, d1) -> (0, 0, 0)>
module attributes {stable_mosaic.version = 14 : i64} {
  func.func @k(%arg0: i32, %arg1: i32, %arg2: memref<10000x40xf32, #tpu.memory_space<hbm>>, %arg3: memref<32x90x112xi32, #tpu.memory_space<hbm>>, %arg4: memref<32x90x112xi32, #tpu.memory_space<hbm>>, %arg5: memref<2x10240x40xf32, #tpu.memory_space<hbm>>, %arg6: memref<8x112xi32, #tpu.memory_space<vmem>>, %arg7: memref<8x112xi32, #tpu.memory_space<vmem>>, %arg8: memref<3x112x40xf32, #tpu.memory_space<vmem>>, %arg9: memref<10240x40xf32, #tpu.memory_space<vmem_shared>>, %arg10: memref<!tpu.dma_semaphore, #tpu.memory_space<semaphore_mem>>, %arg11: memref<!tpu.dma_semaphore, #tpu.memory_space<semaphore_mem>>, %arg12: memref<!tpu.dma_semaphore, #tpu.memory_space<semaphore_mem>>, %arg13: memref<!tpu.dma_semaphore, #tpu.memory_space<semaphore_mem>>) attributes {dimension_semantics = [#tpu.dimension_semantics<core_parallel>, #tpu.dimension_semantics<subcore_parallel>], iteration_bounds = array<i64: 2, 16>, scalar_prefetch = 0 : i64, scratch_operands = 8 : i64, tpu.core_type = #tpu.core_type<sc_vector_subcore>, window_params = [{transform_indices = #map}, {transform_indices = #map1}, {transform_indices = #map1}, {transform_indices = #map1}]} {
    %mul3A = arith.constant 2 : i32
    %mul3A_0 = arith.muli %arg1, %mul3A : i32
    %add3A = arith.addi %mul3A_0, %arg0 : i32
    %mul3A_1 = arith.constant 640 : i32
    %mul3A_2 = arith.muli %arg1, %mul3A_1 : i32
    %dma_start3A = arith.constant 0 : i32
    %dma_start3A_3 = arith.constant 0 : i32
    %dma_start3A_4 = arith.constant 0 : i32
    %dma_start3A_5 = tpu.memref_slice %arg6[%dma_start3A_3, %dma_start3A_4] : memref<8x112xi32, #tpu.memory_space<vmem>> -> memref<1x112xi32, #tpu.memory_space<vmem>>
    %dma_start3A_6 = tpu.memref_squeeze %dma_start3A_5 : memref<1x112xi32, #tpu.memory_space<vmem>> -> memref<112xi32, #tpu.memory_space<vmem>>
    %dma_start3A_7 = arith.constant 0 : i32
    %dma_start3A_8 = tpu.memref_slice %arg3[%add3A, %dma_start3A, %dma_start3A_7] : memref<32x90x112xi32, #tpu.memory_space<hbm>> -> memref<1x1x112xi32, #tpu.memory_space<hbm>>
    %dma_start3A_9 = tpu.memref_squeeze %dma_start3A_8 : memref<1x1x112xi32, #tpu.memory_space<hbm>> -> memref<112xi32, #tpu.memory_space<hbm>>
    %dma_start3A_10 = arith.constant 0 : i32
    %dma_start3A_11 = tpu.memref_slice %arg6[%dma_start3A_3, %dma_start3A_10] : memref<8x112xi32, #tpu.memory_space<vmem>> -> memref<1x112xi32, #tpu.memory_space<vmem>>
    %dma_start3A_12 = tpu.memref_squeeze %dma_start3A_11 : memref<1x112xi32, #tpu.memory_space<vmem>> -> memref<112xi32, #tpu.memory_space<vmem>>
    %dma_start3A_13 = arith.constant 0 : i32
    %dma_start3A_14 = tpu.memref_slice %arg3[%add3A, %dma_start3A, %dma_start3A_13] : memref<32x90x112xi32, #tpu.memory_space<hbm>> -> memref<1x1x112xi32, #tpu.memory_space<hbm>>
    %dma_start3A_15 = tpu.memref_squeeze %dma_start3A_14 : memref<1x1x112xi32, #tpu.memory_space<hbm>> -> memref<112xi32, #tpu.memory_space<hbm>>
    tpu.enqueue_dma source(%dma_start3A_15 : memref<112xi32, #tpu.memory_space<hbm>>) target(%dma_start3A_12 : memref<112xi32, #tpu.memory_space<vmem>>) target_semaphore(%arg12 : memref<!tpu.dma_semaphore, #tpu.memory_space<semaphore_mem>>)
    %dma_start3A_16 = arith.constant 0 : i32
    %dma_start3A_17 = arith.constant 0 : i32
    %dma_start3A_18 = arith.constant 0 : i32
    %dma_start3A_19 = tpu.memref_slice %arg7[%dma_start3A_17, %dma_start3A_18] : memref<8x112xi32, #tpu.memory_space<vmem>> -> memref<1x112xi32, #tpu.memory_space<vmem>>
    %dma_start3A_20 = tpu.memref_squeeze %dma_start3A_19 : memref<1x112xi32, #tpu.memory_space<vmem>> -> memref<112xi32, #tpu.memory_space<vmem>>
    %dma_start3A_21 = arith.constant 0 : i32
    %dma_start3A_22 = tpu.memref_slice %arg4[%add3A, %dma_start3A_16, %dma_start3A_21] : memref<32x90x112xi32, #tpu.memory_space<hbm>> -> memref<1x1x112xi32, #tpu.memory_space<hbm>>
    %dma_start3A_23 = tpu.memref_squeeze %dma_start3A_22 : memref<1x1x112xi32, #tpu.memory_space<hbm>> -> memref<112xi32, #tpu.memory_space<hbm>>
    %dma_start3A_24 = arith.constant 0 : i32
    %dma_start3A_25 = tpu.memref_slice %arg7[%dma_start3A_17, %dma_start3A_24] : memref<8x112xi32, #tpu.memory_space<vmem>> -> memref<1x112xi32, #tpu.memory_space<vmem>>
    %dma_start3A_26 = tpu.memref_squeeze %dma_start3A_25 : memref<1x112xi32, #tpu.memory_space<vmem>> -> memref<112xi32, #tpu.memory_space<vmem>>
    %dma_start3A_27 = arith.constant 0 : i32
    %dma_start3A_28 = tpu.memref_slice %arg4[%add3A, %dma_start3A_16, %dma_start3A_27] : memref<32x90x112xi32, #tpu.memory_space<hbm>> -> memref<1x1x112xi32, #tpu.memory_space<hbm>>
    %dma_start3A_29 = tpu.memref_squeeze %dma_start3A_28 : memref<1x1x112xi32, #tpu.memory_space<hbm>> -> memref<112xi32, #tpu.memory_space<hbm>>
    tpu.enqueue_dma source(%dma_start3A_29 : memref<112xi32, #tpu.memory_space<hbm>>) target(%dma_start3A_26 : memref<112xi32, #tpu.memory_space<vmem>>) target_semaphore(%arg13 : memref<!tpu.dma_semaphore, #tpu.memory_space<semaphore_mem>>)
    %dma_start3A_30 = arith.constant 1 : i32
    %dma_start3A_31 = arith.constant 1 : i32
    %dma_start3A_32 = arith.constant 0 : i32
    %dma_start3A_33 = tpu.memref_slice %arg6[%dma_start3A_31, %dma_start3A_32] : memref<8x112xi32, #tpu.memory_space<vmem>> -> memref<1x112xi32, #tpu.memory_space<vmem>>
    %dma_start3A_34 = tpu.memref_squeeze %dma_start3A_33 : memref<1x112xi32, #tpu.memory_space<vmem>> -> memref<112xi32, #tpu.memory_space<vmem>>
    %dma_start3A_35 = arith.constant 0 : i32
    %dma_start3A_36 = tpu.memref_slice %arg3[%add3A, %dma_start3A_30, %dma_start3A_35] : memref<32x90x112xi32, #tpu.memory_space<hbm>> -> memref<1x1x112xi32, #tpu.memory_space<hbm>>
    %dma_start3A_37 = tpu.memref_squeeze %dma_start3A_36 : memref<1x1x112xi32, #tpu.memory_space<hbm>> -> memref<112xi32, #tpu.memory_space<hbm>>
    %dma_start3A_38 = arith.constant 0 : i32
    %dma_start3A_39 = tpu.memref_slice %arg6[%dma_start3A_31, %dma_start3A_38] : memref<8x112xi32, #tpu.memory_space<vmem>> -> memref<1x112xi32, #tpu.memory_space<vmem>>
    %dma_start3A_40 = tpu.memref_squeeze %dma_start3A_39 : memref<1x112xi32, #tpu.memory_space<vmem>> -> memref<112xi32, #tpu.memory_space<vmem>>
    %dma_start3A_41 = arith.constant 0 : i32
    %dma_start3A_42 = tpu.memref_slice %arg3[%add3A, %dma_start3A_30, %dma_start3A_41] : memref<32x90x112xi32, #tpu.memory_space<hbm>> -> memref<1x1x112xi32, #tpu.memory_space<hbm>>
    %dma_start3A_43 = tpu.memref_squeeze %dma_start3A_42 : memref<1x1x112xi32, #tpu.memory_space<hbm>> -> memref<112xi32, #tpu.memory_space<hbm>>
    tpu.enqueue_dma source(%dma_start3A_43 : memref<112xi32, #tpu.memory_space<hbm>>) target(%dma_start3A_40 : memref<112xi32, #tpu.memory_space<vmem>>) target_semaphore(%arg12 : memref<!tpu.dma_semaphore, #tpu.memory_space<semaphore_mem>>)
    %dma_start3A_44 = arith.constant 1 : i32
    %dma_start3A_45 = arith.constant 1 : i32
    %dma_start3A_46 = arith.constant 0 : i32
    %dma_start3A_47 = tpu.memref_slice %arg7[%dma_start3A_45, %dma_start3A_46] : memref<8x112xi32, #tpu.memory_space<vmem>> -> memref<1x112xi32, #tpu.memory_space<vmem>>
    %dma_start3A_48 = tpu.memref_squeeze %dma_start3A_47 : memref<1x112xi32, #tpu.memory_space<vmem>> -> memref<112xi32, #tpu.memory_space<vmem>>
    %dma_start3A_49 = arith.constant 0 : i32
    %dma_start3A_50 = tpu.memref_slice %arg4[%add3A, %dma_start3A_44, %dma_start3A_49] : memref<32x90x112xi32, #tpu.memory_space<hbm>> -> memref<1x1x112xi32, #tpu.memory_space<hbm>>
    %dma_start3A_51 = tpu.memref_squeeze %dma_start3A_50 : memref<1x1x112xi32, #tpu.memory_space<hbm>> -> memref<112xi32, #tpu.memory_space<hbm>>
    %dma_start3A_52 = arith.constant 0 : i32
    %dma_start3A_53 = tpu.memref_slice %arg7[%dma_start3A_45, %dma_start3A_52] : memref<8x112xi32, #tpu.memory_space<vmem>> -> memref<1x112xi32, #tpu.memory_space<vmem>>
    %dma_start3A_54 = tpu.memref_squeeze %dma_start3A_53 : memref<1x112xi32, #tpu.memory_space<vmem>> -> memref<112xi32, #tpu.memory_space<vmem>>
    %dma_start3A_55 = arith.constant 0 : i32
    %dma_start3A_56 = tpu.memref_slice %arg4[%add3A, %dma_start3A_44, %dma_start3A_55] : memref<32x90x112xi32, #tpu.memory_space<hbm>> -> memref<1x1x112xi32, #tpu.memory_space<hbm>>
    %dma_start3A_57 = tpu.memref_squeeze %dma_start3A_56 : memref<1x1x112xi32, #tpu.memory_space<hbm>> -> memref<112xi32, #tpu.memory_space<hbm>>
    tpu.enqueue_dma source(%dma_start3A_57 : memref<112xi32, #tpu.memory_space<hbm>>) target(%dma_start3A_54 : memref<112xi32, #tpu.memory_space<vmem>>) target_semaphore(%arg13 : memref<!tpu.dma_semaphore, #tpu.memory_space<semaphore_mem>>)
    %dma_start3A_58 = arith.constant 2 : i32
    %dma_start3A_59 = arith.constant 2 : i32
    %dma_start3A_60 = arith.constant 0 : i32
    %dma_start3A_61 = tpu.memref_slice %arg6[%dma_start3A_59, %dma_start3A_60] : memref<8x112xi32, #tpu.memory_space<vmem>> -> memref<1x112xi32, #tpu.memory_space<vmem>>
    %dma_start3A_62 = tpu.memref_squeeze %dma_start3A_61 : memref<1x112xi32, #tpu.memory_space<vmem>> -> memref<112xi32, #tpu.memory_space<vmem>>
    %dma_start3A_63 = arith.constant 0 : i32
    %dma_start3A_64 = tpu.memref_slice %arg3[%add3A, %dma_start3A_58, %dma_start3A_63] : memref<32x90x112xi32, #tpu.memory_space<hbm>> -> memref<1x1x112xi32, #tpu.memory_space<hbm>>
    %dma_start3A_65 = tpu.memref_squeeze %dma_start3A_64 : memref<1x1x112xi32, #tpu.memory_space<hbm>> -> memref<112xi32, #tpu.memory_space<hbm>>
    %dma_start3A_66 = arith.constant 0 : i32
    %dma_start3A_67 = tpu.memref_slice %arg6[%dma_start3A_59, %dma_start3A_66] : memref<8x112xi32, #tpu.memory_space<vmem>> -> memref<1x112xi32, #tpu.memory_space<vmem>>
    %dma_start3A_68 = tpu.memref_squeeze %dma_start3A_67 : memref<1x112xi32, #tpu.memory_space<vmem>> -> memref<112xi32, #tpu.memory_space<vmem>>
    %dma_start3A_69 = arith.constant 0 : i32
    %dma_start3A_70 = tpu.memref_slice %arg3[%add3A, %dma_start3A_58, %dma_start3A_69] : memref<32x90x112xi32, #tpu.memory_space<hbm>> -> memref<1x1x112xi32, #tpu.memory_space<hbm>>
    %dma_start3A_71 = tpu.memref_squeeze %dma_start3A_70 : memref<1x1x112xi32, #tpu.memory_space<hbm>> -> memref<112xi32, #tpu.memory_space<hbm>>
    tpu.enqueue_dma source(%dma_start3A_71 : memref<112xi32, #tpu.memory_space<hbm>>) target(%dma_start3A_68 : memref<112xi32, #tpu.memory_space<vmem>>) target_semaphore(%arg12 : memref<!tpu.dma_semaphore, #tpu.memory_space<semaphore_mem>>)
    %dma_start3A_72 = arith.constant 2 : i32
    %dma_start3A_73 = arith.constant 2 : i32
    %dma_start3A_74 = arith.constant 0 : i32
    %dma_start3A_75 = tpu.memref_slice %arg7[%dma_start3A_73, %dma_start3A_74] : memref<8x112xi32, #tpu.memory_space<vmem>> -> memref<1x112xi32, #tpu.memory_space<vmem>>
    %dma_start3A_76 = tpu.memref_squeeze %dma_start3A_75 : memref<1x112xi32, #tpu.memory_space<vmem>> -> memref<112xi32, #tpu.memory_space<vmem>>
    %dma_start3A_77 = arith.constant 0 : i32
    %dma_start3A_78 = tpu.memref_slice %arg4[%add3A, %dma_start3A_72, %dma_start3A_77] : memref<32x90x112xi32, #tpu.memory_space<hbm>> -> memref<1x1x112xi32, #tpu.memory_space<hbm>>
    %dma_start3A_79 = tpu.memref_squeeze %dma_start3A_78 : memref<1x1x112xi32, #tpu.memory_space<hbm>> -> memref<112xi32, #tpu.memory_space<hbm>>
    %dma_start3A_80 = arith.constant 0 : i32
    %dma_start3A_81 = tpu.memref_slice %arg7[%dma_start3A_73, %dma_start3A_80] : memref<8x112xi32, #tpu.memory_space<vmem>> -> memref<1x112xi32, #tpu.memory_space<vmem>>
    %dma_start3A_82 = tpu.memref_squeeze %dma_start3A_81 : memref<1x112xi32, #tpu.memory_space<vmem>> -> memref<112xi32, #tpu.memory_space<vmem>>
    %dma_start3A_83 = arith.constant 0 : i32
    %dma_start3A_84 = tpu.memref_slice %arg4[%add3A, %dma_start3A_72, %dma_start3A_83] : memref<32x90x112xi32, #tpu.memory_space<hbm>> -> memref<1x1x112xi32, #tpu.memory_space<hbm>>
    %dma_start3A_85 = tpu.memref_squeeze %dma_start3A_84 : memref<1x1x112xi32, #tpu.memory_space<hbm>> -> memref<112xi32, #tpu.memory_space<hbm>>
    tpu.enqueue_dma source(%dma_start3A_85 : memref<112xi32, #tpu.memory_space<hbm>>) target(%dma_start3A_82 : memref<112xi32, #tpu.memory_space<vmem>>) target_semaphore(%arg13 : memref<!tpu.dma_semaphore, #tpu.memory_space<semaphore_mem>>)
    %scan3A = arith.constant 0 : i32
    %scan3A_86 = arith.constant 0 : i32
    %scan3A_87 = arith.constant 0 : i32
    %scan3A_88 = arith.constant 112 : i32
    %scan3A_89 = arith.addi %scan3A_87, %scan3A_88 : i32
    %scan3A_90 = arith.constant 1 : i32
    scf.for %scan3A_448 = %scan3A_87 to %scan3A_89 step %scan3A_90  : i32 {
      %broadcast_in_dim3A = arith.constant 0.000000e+00 : f32
      %broadcast_in_dim3A_449 = vector.broadcast %broadcast_in_dim3A : f32 to vector<16xf32>
      %swap3A = arith.constant 0 : i32
      %swap3A_450 = arith.constant 0 : i32
      %swap3A_451 = tpu.memref_slice %arg8[%scan3A_86, %swap3A, %swap3A_450] : memref<3x112x40xf32, #tpu.memory_space<vmem>> -> memref<1x112x40xf32, #tpu.memory_space<vmem>>
      %swap3A_452 = tpu.memref_squeeze %swap3A_451 : memref<1x112x40xf32, #tpu.memory_space<vmem>> -> memref<112x40xf32, #tpu.memory_space<vmem>>
      %swap3A_453 = arith.index_cast %scan3A_448 : i32 to index
      %swap3A_454 = arith.constant 0 : index
      %swap3A_455 = tpu.vector_load %swap3A_452[%swap3A_453, %swap3A_454] {strides = array<i32>} : memref<112x40xf32, #tpu.memory_space<vmem>>, vector<1x16xf32>,
      %swap3A_456 = vector.shape_cast %swap3A_455 : vector<1x16xf32> to vector<16xf32>
      %swap3A_457 = vector.shape_cast %broadcast_in_dim3A_449 : vector<16xf32> to vector<1x16xf32>
      tpu.vector_store %swap3A_452[%swap3A_453, %swap3A_454], %swap3A_457 {strides = array<i32>} : memref<112x40xf32, #tpu.memory_space<vmem>>, vector<1x16xf32>,
      %broadcast_in_dim3A_458 = arith.constant 0.000000e+00 : f32
      %broadcast_in_dim3A_459 = vector.broadcast %broadcast_in_dim3A_458 : f32 to vector<16xf32>
      %swap3A_460 = arith.constant 0 : i32
      %swap3A_461 = arith.constant 0 : i32
      %swap3A_462 = tpu.memref_slice %arg8[%scan3A_86, %swap3A_460, %swap3A_461] : memref<3x112x40xf32, #tpu.memory_space<vmem>> -> memref<1x112x40xf32, #tpu.memory_space<vmem>>
      %swap3A_463 = tpu.memref_squeeze %swap3A_462 : memref<1x112x40xf32, #tpu.memory_space<vmem>> -> memref<112x40xf32, #tpu.memory_space<vmem>>
      %swap3A_464 = arith.index_cast %scan3A_448 : i32 to index
      %swap3A_465 = arith.constant 16 : index
      %swap3A_466 = tpu.vector_load %swap3A_463[%swap3A_464, %swap3A_465] {strides = array<i32>} : memref<112x40xf32, #tpu.memory_space<vmem>>, vector<1x16xf32>,
      %swap3A_467 = vector.shape_cast %swap3A_466 : vector<1x16xf32> to vector<16xf32>
      %swap3A_468 = vector.shape_cast %broadcast_in_dim3A_459 : vector<16xf32> to vector<1x16xf32>
      tpu.vector_store %swap3A_463[%swap3A_464, %swap3A_465], %swap3A_468 {strides = array<i32>} : memref<112x40xf32, #tpu.memory_space<vmem>>, vector<1x16xf32>,
      %broadcast_in_dim3A_469 = arith.constant 0.000000e+00 : f32
      %broadcast_in_dim3A_470 = vector.broadcast %broadcast_in_dim3A_469 : f32 to vector<16xf32>
      %swap3A_471 = arith.constant 0 : i32
      %swap3A_472 = arith.constant 0 : i32
      %swap3A_473 = tpu.memref_slice %arg8[%scan3A_86, %swap3A_471, %swap3A_472] : memref<3x112x40xf32, #tpu.memory_space<vmem>> -> memref<1x112x40xf32, #tpu.memory_space<vmem>>
      %swap3A_474 = tpu.memref_squeeze %swap3A_473 : memref<1x112x40xf32, #tpu.memory_space<vmem>> -> memref<112x40xf32, #tpu.memory_space<vmem>>
      %swap3A_475 = arith.index_cast %scan3A_448 : i32 to index
      %swap3A_476 = arith.constant 24 : index
      %swap3A_477 = tpu.vector_load %swap3A_474[%swap3A_475, %swap3A_476] {strides = array<i32>} : memref<112x40xf32, #tpu.memory_space<vmem>>, vector<1x16xf32>,
      %swap3A_478 = vector.shape_cast %swap3A_477 : vector<1x16xf32> to vector<16xf32>
      %swap3A_479 = vector.shape_cast %broadcast_in_dim3A_470 : vector<16xf32> to vector<1x16xf32>
      tpu.vector_store %swap3A_474[%swap3A_475, %swap3A_476], %swap3A_479 {strides = array<i32>} : memref<112x40xf32, #tpu.memory_space<vmem>>, vector<1x16xf32>,
    }
    %scan3A_91 = arith.constant 112 : i32
    %add3A_92 = arith.constant 0 : i32
    %add3A_93 = arith.addi %mul3A_2, %add3A_92 : i32
    %dma_start3A_94 = arith.constant 0 : i32
    %dma_start3A_95 = arith.constant 0 : i32
    %dma_start3A_96 = arith.constant 0 : i32
    %dma_start3A_97 = tpu.memref_slice %arg8[%dma_start3A_94, %dma_start3A_95, %dma_start3A_96] : memref<3x112x40xf32, #tpu.memory_space<vmem>> -> memref<1x64x40xf32, #tpu.memory_space<vmem>>
    %dma_start3A_98 = tpu.memref_squeeze %dma_start3A_97 : memref<1x64x40xf32, #tpu.memory_space<vmem>> -> memref<64x40xf32, #tpu.memory_space<vmem>>
    %dma_start3A_99 = arith.constant 0 : i32
    %dma_start3A_100 = tpu.memref_slice %arg9[%add3A_93, %dma_start3A_99] : memref<10240x40xf32, #tpu.memory_space<vmem_shared>> -> memref<64x40xf32, #tpu.memory_space<vmem_shared>>
    %dma_start3A_101 = arith.constant 0 : i32
    %dma_start3A_102 = tpu.memref_slice %arg9[%add3A_93, %dma_start3A_101] : memref<10240x40xf32, #tpu.memory_space<vmem_shared>> -> memref<64x40xf32, #tpu.memory_space<vmem_shared>>
    %dma_start3A_103 = arith.constant 0 : i32
    %dma_start3A_104 = arith.constant 0 : i32
    %dma_start3A_105 = tpu.memref_slice %arg8[%dma_start3A_94, %dma_start3A_103, %dma_start3A_104] : memref<3x112x40xf32, #tpu.memory_space<vmem>> -> memref<1x64x40xf32, #tpu.memory_space<vmem>>
    %dma_start3A_106 = tpu.memref_squeeze %dma_start3A_105 : memref<1x64x40xf32, #tpu.memory_space<vmem>> -> memref<64x40xf32, #tpu.memory_space<vmem>>
    tpu.enqueue_dma source(%dma_start3A_106 : memref<64x40xf32, #tpu.memory_space<vmem>>) target(%dma_start3A_102 : memref<64x40xf32, #tpu.memory_space<vmem_shared>>) target_semaphore(%arg11 : memref<!tpu.dma_semaphore, #tpu.memory_space<semaphore_mem>>)
    %add3A_107 = arith.constant 64 : i32
    %add3A_108 = arith.addi %mul3A_2, %add3A_107 : i32
    %dma_start3A_109 = arith.constant 0 : i32
    %dma_start3A_110 = arith.constant 0 : i32
    %dma_start3A_111 = arith.constant 0 : i32
    %dma_start3A_112 = tpu.memref_slice %arg8[%dma_start3A_109, %dma_start3A_110, %dma_start3A_111] : memref<3x112x40xf32, #tpu.memory_space<vmem>> -> memref<1x64x40xf32, #tpu.memory_space<vmem>>
    %dma_start3A_113 = tpu.memref_squeeze %dma_start3A_112 : memref<1x64x40xf32, #tpu.memory_space<vmem>> -> memref<64x40xf32, #tpu.memory_space<vmem>>
    %dma_start3A_114 = arith.constant 0 : i32
    %dma_start3A_115 = tpu.memref_slice %arg9[%add3A_108, %dma_start3A_114] : memref<10240x40xf32, #tpu.memory_space<vmem_shared>> -> memref<64x40xf32, #tpu.memory_space<vmem_shared>>
    %dma_start3A_116 = arith.constant 0 : i32
    %dma_start3A_117 = tpu.memref_slice %arg9[%add3A_108, %dma_start3A_116] : memref<10240x40xf32, #tpu.memory_space<vmem_shared>> -> memref<64x40xf32, #tpu.memory_space<vmem_shared>>
    %dma_start3A_118 = arith.constant 0 : i32
    %dma_start3A_119 = arith.constant 0 : i32
    %dma_start3A_120 = tpu.memref_slice %arg8[%dma_start3A_109, %dma_start3A_118, %dma_start3A_119] : memref<3x112x40xf32, #tpu.memory_space<vmem>> -> memref<1x64x40xf32, #tpu.memory_space<vmem>>
    %dma_start3A_121 = tpu.memref_squeeze %dma_start3A_120 : memref<1x64x40xf32, #tpu.memory_space<vmem>> -> memref<64x40xf32, #tpu.memory_space<vmem>>
    tpu.enqueue_dma source(%dma_start3A_121 : memref<64x40xf32, #tpu.memory_space<vmem>>) target(%dma_start3A_117 : memref<64x40xf32, #tpu.memory_space<vmem_shared>>) target_semaphore(%arg11 : memref<!tpu.dma_semaphore, #tpu.memory_space<semaphore_mem>>)
    %add3A_122 = arith.constant 128 : i32
    %add3A_123 = arith.addi %mul3A_2, %add3A_122 : i32
    %dma_start3A_124 = arith.constant 0 : i32
    %dma_start3A_125 = arith.constant 0 : i32
    %dma_start3A_126 = arith.constant 0 : i32
    %dma_start3A_127 = tpu.memref_slice %arg8[%dma_start3A_124, %dma_start3A_125, %dma_start3A_126] : memref<3x112x40xf32, #tpu.memory_space<vmem>> -> memref<1x64x40xf32, #tpu.memory_space<vmem>>
    %dma_start3A_128 = tpu.memref_squeeze %dma_start3A_127 : memref<1x64x40xf32, #tpu.memory_space<vmem>> -> memref<64x40xf32, #tpu.memory_space<vmem>>
    %dma_start3A_129 = arith.constant 0 : i32
    %dma_start3A_130 = tpu.memref_slice %arg9[%add3A_123, %dma_start3A_129] : memref<10240x40xf32, #tpu.memory_space<vmem_shared>> -> memref<64x40xf32, #tpu.memory_space<vmem_shared>>
    %dma_start3A_131 = arith.constant 0 : i32
    %dma_start3A_132 = tpu.memref_slice %arg9[%add3A_123, %dma_start3A_131] : memref<10240x40xf32, #tpu.memory_space<vmem_shared>> -> memref<64x40xf32, #tpu.memory_space<vmem_shared>>
    %dma_start3A_133 = arith.constant 0 : i32
    %dma_start3A_134 = arith.constant 0 : i32
    %dma_start3A_135 = tpu.memref_slice %arg8[%dma_start3A_124, %dma_start3A_133, %dma_start3A_134] : memref<3x112x40xf32, #tpu.memory_space<vmem>> -> memref<1x64x40xf32, #tpu.memory_space<vmem>>
    %dma_start3A_136 = tpu.memref_squeeze %dma_start3A_135 : memref<1x64x40xf32, #tpu.memory_space<vmem>> -> memref<64x40xf32, #tpu.memory_space<vmem>>
    tpu.enqueue_dma source(%dma_start3A_136 : memref<64x40xf32, #tpu.memory_space<vmem>>) target(%dma_start3A_132 : memref<64x40xf32, #tpu.memory_space<vmem_shared>>) target_semaphore(%arg11 : memref<!tpu.dma_semaphore, #tpu.memory_space<semaphore_mem>>)
    %add3A_137 = arith.constant 192 : i32
    %add3A_138 = arith.addi %mul3A_2, %add3A_137 : i32
    %dma_start3A_139 = arith.constant 0 : i32
    %dma_start3A_140 = arith.constant 0 : i32
    %dma_start3A_141 = arith.constant 0 : i32
    %dma_start3A_142 = tpu.memref_slice %arg8[%dma_start3A_139, %dma_start3A_140, %dma_start3A_141] : memref<3x112x40xf32, #tpu.memory_space<vmem>> -> memref<1x64x40xf32, #tpu.memory_space<vmem>>
    %dma_start3A_143 = tpu.memref_squeeze %dma_start3A_142 : memref<1x64x40xf32, #tpu.memory_space<vmem>> -> memref<64x40xf32, #tpu.memory_space<vmem>>
    %dma_start3A_144 = arith.constant 0 : i32
    %dma_start3A_145 = tpu.memref_slice %arg9[%add3A_138, %dma_start3A_144] : memref<10240x40xf32, #tpu.memory_space<vmem_shared>> -> memref<64x40xf32, #tpu.memory_space<vmem_shared>>
    %dma_start3A_146 = arith.constant 0 : i32
    %dma_start3A_147 = tpu.memref_slice %arg9[%add3A_138, %dma_start3A_146] : memref<10240x40xf32, #tpu.memory_space<vmem_shared>> -> memref<64x40xf32, #tpu.memory_space<vmem_shared>>
    %dma_start3A_148 = arith.constant 0 : i32
    %dma_start3A_149 = arith.constant 0 : i32
    %dma_start3A_150 = tpu.memref_slice %arg8[%dma_start3A_139, %dma_start3A_148, %dma_start3A_149] : memref<3x112x40xf32, #tpu.memory_space<vmem>> -> memref<1x64x40xf32, #tpu.memory_space<vmem>>
    %dma_start3A_151 = tpu.memref_squeeze %dma_start3A_150 : memref<1x64x40xf32, #tpu.memory_space<vmem>> -> memref<64x40xf32, #tpu.memory_space<vmem>>
    tpu.enqueue_dma source(%dma_start3A_151 : memref<64x40xf32, #tpu.memory_space<vmem>>) target(%dma_start3A_147 : memref<64x40xf32, #tpu.memory_space<vmem_shared>>) target_semaphore(%arg11 : memref<!tpu.dma_semaphore, #tpu.memory_space<semaphore_mem>>)
    %add3A_152 = arith.constant 256 : i32
    %add3A_153 = arith.addi %mul3A_2, %add3A_152 : i32
    %dma_start3A_154 = arith.constant 0 : i32
    %dma_start3A_155 = arith.constant 0 : i32
    %dma_start3A_156 = arith.constant 0 : i32
    %dma_start3A_157 = tpu.memref_slice %arg8[%dma_start3A_154, %dma_start3A_155, %dma_start3A_156] : memref<3x112x40xf32, #tpu.memory_space<vmem>> -> memref<1x64x40xf32, #tpu.memory_space<vmem>>
    %dma_start3A_158 = tpu.memref_squeeze %dma_start3A_157 : memref<1x64x40xf32, #tpu.memory_space<vmem>> -> memref<64x40xf32, #tpu.memory_space<vmem>>
    %dma_start3A_159 = arith.constant 0 : i32
    %dma_start3A_160 = tpu.memref_slice %arg9[%add3A_153, %dma_start3A_159] : memref<10240x40xf32, #tpu.memory_space<vmem_shared>> -> memref<64x40xf32, #tpu.memory_space<vmem_shared>>
    %dma_start3A_161 = arith.constant 0 : i32
    %dma_start3A_162 = tpu.memref_slice %arg9[%add3A_153, %dma_start3A_161] : memref<10240x40xf32, #tpu.memory_space<vmem_shared>> -> memref<64x40xf32, #tpu.memory_space<vmem_shared>>
    %dma_start3A_163 = arith.constant 0 : i32
    %dma_start3A_164 = arith.constant 0 : i32
    %dma_start3A_165 = tpu.memref_slice %arg8[%dma_start3A_154, %dma_start3A_163, %dma_start3A_164] : memref<3x112x40xf32, #tpu.memory_space<vmem>> -> memref<1x64x40xf32, #tpu.memory_space<vmem>>
    %dma_start3A_166 = tpu.memref_squeeze %dma_start3A_165 : memref<1x64x40xf32, #tpu.memory_space<vmem>> -> memref<64x40xf32, #tpu.memory_space<vmem>>
    tpu.enqueue_dma source(%dma_start3A_166 : memref<64x40xf32, #tpu.memory_space<vmem>>) target(%dma_start3A_162 : memref<64x40xf32, #tpu.memory_space<vmem_shared>>) target_semaphore(%arg11 : memref<!tpu.dma_semaphore, #tpu.memory_space<semaphore_mem>>)
    %add3A_167 = arith.constant 320 : i32
    %add3A_168 = arith.addi %mul3A_2, %add3A_167 : i32
    %dma_start3A_169 = arith.constant 0 : i32
    %dma_start3A_170 = arith.constant 0 : i32
    %dma_start3A_171 = arith.constant 0 : i32
    %dma_start3A_172 = tpu.memref_slice %arg8[%dma_start3A_169, %dma_start3A_170, %dma_start3A_171] : memref<3x112x40xf32, #tpu.memory_space<vmem>> -> memref<1x64x40xf32, #tpu.memory_space<vmem>>
    %dma_start3A_173 = tpu.memref_squeeze %dma_start3A_172 : memref<1x64x40xf32, #tpu.memory_space<vmem>> -> memref<64x40xf32, #tpu.memory_space<vmem>>
    %dma_start3A_174 = arith.constant 0 : i32
    %dma_start3A_175 = tpu.memref_slice %arg9[%add3A_168, %dma_start3A_174] : memref<10240x40xf32, #tpu.memory_space<vmem_shared>> -> memref<64x40xf32, #tpu.memory_space<vmem_shared>>
    %dma_start3A_176 = arith.constant 0 : i32
    %dma_start3A_177 = tpu.memref_slice %arg9[%add3A_168, %dma_start3A_176] : memref<10240x40xf32, #tpu.memory_space<vmem_shared>> -> memref<64x40xf32, #tpu.memory_space<vmem_shared>>
    %dma_start3A_178 = arith.constant 0 : i32
    %dma_start3A_179 = arith.constant 0 : i32
    %dma_start3A_180 = tpu.memref_slice %arg8[%dma_start3A_169, %dma_start3A_178, %dma_start3A_179] : memref<3x112x40xf32, #tpu.memory_space<vmem>> -> memref<1x64x40xf32, #tpu.memory_space<vmem>>
    %dma_start3A_181 = tpu.memref_squeeze %dma_start3A_180 : memref<1x64x40xf32, #tpu.memory_space<vmem>> -> memref<64x40xf32, #tpu.memory_space<vmem>>
    tpu.enqueue_dma source(%dma_start3A_181 : memref<64x40xf32, #tpu.memory_space<vmem>>) target(%dma_start3A_177 : memref<64x40xf32, #tpu.memory_space<vmem_shared>>) target_semaphore(%arg11 : memref<!tpu.dma_semaphore, #tpu.memory_space<semaphore_mem>>)
    %add3A_182 = arith.constant 384 : i32
    %add3A_183 = arith.addi %mul3A_2, %add3A_182 : i32
    %dma_start3A_184 = arith.constant 0 : i32
    %dma_start3A_185 = arith.constant 0 : i32
    %dma_start3A_186 = arith.constant 0 : i32
    %dma_start3A_187 = tpu.memref_slice %arg8[%dma_start3A_184, %dma_start3A_185, %dma_start3A_186] : memref<3x112x40xf32, #tpu.memory_space<vmem>> -> memref<1x64x40xf32, #tpu.memory_space<vmem>>
    %dma_start3A_188 = tpu.memref_squeeze %dma_start3A_187 : memref<1x64x40xf32, #tpu.memory_space<vmem>> -> memref<64x40xf32, #tpu.memory_space<vmem>>
    %dma_start3A_189 = arith.constant 0 : i32
    %dma_start3A_190 = tpu.memref_slice %arg9[%add3A_183, %dma_start3A_189] : memref<10240x40xf32, #tpu.memory_space<vmem_shared>> -> memref<64x40xf32, #tpu.memory_space<vmem_shared>>
    %dma_start3A_191 = arith.constant 0 : i32
    %dma_start3A_192 = tpu.memref_slice %arg9[%add3A_183, %dma_start3A_191] : memref<10240x40xf32, #tpu.memory_space<vmem_shared>> -> memref<64x40xf32, #tpu.memory_space<vmem_shared>>
    %dma_start3A_193 = arith.constant 0 : i32
    %dma_start3A_194 = arith.constant 0 : i32
    %dma_start3A_195 = tpu.memref_slice %arg8[%dma_start3A_184, %dma_start3A_193, %dma_start3A_194] : memref<3x112x40xf32, #tpu.memory_space<vmem>> -> memref<1x64x40xf32, #tpu.memory_space<vmem>>
    %dma_start3A_196 = tpu.memref_squeeze %dma_start3A_195 : memref<1x64x40xf32, #tpu.memory_space<vmem>> -> memref<64x40xf32, #tpu.memory_space<vmem>>
    tpu.enqueue_dma source(%dma_start3A_196 : memref<64x40xf32, #tpu.memory_space<vmem>>) target(%dma_start3A_192 : memref<64x40xf32, #tpu.memory_space<vmem_shared>>) target_semaphore(%arg11 : memref<!tpu.dma_semaphore, #tpu.memory_space<semaphore_mem>>)
    %add3A_197 = arith.constant 448 : i32
    %add3A_198 = arith.addi %mul3A_2, %add3A_197 : i32
    %dma_start3A_199 = arith.constant 0 : i32
    %dma_start3A_200 = arith.constant 0 : i32
    %dma_start3A_201 = arith.constant 0 : i32
    %dma_start3A_202 = tpu.memref_slice %arg8[%dma_start3A_199, %dma_start3A_200, %dma_start3A_201] : memref<3x112x40xf32, #tpu.memory_space<vmem>> -> memref<1x64x40xf32, #tpu.memory_space<vmem>>
    %dma_start3A_203 = tpu.memref_squeeze %dma_start3A_202 : memref<1x64x40xf32, #tpu.memory_space<vmem>> -> memref<64x40xf32, #tpu.memory_space<vmem>>
    %dma_start3A_204 = arith.constant 0 : i32
    %dma_start3A_205 = tpu.memref_slice %arg9[%add3A_198, %dma_start3A_204] : memref<10240x40xf32, #tpu.memory_space<vmem_shared>> -> memref<64x40xf32, #tpu.memory_space<vmem_shared>>
    %dma_start3A_206 = arith.constant 0 : i32
    %dma_start3A_207 = tpu.memref_slice %arg9[%add3A_198, %dma_start3A_206] : memref<10240x40xf32, #tpu.memory_space<vmem_shared>> -> memref<64x40xf32, #tpu.memory_space<vmem_shared>>
    %dma_start3A_208 = arith.constant 0 : i32
    %dma_start3A_209 = arith.constant 0 : i32
    %dma_start3A_210 = tpu.memref_slice %arg8[%dma_start3A_199, %dma_start3A_208, %dma_start3A_209] : memref<3x112x40xf32, #tpu.memory_space<vmem>> -> memref<1x64x40xf32, #tpu.memory_space<vmem>>
    %dma_start3A_211 = tpu.memref_squeeze %dma_start3A_210 : memref<1x64x40xf32, #tpu.memory_space<vmem>> -> memref<64x40xf32, #tpu.memory_space<vmem>>
    tpu.enqueue_dma source(%dma_start3A_211 : memref<64x40xf32, #tpu.memory_space<vmem>>) target(%dma_start3A_207 : memref<64x40xf32, #tpu.memory_space<vmem_shared>>) target_semaphore(%arg11 : memref<!tpu.dma_semaphore, #tpu.memory_space<semaphore_mem>>)
    %add3A_212 = arith.constant 512 : i32
    %add3A_213 = arith.addi %mul3A_2, %add3A_212 : i32
    %dma_start3A_214 = arith.constant 0 : i32
    %dma_start3A_215 = arith.constant 0 : i32
    %dma_start3A_216 = arith.constant 0 : i32
    %dma_start3A_217 = tpu.memref_slice %arg8[%dma_start3A_214, %dma_start3A_215, %dma_start3A_216] : memref<3x112x40xf32, #tpu.memory_space<vmem>> -> memref<1x64x40xf32, #tpu.memory_space<vmem>>
    %dma_start3A_218 = tpu.memref_squeeze %dma_start3A_217 : memref<1x64x40xf32, #tpu.memory_space<vmem>> -> memref<64x40xf32, #tpu.memory_space<vmem>>
    %dma_start3A_219 = arith.constant 0 : i32
    %dma_start3A_220 = tpu.memref_slice %arg9[%add3A_213, %dma_start3A_219] : memref<10240x40xf32, #tpu.memory_space<vmem_shared>> -> memref<64x40xf32, #tpu.memory_space<vmem_shared>>
    %dma_start3A_221 = arith.constant 0 : i32
    %dma_start3A_222 = tpu.memref_slice %arg9[%add3A_213, %dma_start3A_221] : memref<10240x40xf32, #tpu.memory_space<vmem_shared>> -> memref<64x40xf32, #tpu.memory_space<vmem_shared>>
    %dma_start3A_223 = arith.constant 0 : i32
    %dma_start3A_224 = arith.constant 0 : i32
    %dma_start3A_225 = tpu.memref_slice %arg8[%dma_start3A_214, %dma_start3A_223, %dma_start3A_224] : memref<3x112x40xf32, #tpu.memory_space<vmem>> -> memref<1x64x40xf32, #tpu.memory_space<vmem>>
    %dma_start3A_226 = tpu.memref_squeeze %dma_start3A_225 : memref<1x64x40xf32, #tpu.memory_space<vmem>> -> memref<64x40xf32, #tpu.memory_space<vmem>>
    tpu.enqueue_dma source(%dma_start3A_226 : memref<64x40xf32, #tpu.memory_space<vmem>>) target(%dma_start3A_222 : memref<64x40xf32, #tpu.memory_space<vmem_shared>>) target_semaphore(%arg11 : memref<!tpu.dma_semaphore, #tpu.memory_space<semaphore_mem>>)
    %add3A_227 = arith.constant 576 : i32
    %add3A_228 = arith.addi %mul3A_2, %add3A_227 : i32
    %dma_start3A_229 = arith.constant 0 : i32
    %dma_start3A_230 = arith.constant 0 : i32
    %dma_start3A_231 = arith.constant 0 : i32
    %dma_start3A_232 = tpu.memref_slice %arg8[%dma_start3A_229, %dma_start3A_230, %dma_start3A_231] : memref<3x112x40xf32, #tpu.memory_space<vmem>> -> memref<1x64x40xf32, #tpu.memory_space<vmem>>
    %dma_start3A_233 = tpu.memref_squeeze %dma_start3A_232 : memref<1x64x40xf32, #tpu.memory_space<vmem>> -> memref<64x40xf32, #tpu.memory_space<vmem>>
    %dma_start3A_234 = arith.constant 0 : i32
    %dma_start3A_235 = tpu.memref_slice %arg9[%add3A_228, %dma_start3A_234] : memref<10240x40xf32, #tpu.memory_space<vmem_shared>> -> memref<64x40xf32, #tpu.memory_space<vmem_shared>>
    %dma_start3A_236 = arith.constant 0 : i32
    %dma_start3A_237 = tpu.memref_slice %arg9[%add3A_228, %dma_start3A_236] : memref<10240x40xf32, #tpu.memory_space<vmem_shared>> -> memref<64x40xf32, #tpu.memory_space<vmem_shared>>
    %dma_start3A_238 = arith.constant 0 : i32
    %dma_start3A_239 = arith.constant 0 : i32
    %dma_start3A_240 = tpu.memref_slice %arg8[%dma_start3A_229, %dma_start3A_238, %dma_start3A_239] : memref<3x112x40xf32, #tpu.memory_space<vmem>> -> memref<1x64x40xf32, #tpu.memory_space<vmem>>
    %dma_start3A_241 = tpu.memref_squeeze %dma_start3A_240 : memref<1x64x40xf32, #tpu.memory_space<vmem>> -> memref<64x40xf32, #tpu.memory_space<vmem>>
    tpu.enqueue_dma source(%dma_start3A_241 : memref<64x40xf32, #tpu.memory_space<vmem>>) target(%dma_start3A_237 : memref<64x40xf32, #tpu.memory_space<vmem_shared>>) target_semaphore(%arg11 : memref<!tpu.dma_semaphore, #tpu.memory_space<semaphore_mem>>)
    %add3A_242 = arith.constant 0 : i32
    %add3A_243 = arith.addi %mul3A_2, %add3A_242 : i32
    %dma_wait3A = arith.constant 0 : i32
    %dma_wait3A_244 = arith.constant 0 : i32
    %dma_wait3A_245 = arith.constant 0 : i32
    %dma_wait3A_246 = tpu.memref_slice %arg8[%dma_wait3A, %dma_wait3A_244, %dma_wait3A_245] : memref<3x112x40xf32, #tpu.memory_space<vmem>> -> memref<1x64x40xf32, #tpu.memory_space<vmem>>
    %dma_wait3A_247 = tpu.memref_squeeze %dma_wait3A_246 : memref<1x64x40xf32, #tpu.memory_space<vmem>> -> memref<64x40xf32, #tpu.memory_space<vmem>>
    %dma_wait3A_248 = arith.constant 0 : i32
    %dma_wait3A_249 = tpu.memref_slice %arg9[%add3A_243, %dma_wait3A_248] : memref<10240x40xf32, #tpu.memory_space<vmem_shared>> -> memref<64x40xf32, #tpu.memory_space<vmem_shared>>
    %dma_wait3A_250 = arith.constant 0 : i32
    %dma_wait3A_251 = tpu.memref_slice %arg9[%add3A_243, %dma_wait3A_250] : memref<10240x40xf32, #tpu.memory_space<vmem_shared>> -> memref<64x40xf32, #tpu.memory_space<vmem_shared>>
    %dma_wait3A_252 = arith.constant 0 : i32
    %dma_wait3A_253 = arith.constant 0 : i32
    %dma_wait3A_254 = tpu.memref_slice %arg8[%dma_wait3A, %dma_wait3A_252, %dma_wait3A_253] : memref<3x112x40xf32, #tpu.memory_space<vmem>> -> memref<1x64x40xf32, #tpu.memory_space<vmem>>
    %dma_wait3A_255 = tpu.memref_squeeze %dma_wait3A_254 : memref<1x64x40xf32, #tpu.memory_space<vmem>> -> memref<64x40xf32, #tpu.memory_space<vmem>>
    tpu.wait_dma2 semaphore(%arg11 : memref<!tpu.dma_semaphore, #tpu.memory_space<semaphore_mem>>) src(%dma_wait3A_255 : memref<64x40xf32, #tpu.memory_space<vmem>>) dst(%dma_wait3A_251 : memref<64x40xf32, #tpu.memory_space<vmem_shared>>)
    %add3A_256 = arith.constant 64 : i32
    %add3A_257 = arith.addi %mul3A_2, %add3A_256 : i32
    %dma_wait3A_258 = arith.constant 0 : i32
    %dma_wait3A_259 = arith.constant 0 : i32
    %dma_wait3A_260 = arith.constant 0 : i32
    %dma_wait3A_261 = tpu.memref_slice %arg8[%dma_wait3A_258, %dma_wait3A_259, %dma_wait3A_260] : memref<3x112x40xf32, #tpu.memory_space<vmem>> -> memref<1x64x40xf32, #tpu.memory_space<vmem>>
    %dma_wait3A_262 = tpu.memref_squeeze %dma_wait3A_261 : memref<1x64x40xf32, #tpu.memory_space<vmem>> -> memref<64x40xf32, #tpu.memory_space<vmem>>
    %dma_wait3A_263 = arith.constant 0 : i32
    %dma_wait3A_264 = tpu.memref_slice %arg9[%add3A_257, %dma_wait3A_263] : memref<10240x40xf32, #tpu.memory_space<vmem_shared>> -> memref<64x40xf32, #tpu.memory_space<vmem_shared>>
    %dma_wait3A_265 = arith.constant 0 : i32
    %dma_wait3A_266 = tpu.memref_slice %arg9[%add3A_257, %dma_wait3A_265] : memref<10240x40xf32, #tpu.memory_space<vmem_shared>> -> memref<64x40xf32, #tpu.memory_space<vmem_shared>>
    %dma_wait3A_267 = arith.constant 0 : i32
    %dma_wait3A_268 = arith.constant 0 : i32
    %dma_wait3A_269 = tpu.memref_slice %arg8[%dma_wait3A_258, %dma_wait3A_267, %dma_wait3A_268] : memref<3x112x40xf32, #tpu.memory_space<vmem>> -> memref<1x64x40xf32, #tpu.memory_space<vmem>>
    %dma_wait3A_270 = tpu.memref_squeeze %dma_wait3A_269 : memref<1x64x40xf32, #tpu.memory_space<vmem>> -> memref<64x40xf32, #tpu.memory_space<vmem>>
    tpu.wait_dma2 semaphore(%arg11 : memref<!tpu.dma_semaphore, #tpu.memory_space<semaphore_mem>>) src(%dma_wait3A_270 : memref<64x40xf32, #tpu.memory_space<vmem>>) dst(%dma_wait3A_266 : memref<64x40xf32, #tpu.memory_space<vmem_shared>>)
    %add3A_271 = arith.constant 128 : i32
    %add3A_272 = arith.addi %mul3A_2, %add3A_271 : i32
    %dma_wait3A_273 = arith.constant 0 : i32
    %dma_wait3A_274 = arith.constant 0 : i32
    %dma_wait3A_275 = arith.constant 0 : i32
    %dma_wait3A_276 = tpu.memref_slice %arg8[%dma_wait3A_273, %dma_wait3A_274, %dma_wait3A_275] : memref<3x112x40xf32, #tpu.memory_space<vmem>> -> memref<1x64x40xf32, #tpu.memory_space<vmem>>
    %dma_wait3A_277 = tpu.memref_squeeze %dma_wait3A_276 : memref<1x64x40xf32, #tpu.memory_space<vmem>> -> memref<64x40xf32, #tpu.memory_space<vmem>>
    %dma_wait3A_278 = arith.constant 0 : i32
    %dma_wait3A_279 = tpu.memref_slice %arg9[%add3A_272, %dma_wait3A_278] : memref<10240x40xf32, #tpu.memory_space<vmem_shared>> -> memref<64x40xf32, #tpu.memory_space<vmem_shared>>
    %dma_wait3A_280 = arith.constant 0 : i32
    %dma_wait3A_281 = tpu.memref_slice %arg9[%add3A_272, %dma_wait3A_280] : memref<10240x40xf32, #tpu.memory_space<vmem_shared>> -> memref<64x40xf32, #tpu.memory_space<vmem_shared>>
    %dma_wait3A_282 = arith.constant 0 : i32
    %dma_wait3A_283 = arith.constant 0 : i32
    %dma_wait3A_284 = tpu.memref_slice %arg8[%dma_wait3A_273, %dma_wait3A_282, %dma_wait3A_283] : memref<3x112x40xf32, #tpu.memory_space<vmem>> -> memref<1x64x40xf32, #tpu.memory_space<vmem>>
    %dma_wait3A_285 = tpu.memref_squeeze %dma_wait3A_284 : memref<1x64x40xf32, #tpu.memory_space<vmem>> -> memref<64x40xf32, #tpu.memory_space<vmem>>
    tpu.wait_dma2 semaphore(%arg11 : memref<!tpu.dma_semaphore, #tpu.memory_space<semaphore_mem>>) src(%dma_wait3A_285 : memref<64x40xf32, #tpu.memory_space<vmem>>) dst(%dma_wait3A_281 : memref<64x40xf32, #tpu.memory_space<vmem_shared>>)
    %add3A_286 = arith.constant 192 : i32
    %add3A_287 = arith.addi %mul3A_2, %add3A_286 : i32
    %dma_wait3A_288 = arith.constant 0 : i32
    %dma_wait3A_289 = arith.constant 0 : i32
    %dma_wait3A_290 = arith.constant 0 : i32
    %dma_wait3A_291 = tpu.memref_slice %arg8[%dma_wait3A_288, %dma_wait3A_289, %dma_wait3A_290] : memref<3x112x40xf32, #tpu.memory_space<vmem>> -> memref<1x64x40xf32, #tpu.memory_space<vmem>>
    %dma_wait3A_292 = tpu.memref_squeeze %dma_wait3A_291 : memref<1x64x40xf32, #tpu.memory_space<vmem>> -> memref<64x40xf32, #tpu.memory_space<vmem>>
    %dma_wait3A_293 = arith.constant 0 : i32
    %dma_wait3A_294 = tpu.memref_slice %arg9[%add3A_287, %dma_wait3A_293] : memref<10240x40xf32, #tpu.memory_space<vmem_shared>> -> memref<64x40xf32, #tpu.memory_space<vmem_shared>>
    %dma_wait3A_295 = arith.constant 0 : i32
    %dma_wait3A_296 = tpu.memref_slice %arg9[%add3A_287, %dma_wait3A_295] : memref<10240x40xf32, #tpu.memory_space<vmem_shared>> -> memref<64x40xf32, #tpu.memory_space<vmem_shared>>
    %dma_wait3A_297 = arith.constant 0 : i32
    %dma_wait3A_298 = arith.constant 0 : i32
    %dma_wait3A_299 = tpu.memref_slice %arg8[%dma_wait3A_288, %dma_wait3A_297, %dma_wait3A_298] : memref<3x112x40xf32, #tpu.memory_space<vmem>> -> memref<1x64x40xf32, #tpu.memory_space<vmem>>
    %dma_wait3A_300 = tpu.memref_squeeze %dma_wait3A_299 : memref<1x64x40xf32, #tpu.memory_space<vmem>> -> memref<64x40xf32, #tpu.memory_space<vmem>>
    tpu.wait_dma2 semaphore(%arg11 : memref<!tpu.dma_semaphore, #tpu.memory_space<semaphore_mem>>) src(%dma_wait3A_300 : memref<64x40xf32, #tpu.memory_space<vmem>>) dst(%dma_wait3A_296 : memref<64x40xf32, #tpu.memory_space<vmem_shared>>)
    %add3A_301 = arith.constant 256 : i32
    %add3A_302 = arith.addi %mul3A_2, %add3A_301 : i32
    %dma_wait3A_303 = arith.constant 0 : i32
    %dma_wait3A_304 = arith.constant 0 : i32
    %dma_wait3A_305 = arith.constant 0 : i32
    %dma_wait3A_306 = tpu.memref_slice %arg8[%dma_wait3A_303, %dma_wait3A_304, %dma_wait3A_305] : memref<3x112x40xf32, #tpu.memory_space<vmem>> -> memref<1x64x40xf32, #tpu.memory_space<vmem>>
    %dma_wait3A_307 = tpu.memref_squeeze %dma_wait3A_306 : memref<1x64x40xf32, #tpu.memory_space<vmem>> -> memref<64x40xf32, #tpu.memory_space<vmem>>
    %dma_wait3A_308 = arith.constant 0 : i32
    %dma_wait3A_309 = tpu.memref_slice %arg9[%add3A_302, %dma_wait3A_308] : memref<10240x40xf32, #tpu.memory_space<vmem_shared>> -> memref<64x40xf32, #tpu.memory_space<vmem_shared>>
    %dma_wait3A_310 = arith.constant 0 : i32
    %dma_wait3A_311 = tpu.memref_slice %arg9[%add3A_302, %dma_wait3A_310] : memref<10240x40xf32, #tpu.memory_space<vmem_shared>> -> memref<64x40xf32, #tpu.memory_space<vmem_shared>>
    %dma_wait3A_312 = arith.constant 0 : i32
    %dma_wait3A_313 = arith.constant 0 : i32
    %dma_wait3A_314 = tpu.memref_slice %arg8[%dma_wait3A_303, %dma_wait3A_312, %dma_wait3A_313] : memref<3x112x40xf32, #tpu.memory_space<vmem>> -> memref<1x64x40xf32, #tpu.memory_space<vmem>>
    %dma_wait3A_315 = tpu.memref_squeeze %dma_wait3A_314 : memref<1x64x40xf32, #tpu.memory_space<vmem>> -> memref<64x40xf32, #tpu.memory_space<vmem>>
    tpu.wait_dma2 semaphore(%arg11 : memref<!tpu.dma_semaphore, #tpu.memory_space<semaphore_mem>>) src(%dma_wait3A_315 : memref<64x40xf32, #tpu.memory_space<vmem>>) dst(%dma_wait3A_311 : memref<64x40xf32, #tpu.memory_space<vmem_shared>>)
    %add3A_316 = arith.constant 320 : i32
    %add3A_317 = arith.addi %mul3A_2, %add3A_316 : i32
    %dma_wait3A_318 = arith.constant 0 : i32
    %dma_wait3A_319 = arith.constant 0 : i32
    %dma_wait3A_320 = arith.constant 0 : i32
    %dma_wait3A_321 = tpu.memref_slice %arg8[%dma_wait3A_318, %dma_wait3A_319, %dma_wait3A_320] : memref<3x112x40xf32, #tpu.memory_space<vmem>> -> memref<1x64x40xf32, #tpu.memory_space<vmem>>
    %dma_wait3A_322 = tpu.memref_squeeze %dma_wait3A_321 : memref<1x64x40xf32, #tpu.memory_space<vmem>> -> memref<64x40xf32, #tpu.memory_space<vmem>>
    %dma_wait3A_323 = arith.constant 0 : i32
    %dma_wait3A_324 = tpu.memref_slice %arg9[%add3A_317, %dma_wait3A_323] : memref<10240x40xf32, #tpu.memory_space<vmem_shared>> -> memref<64x40xf32, #tpu.memory_space<vmem_shared>>
    %dma_wait3A_325 = arith.constant 0 : i32
    %dma_wait3A_326 = tpu.memref_slice %arg9[%add3A_317, %dma_wait3A_325] : memref<10240x40xf32, #tpu.memory_space<vmem_shared>> -> memref<64x40xf32, #tpu.memory_space<vmem_shared>>
    %dma_wait3A_327 = arith.constant 0 : i32
    %dma_wait3A_328 = arith.constant 0 : i32
    %dma_wait3A_329 = tpu.memref_slice %arg8[%dma_wait3A_318, %dma_wait3A_327, %dma_wait3A_328] : memref<3x112x40xf32, #tpu.memory_space<vmem>> -> memref<1x64x40xf32, #tpu.memory_space<vmem>>
    %dma_wait3A_330 = tpu.memref_squeeze %dma_wait3A_329 : memref<1x64x40xf32, #tpu.memory_space<vmem>> -> memref<64x40xf32, #tpu.memory_space<vmem>>
    tpu.wait_dma2 semaphore(%arg11 : memref<!tpu.dma_semaphore, #tpu.memory_space<semaphore_mem>>) src(%dma_wait3A_330 : memref<64x40xf32, #tpu.memory_space<vmem>>) dst(%dma_wait3A_326 : memref<64x40xf32, #tpu.memory_space<vmem_shared>>)
    %add3A_331 = arith.constant 384 : i32
    %add3A_332 = arith.addi %mul3A_2, %add3A_331 : i32
    %dma_wait3A_333 = arith.constant 0 : i32
    %dma_wait3A_334 = arith.constant 0 : i32
    %dma_wait3A_335 = arith.constant 0 : i32
    %dma_wait3A_336 = tpu.memref_slice %arg8[%dma_wait3A_333, %dma_wait3A_334, %dma_wait3A_335] : memref<3x112x40xf32, #tpu.memory_space<vmem>> -> memref<1x64x40xf32, #tpu.memory_space<vmem>>
    %dma_wait3A_337 = tpu.memref_squeeze %dma_wait3A_336 : memref<1x64x40xf32, #tpu.memory_space<vmem>> -> memref<64x40xf32, #tpu.memory_space<vmem>>
    %dma_wait3A_338 = arith.constant 0 : i32
    %dma_wait3A_339 = tpu.memref_slice %arg9[%add3A_332, %dma_wait3A_338] : memref<10240x40xf32, #tpu.memory_space<vmem_shared>> -> memref<64x40xf32, #tpu.memory_space<vmem_shared>>
    %dma_wait3A_340 = arith.constant 0 : i32
    %dma_wait3A_341 = tpu.memref_slice %arg9[%add3A_332, %dma_wait3A_340] : memref<10240x40xf32, #tpu.memory_space<vmem_shared>> -> memref<64x40xf32, #tpu.memory_space<vmem_shared>>
    %dma_wait3A_342 = arith.constant 0 : i32
    %dma_wait3A_343 = arith.constant 0 : i32
    %dma_wait3A_344 = tpu.memref_slice %arg8[%dma_wait3A_333, %dma_wait3A_342, %dma_wait3A_343] : memref<3x112x40xf32, #tpu.memory_space<vmem>> -> memref<1x64x40xf32, #tpu.memory_space<vmem>>
    %dma_wait3A_345 = tpu.memref_squeeze %dma_wait3A_344 : memref<1x64x40xf32, #tpu.memory_space<vmem>> -> memref<64x40xf32, #tpu.memory_space<vmem>>
    tpu.wait_dma2 semaphore(%arg11 : memref<!tpu.dma_semaphore, #tpu.memory_space<semaphore_mem>>) src(%dma_wait3A_345 : memref<64x40xf32, #tpu.memory_space<vmem>>) dst(%dma_wait3A_341 : memref<64x40xf32, #tpu.memory_space<vmem_shared>>)
    %add3A_346 = arith.constant 448 : i32
    %add3A_347 = arith.addi %mul3A_2, %add3A_346 : i32
    %dma_wait3A_348 = arith.constant 0 : i32
    %dma_wait3A_349 = arith.constant 0 : i32
    %dma_wait3A_350 = arith.constant 0 : i32
    %dma_wait3A_351 = tpu.memref_slice %arg8[%dma_wait3A_348, %dma_wait3A_349, %dma_wait3A_350] : memref<3x112x40xf32, #tpu.memory_space<vmem>> -> memref<1x64x40xf32, #tpu.memory_space<vmem>>
    %dma_wait3A_352 = tpu.memref_squeeze %dma_wait3A_351 : memref<1x64x40xf32, #tpu.memory_space<vmem>> -> memref<64x40xf32, #tpu.memory_space<vmem>>
    %dma_wait3A_353 = arith.constant 0 : i32
    %dma_wait3A_354 = tpu.memref_slice %arg9[%add3A_347, %dma_wait3A_353] : memref<10240x40xf32, #tpu.memory_space<vmem_shared>> -> memref<64x40xf32, #tpu.memory_space<vmem_shared>>
    %dma_wait3A_355 = arith.constant 0 : i32
    %dma_wait3A_356 = tpu.memref_slice %arg9[%add3A_347, %dma_wait3A_355] : memref<10240x40xf32, #tpu.memory_space<vmem_shared>> -> memref<64x40xf32, #tpu.memory_space<vmem_shared>>
    %dma_wait3A_357 = arith.constant 0 : i32
    %dma_wait3A_358 = arith.constant 0 : i32
    %dma_wait3A_359 = tpu.memref_slice %arg8[%dma_wait3A_348, %dma_wait3A_357, %dma_wait3A_358] : memref<3x112x40xf32, #tpu.memory_space<vmem>> -> memref<1x64x40xf32, #tpu.memory_space<vmem>>
    %dma_wait3A_360 = tpu.memref_squeeze %dma_wait3A_359 : memref<1x64x40xf32, #tpu.memory_space<vmem>> -> memref<64x40xf32, #tpu.memory_space<vmem>>
    tpu.wait_dma2 semaphore(%arg11 : memref<!tpu.dma_semaphore, #tpu.memory_space<semaphore_mem>>) src(%dma_wait3A_360 : memref<64x40xf32, #tpu.memory_space<vmem>>) dst(%dma_wait3A_356 : memref<64x40xf32, #tpu.memory_space<vmem_shared>>)
    %add3A_361 = arith.constant 512 : i32
    %add3A_362 = arith.addi %mul3A_2, %add3A_361 : i32
    %dma_wait3A_363 = arith.constant 0 : i32
    %dma_wait3A_364 = arith.constant 0 : i32
    %dma_wait3A_365 = arith.constant 0 : i32
    %dma_wait3A_366 = tpu.memref_slice %arg8[%dma_wait3A_363, %dma_wait3A_364, %dma_wait3A_365] : memref<3x112x40xf32, #tpu.memory_space<vmem>> -> memref<1x64x40xf32, #tpu.memory_space<vmem>>
    %dma_wait3A_367 = tpu.memref_squeeze %dma_wait3A_366 : memref<1x64x40xf32, #tpu.memory_space<vmem>> -> memref<64x40xf32, #tpu.memory_space<vmem>>
    %dma_wait3A_368 = arith.constant 0 : i32
    %dma_wait3A_369 = tpu.memref_slice %arg9[%add3A_362, %dma_wait3A_368] : memref<10240x40xf32, #tpu.memory_space<vmem_shared>> -> memref<64x40xf32, #tpu.memory_space<vmem_shared>>
    %dma_wait3A_370 = arith.constant 0 : i32
    %dma_wait3A_371 = tpu.memref_slice %arg9[%add3A_362, %dma_wait3A_370] : memref<10240x40xf32, #tpu.memory_space<vmem_shared>> -> memref<64x40xf32, #tpu.memory_space<vmem_shared>>
    %dma_wait3A_372 = arith.constant 0 : i32
    %dma_wait3A_373 = arith.constant 0 : i32
    %dma_wait3A_374 = tpu.memref_slice %arg8[%dma_wait3A_363, %dma_wait3A_372, %dma_wait3A_373] : memref<3x112x40xf32, #tpu.memory_space<vmem>> -> memref<1x64x40xf32, #tpu.memory_space<vmem>>
    %dma_wait3A_375 = tpu.memref_squeeze %dma_wait3A_374 : memref<1x64x40xf32, #tpu.memory_space<vmem>> -> memref<64x40xf32, #tpu.memory_space<vmem>>
    tpu.wait_dma2 semaphore(%arg11 : memref<!tpu.dma_semaphore, #tpu.memory_space<semaphore_mem>>) src(%dma_wait3A_375 : memref<64x40xf32, #tpu.memory_space<vmem>>) dst(%dma_wait3A_371 : memref<64x40xf32, #tpu.memory_space<vmem_shared>>)
    %add3A_376 = arith.constant 576 : i32
    %add3A_377 = arith.addi %mul3A_2, %add3A_376 : i32
    %dma_wait3A_378 = arith.constant 0 : i32
    %dma_wait3A_379 = arith.constant 0 : i32
    %dma_wait3A_380 = arith.constant 0 : i32
    %dma_wait3A_381 = tpu.memref_slice %arg8[%dma_wait3A_378, %dma_wait3A_379, %dma_wait3A_380] : memref<3x112x40xf32, #tpu.memory_space<vmem>> -> memref<1x64x40xf32, #tpu.memory_space<vmem>>
    %dma_wait3A_382 = tpu.memref_squeeze %dma_wait3A_381 : memref<1x64x40xf32, #tpu.memory_space<vmem>> -> memref<64x40xf32, #tpu.memory_space<vmem>>
    %dma_wait3A_383 = arith.constant 0 : i32
    %dma_wait3A_384 = tpu.memref_slice %arg9[%add3A_377, %dma_wait3A_383] : memref<10240x40xf32, #tpu.memory_space<vmem_shared>> -> memref<64x40xf32, #tpu.memory_space<vmem_shared>>
    %dma_wait3A_385 = arith.constant 0 : i32
    %dma_wait3A_386 = tpu.memref_slice %arg9[%add3A_377, %dma_wait3A_385] : memref<10240x40xf32, #tpu.memory_space<vmem_shared>> -> memref<64x40xf32, #tpu.memory_space<vmem_shared>>
    %dma_wait3A_387 = arith.constant 0 : i32
    %dma_wait3A_388 = arith.constant 0 : i32
    %dma_wait3A_389 = tpu.memref_slice %arg8[%dma_wait3A_378, %dma_wait3A_387, %dma_wait3A_388] : memref<3x112x40xf32, #tpu.memory_space<vmem>> -> memref<1x64x40xf32, #tpu.memory_space<vmem>>
    %dma_wait3A_390 = tpu.memref_squeeze %dma_wait3A_389 : memref<1x64x40xf32, #tpu.memory_space<vmem>> -> memref<64x40xf32, #tpu.memory_space<vmem>>
    tpu.wait_dma2 semaphore(%arg11 : memref<!tpu.dma_semaphore, #tpu.memory_space<semaphore_mem>>) src(%dma_wait3A_390 : memref<64x40xf32, #tpu.memory_space<vmem>>) dst(%dma_wait3A_386 : memref<64x40xf32, #tpu.memory_space<vmem_shared>>)
    %barrier3A = arith.constant 0 : index
    tpu.barrier barrier_id(%barrier3A)
    %dma_wait3A_391 = arith.constant 0 : i32
    %dma_wait3A_392 = arith.constant 0 : i32
    %dma_wait3A_393 = arith.constant 0 : i32
    %dma_wait3A_394 = tpu.memref_slice %arg6[%dma_wait3A_392, %dma_wait3A_393] : memref<8x112xi32, #tpu.memory_space<vmem>> -> memref<1x112xi32, #tpu.memory_space<vmem>>
    %dma_wait3A_395 = tpu.memref_squeeze %dma_wait3A_394 : memref<1x112xi32, #tpu.memory_space<vmem>> -> memref<112xi32, #tpu.memory_space<vmem>>
    %dma_wait3A_396 = arith.constant 0 : i32
    %dma_wait3A_397 = tpu.memref_slice %arg3[%add3A, %dma_wait3A_391, %dma_wait3A_396] : memref<32x90x112xi32, #tpu.memory_space<hbm>> -> memref<1x1x112xi32, #tpu.memory_space<hbm>>
    %dma_wait3A_398 = tpu.memref_squeeze %dma_wait3A_397 : memref<1x1x112xi32, #tpu.memory_space<hbm>> -> memref<112xi32, #tpu.memory_space<hbm>>
    %dma_wait3A_399 = arith.constant 0 : i32
    %dma_wait3A_400 = tpu.memref_slice %arg6[%dma_wait3A_392, %dma_wait3A_399] : memref<8x112xi32, #tpu.memory_space<vmem>> -> memref<1x112xi32, #tpu.memory_space<vmem>>
    %dma_wait3A_401 = tpu.memref_squeeze %dma_wait3A_400 : memref<1x112xi32, #tpu.memory_space<vmem>> -> memref<112xi32, #tpu.memory_space<vmem>>
    %dma_wait3A_402 = arith.constant 0 : i32
    %dma_wait3A_403 = tpu.memref_slice %arg3[%add3A, %dma_wait3A_391, %dma_wait3A_402] : memref<32x90x112xi32, #tpu.memory_space<hbm>> -> memref<1x1x112xi32, #tpu.memory_space<hbm>>
    %dma_wait3A_404 = tpu.memref_squeeze %dma_wait3A_403 : memref<1x1x112xi32, #tpu.memory_space<hbm>> -> memref<112xi32, #tpu.memory_space<hbm>>
    tpu.wait_dma2 semaphore(%arg12 : memref<!tpu.dma_semaphore, #tpu.memory_space<semaphore_mem>>) src(%dma_wait3A_404 : memref<112xi32, #tpu.memory_space<hbm>>) dst(%dma_wait3A_401 : memref<112xi32, #tpu.memory_space<vmem>>)
    %dma_start3A_405 = arith.constant 0 : i32
    %dma_start3A_406 = arith.constant 0 : i32
    %dma_start3A_407 = arith.constant 0 : i32
    %dma_start3A_408 = arith.constant 0 : i32
    %dma_start3A_409 = tpu.memref_slice %arg8[%dma_start3A_406, %dma_start3A_407, %dma_start3A_408] : memref<3x112x40xf32, #tpu.memory_space<vmem>> -> memref<1x112x40xf32, #tpu.memory_space<vmem>>
    %dma_start3A_410 = tpu.memref_squeeze %dma_start3A_409 : memref<1x112x40xf32, #tpu.memory_space<vmem>> -> memref<112x40xf32, #tpu.memory_space<vmem>>
    %dma_start3A_411 = arith.constant 0 : i32
    %dma_start3A_412 = tpu.memref_slice %arg6[%dma_start3A_405, %dma_start3A_411] : memref<8x112xi32, #tpu.memory_space<vmem>> -> memref<1x112xi32, #tpu.memory_space<vmem>>
    %dma_start3A_413 = tpu.memref_squeeze %dma_start3A_412 : memref<1x112xi32, #tpu.memory_space<vmem>> -> memref<112xi32, #tpu.memory_space<vmem>>
    %dma_start3A_414 = arith.constant 0 : i32
    %dma_start3A_415 = arith.constant 0 : i32
    %dma_start3A_416 = tpu.memref_slice %arg2[%dma_start3A_414, %dma_start3A_415] : memref<10000x40xf32, #tpu.memory_space<hbm>> -> memref<10000x40xf32, #tpu.memory_space<hbm>>
    tpu.enqueue_indirect_dma source(%dma_start3A_416 : memref<10000x40xf32, #tpu.memory_space<hbm>>) target(%dma_start3A_410 : memref<112x40xf32, #tpu.memory_space<vmem>>) offsets(%dma_start3A_413 : memref<112xi32, #tpu.memory_space<vmem>>) semaphore(%arg10 : memref<!tpu.dma_semaphore, #tpu.memory_space<semaphore_mem>>)
    %scan3A_417 = arith.constant 0 : i32
    %scan3A_418 = arith.constant 0 : i32
    %scan3A_419 = arith.constant 90 : i32
    %scan3A_420 = arith.addi %scan3A_418, %scan3A_419 : i32
    %scan3A_421 = arith.constant 1 : i32
    scf.for %scan3A_448 = %scan3A_418 to %scan3A_420 step %scan3A_421  : i32 {
      %rem3A = arith.constant 3 : i32
      %rem3A_449 = arith.remsi %scan3A_448, %rem3A : i32
      %rem3A_450 = arith.constant 8 : i32
      %rem3A_451 = arith.remsi %scan3A_448, %rem3A_450 : i32
      %dma_wait3A_452 = arith.constant 0 : i32
      %dma_wait3A_453 = arith.constant 0 : i32
      %dma_wait3A_454 = tpu.memref_slice %arg8[%rem3A_449, %dma_wait3A_452, %dma_wait3A_453] : memref<3x112x40xf32, #tpu.memory_space<vmem>> -> memref<1x112x40xf32, #tpu.memory_space<vmem>>
      %dma_wait3A_455 = tpu.memref_squeeze %dma_wait3A_454 : memref<1x112x40xf32, #tpu.memory_space<vmem>> -> memref<112x40xf32, #tpu.memory_space<vmem>>
      %dma_wait3A_456 = arith.constant 0 : i32
      %dma_wait3A_457 = tpu.memref_slice %arg6[%rem3A_451, %dma_wait3A_456] : memref<8x112xi32, #tpu.memory_space<vmem>> -> memref<1x112xi32, #tpu.memory_space<vmem>>
      %dma_wait3A_458 = tpu.memref_squeeze %dma_wait3A_457 : memref<1x112xi32, #tpu.memory_space<vmem>> -> memref<112xi32, #tpu.memory_space<vmem>>
      %dma_wait3A_459 = arith.constant 0 : i32
      %dma_wait3A_460 = arith.constant 0 : i32
      %dma_wait3A_461 = tpu.memref_slice %arg2[%dma_wait3A_459, %dma_wait3A_460] : memref<10000x40xf32, #tpu.memory_space<hbm>> -> memref<10000x40xf32, #tpu.memory_space<hbm>>
      tpu.wait_indirect_dma semaphore(%arg10 : memref<!tpu.dma_semaphore, #tpu.memory_space<semaphore_mem>>) src(%dma_wait3A_461 : memref<10000x40xf32, #tpu.memory_space<hbm>>) dst(%dma_wait3A_455 : memref<112x40xf32, #tpu.memory_space<vmem>>)
      %ge3A = arith.constant 2 : i32
      %ge3A_462 = arith.cmpi sge, %scan3A_448, %ge3A : i32
      %convert_element_type3A = arith.extui %ge3A_462 : i1 to i32
      %cond3A = arith.constant 0 : i32
      %cond3A_463 = arith.cmpi ne, %convert_element_type3A, %cond3A : i32
      scf.if %cond3A_463 {
        %add3A_499 = arith.constant 1 : i32
        %add3A_500 = arith.addi %scan3A_448, %add3A_499 : i32
        %rem3A_501 = arith.constant 3 : i32
        %rem3A_502 = arith.remsi %add3A_500, %rem3A_501 : i32
        %sub3A = arith.constant 2 : i32
        %sub3A_503 = arith.subi %scan3A_448, %sub3A : i32
        %rem3A_504 = arith.constant 8 : i32
        %rem3A_505 = arith.remsi %sub3A_503, %rem3A_504 : i32
        %dma_wait3A_506 = arith.constant 0 : i32
        %dma_wait3A_507 = arith.constant 0 : i32
        %dma_wait3A_508 = tpu.memref_slice %arg8[%rem3A_502, %dma_wait3A_506, %dma_wait3A_507] : memref<3x112x40xf32, #tpu.memory_space<vmem>> -> memref<1x112x40xf32, #tpu.memory_space<vmem>>
        %dma_wait3A_509 = tpu.memref_squeeze %dma_wait3A_508 : memref<1x112x40xf32, #tpu.memory_space<vmem>> -> memref<112x40xf32, #tpu.memory_space<vmem>>
        %dma_wait3A_510 = arith.constant 0 : i32
        %dma_wait3A_511 = tpu.memref_slice %arg7[%rem3A_505, %dma_wait3A_510] : memref<8x112xi32, #tpu.memory_space<vmem>> -> memref<1x112xi32, #tpu.memory_space<vmem>>
        %dma_wait3A_512 = tpu.memref_squeeze %dma_wait3A_511 : memref<1x112xi32, #tpu.memory_space<vmem>> -> memref<112xi32, #tpu.memory_space<vmem>>
        %dma_wait3A_513 = arith.constant 0 : i32
        %dma_wait3A_514 = arith.constant 0 : i32
        %dma_wait3A_515 = tpu.memref_slice %arg9[%dma_wait3A_513, %dma_wait3A_514] : memref<10240x40xf32, #tpu.memory_space<vmem_shared>> -> memref<10240x40xf32, #tpu.memory_space<vmem_shared>>
        tpu.wait_indirect_dma semaphore(%arg11 : memref<!tpu.dma_semaphore, #tpu.memory_space<semaphore_mem>>) src(%dma_wait3A_509 : memref<112x40xf32, #tpu.memory_space<vmem>>) dst(%dma_wait3A_515 : memref<10240x40xf32, #tpu.memory_space<vmem_shared>>)
      } else {
      }
      %add3A_464 = arith.constant 1 : i32
      %add3A_465 = arith.addi %scan3A_448, %add3A_464 : i32
      %lt3A = arith.constant 90 : i32
      %lt3A_466 = arith.cmpi slt, %add3A_465, %lt3A : i32
      %convert_element_type3A_467 = arith.extui %lt3A_466 : i1 to i32
      %cond3A_468 = arith.constant 0 : i32
      %cond3A_469 = arith.cmpi ne, %convert_element_type3A_467, %cond3A_468 : i32
      scf.if %cond3A_469 {
        %add3A_499 = arith.constant 1 : i32
        %add3A_500 = arith.addi %scan3A_448, %add3A_499 : i32
        %rem3A_501 = arith.constant 8 : i32
        %rem3A_502 = arith.remsi %add3A_500, %rem3A_501 : i32
        %add3A_503 = arith.constant 1 : i32
        %add3A_504 = arith.addi %scan3A_448, %add3A_503 : i32
        %dma_wait3A_505 = arith.constant 0 : i32
        %dma_wait3A_506 = tpu.memref_slice %arg6[%rem3A_502, %dma_wait3A_505] : memref<8x112xi32, #tpu.memory_space<vmem>> -> memref<1x112xi32, #tpu.memory_space<vmem>>
        %dma_wait3A_507 = tpu.memref_squeeze %dma_wait3A_506 : memref<1x112xi32, #tpu.memory_space<vmem>> -> memref<112xi32, #tpu.memory_space<vmem>>
        %dma_wait3A_508 = arith.constant 0 : i32
        %dma_wait3A_509 = tpu.memref_slice %arg3[%add3A, %add3A_504, %dma_wait3A_508] : memref<32x90x112xi32, #tpu.memory_space<hbm>> -> memref<1x1x112xi32, #tpu.memory_space<hbm>>
        %dma_wait3A_510 = tpu.memref_squeeze %dma_wait3A_509 : memref<1x1x112xi32, #tpu.memory_space<hbm>> -> memref<112xi32, #tpu.memory_space<hbm>>
        %dma_wait3A_511 = arith.constant 0 : i32
        %dma_wait3A_512 = tpu.memref_slice %arg6[%rem3A_502, %dma_wait3A_511] : memref<8x112xi32, #tpu.memory_space<vmem>> -> memref<1x112xi32, #tpu.memory_space<vmem>>
        %dma_wait3A_513 = tpu.memref_squeeze %dma_wait3A_512 : memref<1x112xi32, #tpu.memory_space<vmem>> -> memref<112xi32, #tpu.memory_space<vmem>>
        %dma_wait3A_514 = arith.constant 0 : i32
        %dma_wait3A_515 = tpu.memref_slice %arg3[%add3A, %add3A_504, %dma_wait3A_514] : memref<32x90x112xi32, #tpu.memory_space<hbm>> -> memref<1x1x112xi32, #tpu.memory_space<hbm>>
        %dma_wait3A_516 = tpu.memref_squeeze %dma_wait3A_515 : memref<1x1x112xi32, #tpu.memory_space<hbm>> -> memref<112xi32, #tpu.memory_space<hbm>>
        tpu.wait_dma2 semaphore(%arg12 : memref<!tpu.dma_semaphore, #tpu.memory_space<semaphore_mem>>) src(%dma_wait3A_516 : memref<112xi32, #tpu.memory_space<hbm>>) dst(%dma_wait3A_513 : memref<112xi32, #tpu.memory_space<vmem>>)
        %add3A_517 = arith.constant 1 : i32
        %add3A_518 = arith.addi %scan3A_448, %add3A_517 : i32
        %rem3A_519 = arith.constant 3 : i32
        %rem3A_520 = arith.remsi %add3A_518, %rem3A_519 : i32
        %dma_start3A_521 = arith.constant 0 : i32
        %dma_start3A_522 = arith.constant 0 : i32
        %dma_start3A_523 = tpu.memref_slice %arg8[%rem3A_520, %dma_start3A_521, %dma_start3A_522] : memref<3x112x40xf32, #tpu.memory_space<vmem>> -> memref<1x112x40xf32, #tpu.memory_space<vmem>>
        %dma_start3A_524 = tpu.memref_squeeze %dma_start3A_523 : memref<1x112x40xf32, #tpu.memory_space<vmem>> -> memref<112x40xf32, #tpu.memory_space<vmem>>
        %dma_start3A_525 = arith.constant 0 : i32
        %dma_start3A_526 = tpu.memref_slice %arg6[%rem3A_502, %dma_start3A_525] : memref<8x112xi32, #tpu.memory_space<vmem>> -> memref<1x112xi32, #tpu.memory_space<vmem>>
        %dma_start3A_527 = tpu.memref_squeeze %dma_start3A_526 : memref<1x112xi32, #tpu.memory_space<vmem>> -> memref<112xi32, #tpu.memory_space<vmem>>
        %dma_start3A_528 = arith.constant 0 : i32
        %dma_start3A_529 = arith.constant 0 : i32
        %dma_start3A_530 = tpu.memref_slice %arg2[%dma_start3A_528, %dma_start3A_529] : memref<10000x40xf32, #tpu.memory_space<hbm>> -> memref<10000x40xf32, #tpu.memory_space<hbm>>
        tpu.enqueue_indirect_dma source(%dma_start3A_530 : memref<10000x40xf32, #tpu.memory_space<hbm>>) target(%dma_start3A_524 : memref<112x40xf32, #tpu.memory_space<vmem>>) offsets(%dma_start3A_527 : memref<112xi32, #tpu.memory_space<vmem>>) semaphore(%arg10 : memref<!tpu.dma_semaphore, #tpu.memory_space<semaphore_mem>>)
      } else {
      }
      %dma_wait3A_470 = arith.constant 0 : i32
      %dma_wait3A_471 = tpu.memref_slice %arg7[%rem3A_451, %dma_wait3A_470] : memref<8x112xi32, #tpu.memory_space<vmem>> -> memref<1x112xi32, #tpu.memory_space<vmem>>
      %dma_wait3A_472 = tpu.memref_squeeze %dma_wait3A_471 : memref<1x112xi32, #tpu.memory_space<vmem>> -> memref<112xi32, #tpu.memory_space<vmem>>
      %dma_wait3A_473 = arith.constant 0 : i32
      %dma_wait3A_474 = tpu.memref_slice %arg4[%add3A, %scan3A_448, %dma_wait3A_473] : memref<32x90x112xi32, #tpu.memory_space<hbm>> -> memref<1x1x112xi32, #tpu.memory_space<hbm>>
      %dma_wait3A_475 = tpu.memref_squeeze %dma_wait3A_474 : memref<1x1x112xi32, #tpu.memory_space<hbm>> -> memref<112xi32, #tpu.memory_space<hbm>>
      %dma_wait3A_476 = arith.constant 0 : i32
      %dma_wait3A_477 = tpu.memref_slice %arg7[%rem3A_451, %dma_wait3A_476] : memref<8x112xi32, #tpu.memory_space<vmem>> -> memref<1x112xi32, #tpu.memory_space<vmem>>
      %dma_wait3A_478 = tpu.memref_squeeze %dma_wait3A_477 : memref<1x112xi32, #tpu.memory_space<vmem>> -> memref<112xi32, #tpu.memory_space<vmem>>
      %dma_wait3A_479 = arith.constant 0 : i32
      %dma_wait3A_480 = tpu.memref_slice %arg4[%add3A, %scan3A_448, %dma_wait3A_479] : memref<32x90x112xi32, #tpu.memory_space<hbm>> -> memref<1x1x112xi32, #tpu.memory_space<hbm>>
      %dma_wait3A_481 = tpu.memref_squeeze %dma_wait3A_480 : memref<1x1x112xi32, #tpu.memory_space<hbm>> -> memref<112xi32, #tpu.memory_space<hbm>>
      tpu.wait_dma2 semaphore(%arg13 : memref<!tpu.dma_semaphore, #tpu.memory_space<semaphore_mem>>) src(%dma_wait3A_481 : memref<112xi32, #tpu.memory_space<hbm>>) dst(%dma_wait3A_478 : memref<112xi32, #tpu.memory_space<vmem>>)
      %dma_start3A_482 = arith.constant 0 : i32
      %dma_start3A_483 = arith.constant 0 : i32
      %dma_start3A_484 = tpu.memref_slice %arg8[%rem3A_449, %dma_start3A_482, %dma_start3A_483] : memref<3x112x40xf32, #tpu.memory_space<vmem>> -> memref<1x112x40xf32, #tpu.memory_space<vmem>>
      %dma_start3A_485 = tpu.memref_squeeze %dma_start3A_484 : memref<1x112x40xf32, #tpu.memory_space<vmem>> -> memref<112x40xf32, #tpu.memory_space<vmem>>
      %dma_start3A_486 = arith.constant 0 : i32
      %dma_start3A_487 = tpu.memref_slice %arg7[%rem3A_451, %dma_start3A_486] : memref<8x112xi32, #tpu.memory_space<vmem>> -> memref<1x112xi32, #tpu.memory_space<vmem>>
      %dma_start3A_488 = tpu.memref_squeeze %dma_start3A_487 : memref<1x112xi32, #tpu.memory_space<vmem>> -> memref<112xi32, #tpu.memory_space<vmem>>
      %dma_start3A_489 = arith.constant 0 : i32
      %dma_start3A_490 = arith.constant 0 : i32
      %dma_start3A_491 = tpu.memref_slice %arg9[%dma_start3A_489, %dma_start3A_490] : memref<10240x40xf32, #tpu.memory_space<vmem_shared>> -> memref<10240x40xf32, #tpu.memory_space<vmem_shared>>
      tpu.enqueue_indirect_dma source(%dma_start3A_485 : memref<112x40xf32, #tpu.memory_space<vmem>>) target(%dma_start3A_491 : memref<10240x40xf32, #tpu.memory_space<vmem_shared>>) offsets(%dma_start3A_488 : memref<112xi32, #tpu.memory_space<vmem>>) semaphore(%arg11 : memref<!tpu.dma_semaphore, #tpu.memory_space<semaphore_mem>>) {add = true}
      %add3A_492 = arith.constant 3 : i32
      %add3A_493 = arith.addi %scan3A_448, %add3A_492 : i32
      %lt3A_494 = arith.constant 90 : i32
      %lt3A_495 = arith.cmpi slt, %add3A_493, %lt3A_494 : i32
      %convert_element_type3A_496 = arith.extui %lt3A_495 : i1 to i32
      %cond3A_497 = arith.constant 0 : i32
      %cond3A_498 = arith.cmpi ne, %convert_element_type3A_496, %cond3A_497 : i32
      scf.if %cond3A_498 {
        %add3A_499 = arith.constant 3 : i32
        %add3A_500 = arith.addi %scan3A_448, %add3A_499 : i32
        %rem3A_501 = arith.constant 8 : i32
        %rem3A_502 = arith.remsi %add3A_500, %rem3A_501 : i32
        %add3A_503 = arith.constant 3 : i32
        %add3A_504 = arith.addi %scan3A_448, %add3A_503 : i32
        %dma_start3A_505 = arith.constant 0 : i32
        %dma_start3A_506 = tpu.memref_slice %arg6[%rem3A_502, %dma_start3A_505] : memref<8x112xi32, #tpu.memory_space<vmem>> -> memref<1x112xi32, #tpu.memory_space<vmem>>
        %dma_start3A_507 = tpu.memref_squeeze %dma_start3A_506 : memref<1x112xi32, #tpu.memory_space<vmem>> -> memref<112xi32, #tpu.memory_space<vmem>>
        %dma_start3A_508 = arith.constant 0 : i32
        %dma_start3A_509 = tpu.memref_slice %arg3[%add3A, %add3A_504, %dma_start3A_508] : memref<32x90x112xi32, #tpu.memory_space<hbm>> -> memref<1x1x112xi32, #tpu.memory_space<hbm>>
        %dma_start3A_510 = tpu.memref_squeeze %dma_start3A_509 : memref<1x1x112xi32, #tpu.memory_space<hbm>> -> memref<112xi32, #tpu.memory_space<hbm>>
        %dma_start3A_511 = arith.constant 0 : i32
        %dma_start3A_512 = tpu.memref_slice %arg6[%rem3A_502, %dma_start3A_511] : memref<8x112xi32, #tpu.memory_space<vmem>> -> memref<1x112xi32, #tpu.memory_space<vmem>>
        %dma_start3A_513 = tpu.memref_squeeze %dma_start3A_512 : memref<1x112xi32, #tpu.memory_space<vmem>> -> memref<112xi32, #tpu.memory_space<vmem>>
        %dma_start3A_514 = arith.constant 0 : i32
        %dma_start3A_515 = tpu.memref_slice %arg3[%add3A, %add3A_504, %dma_start3A_514] : memref<32x90x112xi32, #tpu.memory_space<hbm>> -> memref<1x1x112xi32, #tpu.memory_space<hbm>>
        %dma_start3A_516 = tpu.memref_squeeze %dma_start3A_515 : memref<1x1x112xi32, #tpu.memory_space<hbm>> -> memref<112xi32, #tpu.memory_space<hbm>>
        tpu.enqueue_dma source(%dma_start3A_516 : memref<112xi32, #tpu.memory_space<hbm>>) target(%dma_start3A_513 : memref<112xi32, #tpu.memory_space<vmem>>) target_semaphore(%arg12 : memref<!tpu.dma_semaphore, #tpu.memory_space<semaphore_mem>>)
        %add3A_517 = arith.constant 3 : i32
        %add3A_518 = arith.addi %scan3A_448, %add3A_517 : i32
        %dma_start3A_519 = arith.constant 0 : i32
        %dma_start3A_520 = tpu.memref_slice %arg7[%rem3A_502, %dma_start3A_519] : memref<8x112xi32, #tpu.memory_space<vmem>> -> memref<1x112xi32, #tpu.memory_space<vmem>>
        %dma_start3A_521 = tpu.memref_squeeze %dma_start3A_520 : memref<1x112xi32, #tpu.memory_space<vmem>> -> memref<112xi32, #tpu.memory_space<vmem>>
        %dma_start3A_522 = arith.constant 0 : i32
        %dma_start3A_523 = tpu.memref_slice %arg4[%add3A, %add3A_518, %dma_start3A_522] : memref<32x90x112xi32, #tpu.memory_space<hbm>> -> memref<1x1x112xi32, #tpu.memory_space<hbm>>
        %dma_start3A_524 = tpu.memref_squeeze %dma_start3A_523 : memref<1x1x112xi32, #tpu.memory_space<hbm>> -> memref<112xi32, #tpu.memory_space<hbm>>
        %dma_start3A_525 = arith.constant 0 : i32
        %dma_start3A_526 = tpu.memref_slice %arg7[%rem3A_502, %dma_start3A_525] : memref<8x112xi32, #tpu.memory_space<vmem>> -> memref<1x112xi32, #tpu.memory_space<vmem>>
        %dma_start3A_527 = tpu.memref_squeeze %dma_start3A_526 : memref<1x112xi32, #tpu.memory_space<vmem>> -> memref<112xi32, #tpu.memory_space<vmem>>
        %dma_start3A_528 = arith.constant 0 : i32
        %dma_start3A_529 = tpu.memref_slice %arg4[%add3A, %add3A_518, %dma_start3A_528] : memref<32x90x112xi32, #tpu.memory_space<hbm>> -> memref<1x1x112xi32, #tpu.memory_space<hbm>>
        %dma_start3A_530 = tpu.memref_squeeze %dma_start3A_529 : memref<1x1x112xi32, #tpu.memory_space<hbm>> -> memref<112xi32, #tpu.memory_space<hbm>>
        tpu.enqueue_dma source(%dma_start3A_530 : memref<112xi32, #tpu.memory_space<hbm>>) target(%dma_start3A_527 : memref<112xi32, #tpu.memory_space<vmem>>) target_semaphore(%arg13 : memref<!tpu.dma_semaphore, #tpu.memory_space<semaphore_mem>>)
      } else {
      }
    }
    %scan3A_422 = arith.constant 90 : i32
    %dma_wait3A_423 = arith.constant 1 : i32
    %dma_wait3A_424 = arith.constant 0 : i32
    %dma_wait3A_425 = arith.constant 0 : i32
    %dma_wait3A_426 = arith.constant 0 : i32
    %dma_wait3A_427 = tpu.memref_slice %arg8[%dma_wait3A_423, %dma_wait3A_425, %dma_wait3A_426] : memref<3x112x40xf32, #tpu.memory_space<vmem>> -> memref<1x112x40xf32, #tpu.memory_space<vmem>>
    %dma_wait3A_428 = tpu.memref_squeeze %dma_wait3A_427 : memref<1x112x40xf32, #tpu.memory_space<vmem>> -> memref<112x40xf32, #tpu.memory_space<vmem>>
    %dma_wait3A_429 = arith.constant 0 : i32
    %dma_wait3A_430 = tpu.memref_slice %arg7[%dma_wait3A_424, %dma_wait3A_429] : memref<8x112xi32, #tpu.memory_space<vmem>> -> memref<1x112xi32, #tpu.memory_space<vmem>>
    %dma_wait3A_431 = tpu.memref_squeeze %dma_wait3A_430 : memref<1x112xi32, #tpu.memory_space<vmem>> -> memref<112xi32, #tpu.memory_space<vmem>>
    %dma_wait3A_432 = arith.constant 0 : i32
    %dma_wait3A_433 = arith.constant 0 : i32
    %dma_wait3A_434 = tpu.memref_slice %arg9[%dma_wait3A_432, %dma_wait3A_433] : memref<10240x40xf32, #tpu.memory_space<vmem_shared>> -> memref<10240x40xf32, #tpu.memory_space<vmem_shared>>
    tpu.wait_indirect_dma semaphore(%arg11 : memref<!tpu.dma_semaphore, #tpu.memory_space<semaphore_mem>>) src(%dma_wait3A_428 : memref<112x40xf32, #tpu.memory_space<vmem>>) dst(%dma_wait3A_434 : memref<10240x40xf32, #tpu.memory_space<vmem_shared>>)
    %dma_wait3A_435 = arith.constant 2 : i32
    %dma_wait3A_436 = arith.constant 1 : i32
    %dma_wait3A_437 = arith.constant 0 : i32
    %dma_wait3A_438 = arith.constant 0 : i32
    %dma_wait3A_439 = tpu.memref_slice %arg8[%dma_wait3A_435, %dma_wait3A_437, %dma_wait3A_438] : memref<3x112x40xf32, #tpu.memory_space<vmem>> -> memref<1x112x40xf32, #tpu.memory_space<vmem>>
    %dma_wait3A_440 = tpu.memref_squeeze %dma_wait3A_439 : memref<1x112x40xf32, #tpu.memory_space<vmem>> -> memref<112x40xf32, #tpu.memory_space<vmem>>
    %dma_wait3A_441 = arith.constant 0 : i32
    %dma_wait3A_442 = tpu.memref_slice %arg7[%dma_wait3A_436, %dma_wait3A_441] : memref<8x112xi32, #tpu.memory_space<vmem>> -> memref<1x112xi32, #tpu.memory_space<vmem>>
    %dma_wait3A_443 = tpu.memref_squeeze %dma_wait3A_442 : memref<1x112xi32, #tpu.memory_space<vmem>> -> memref<112xi32, #tpu.memory_space<vmem>>
    %dma_wait3A_444 = arith.constant 0 : i32
    %dma_wait3A_445 = arith.constant 0 : i32
    %dma_wait3A_446 = tpu.memref_slice %arg9[%dma_wait3A_444, %dma_wait3A_445] : memref<10240x40xf32, #tpu.memory_space<vmem_shared>> -> memref<10240x40xf32, #tpu.memory_space<vmem_shared>>
    tpu.wait_indirect_dma semaphore(%arg11 : memref<!tpu.dma_semaphore, #tpu.memory_space<semaphore_mem>>) src(%dma_wait3A_440 : memref<112x40xf32, #tpu.memory_space<vmem>>) dst(%dma_wait3A_446 : memref<10240x40xf32, #tpu.memory_space<vmem_shared>>)
    %barrier3A_447 = arith.constant 0 : index
    tpu.barrier barrier_id(%barrier3A_447)
    "tpu.region"() ({
      %run_scoped3A = tpu.sem_alloc : memref<!tpu.dma_semaphore, #tpu.memory_space<semaphore_mem>>
      %dma_start3A_448 = arith.constant 0 : i32
      %dma_start3A_449 = tpu.memref_slice %arg5[%arg0, %mul3A_2, %dma_start3A_448] : memref<2x10240x40xf32, #tpu.memory_space<hbm>> -> memref<1x640x40xf32, #tpu.memory_space<hbm>>
      %dma_start3A_450 = tpu.memref_squeeze %dma_start3A_449 : memref<1x640x40xf32, #tpu.memory_space<hbm>> -> memref<640x40xf32, #tpu.memory_space<hbm>>
      %dma_start3A_451 = arith.constant 0 : i32
      %dma_start3A_452 = tpu.memref_slice %arg9[%mul3A_2, %dma_start3A_451] : memref<10240x40xf32, #tpu.memory_space<vmem_shared>> -> memref<640x40xf32, #tpu.memory_space<vmem_shared>>
      tpu.enqueue_dma source(%dma_start3A_452 : memref<640x40xf32, #tpu.memory_space<vmem_shared>>) target(%dma_start3A_450 : memref<640x40xf32, #tpu.memory_space<hbm>>) target_semaphore(%run_scoped3A : memref<!tpu.dma_semaphore, #tpu.memory_space<semaphore_mem>>)
      %dma_wait3A_453 = arith.constant 0 : i32
      %dma_wait3A_454 = tpu.memref_slice %arg5[%arg0, %mul3A_2, %dma_wait3A_453] : memref<2x10240x40xf32, #tpu.memory_space<hbm>> -> memref<1x640x40xf32, #tpu.memory_space<hbm>>
      %dma_wait3A_455 = tpu.memref_squeeze %dma_wait3A_454 : memref<1x640x40xf32, #tpu.memory_space<hbm>> -> memref<640x40xf32, #tpu.memory_space<hbm>>
      %dma_wait3A_456 = arith.constant 0 : i32
      %dma_wait3A_457 = tpu.memref_slice %arg9[%mul3A_2, %dma_wait3A_456] : memref<10240x40xf32, #tpu.memory_space<vmem_shared>> -> memref<640x40xf32, #tpu.memory_space<vmem_shared>>
      tpu.wait_dma2 semaphore(%run_scoped3A : memref<!tpu.dma_semaphore, #tpu.memory_space<semaphore_mem>>) src(%dma_wait3A_457 : memref<640x40xf32, #tpu.memory_space<vmem_shared>>) dst(%dma_wait3A_455 : memref<640x40xf32, #tpu.memory_space<hbm>>)
      tpu.yield
    }) : () -> ()
    return
  }
}

module attributes {stable_mosaic.version = 14 : i64} {
  func.func @_mm1_body(%arg0: i32, %arg1: memref<1000x128xf32, #tpu.memory_space<vmem>>, %arg2: memref<128x128xf32, #tpu.memory_space<vmem>>, %arg3: memref<2x1000x8xf32, #tpu.memory_space<vmem>>, %arg4: memref<1000x128xf32, #tpu.memory_space<vmem>>) attributes {dimension_semantics = [#tpu.dimension_semantics<arbitrary>], iteration_bounds = array<i64: 10>, scalar_prefetch = 0 : i64, scratch_operands = 0 : i64, tpu.core_type = #tpu.core_type<tc>, window_params = [{transform_indices = @transform_0, window_bounds = array<i64: 1000, 128>}, {pipeline_mode = #tpu.pipeline_mode<synchronous>, transform_indices = @transform_1, window_bounds = array<i64: 128, 128>}, {transform_indices = @transform_2, window_bounds = array<i64: 2, 1000, 8>}, {transform_indices = @transform_3, window_bounds = array<i64: 1000, 128>}]} {
    %get3A = arith.constant 0 : index
    %get3A_0 = arith.constant 0 : index
    %get3A_1 = vector.load %arg1[%get3A, %get3A_0] : memref<1000x128xf32, #tpu.memory_space<vmem>>, vector<1000x128xf32>
    %get3A_2 = arith.constant 0 : index
    %get3A_3 = arith.constant 0 : index
    %get3A_4 = vector.load %arg2[%get3A_2, %get3A_3] : memref<128x128xf32, #tpu.memory_space<vmem>>, vector<128x128xf32>
    %dot_general3A = arith.constant dense<0.000000e+00> : vector<1000x128xf32>
    %dot_general3A_5 = tpu.matmul %get3A_1, %get3A_4, %dot_general3A {dimension_numbers = #tpu.dot_dimension_numbers<[1], [0], [0], [1], [0, 0, 1, 1], [], []>, transpose_lhs_hint = false} : vector<1000x128xf32>, vector<128x128xf32>, vector<1000x128xf32> -> vector<1000x128xf32>
    %get3A_6 = arith.constant 0 : index
    %get3A_7 = arith.constant 0 : index
    %get3A_8 = arith.constant 0 : index
    %get3A_9 = vector.load %arg3[%get3A_6, %get3A_7, %get3A_8] : memref<2x1000x8xf32, #tpu.memory_space<vmem>>, vector<1x1000x1xf32>
    %get3A_10 = vector.shape_cast %get3A_9 : vector<1x1000x1xf32> to vector<1000x1xf32>
    %get3A_11 = arith.constant 1 : index
    %get3A_12 = arith.constant 0 : index
    %get3A_13 = arith.constant 0 : index
    %get3A_14 = vector.load %arg3[%get3A_11, %get3A_12, %get3A_13] : memref<2x1000x8xf32, #tpu.memory_space<vmem>>, vector<1x1000x1xf32>
    %get3A_15 = vector.shape_cast %get3A_14 : vector<1x1000x1xf32> to vector<1000x1xf32>
    %add3A = arith.addf %get3A_10, %get3A_15 : vector<1000x1xf32>
    %add3A_16 = arith.constant 1.000000e+00 : f32
    %add3A_17 = vector.broadcast %add3A_16 : f32 to vector<1000x1xf32>
    %add3A_18 = arith.addf %add3A, %add3A_17 : vector<1000x1xf32>
    %rsqrt3A = math.rsqrt %add3A_18 : vector<1000x1xf32>
    %mul3A = vector.broadcast %rsqrt3A : vector<1000x1xf32> to vector<1000x128xf32>
    %mul3A_19 = arith.mulf %dot_general3A_5, %mul3A : vector<1000x128xf32>
    %swap3A = arith.constant 0 : index
    %swap3A_20 = arith.constant 0 : index
    %swap3A_21 = vector.load %arg4[%swap3A, %swap3A_20] : memref<1000x128xf32, #tpu.memory_space<vmem>>, vector<1000x128xf32>
    tpu.vector_store %arg4[%swap3A, %swap3A_20], %mul3A_19 {strides = array<i32>} : memref<1000x128xf32, #tpu.memory_space<vmem>>, vector<1000x128xf32>,
    return
  }
  func.func @transform_0(%arg0: i32) -> (i32, i32) {
    %c0_i32 = arith.constant 0 : i32
    %c0_i32_0 = arith.constant 0 : i32
    return %arg0, %c0_i32 : i32, i32
  }
  func.func @transform_1(%arg0: i32) -> (i32, i32) {
    %c0_i32 = arith.constant 0 : i32
    %c0_i32_0 = arith.constant 0 : i32
    %c0_i32_1 = arith.constant 0 : i32
    return %c0_i32, %c0_i32_0 : i32, i32
  }
  func.func @transform_2(%arg0: i32) -> (i32, i32, i32) {
    %c0_i32 = arith.constant 0 : i32
    %c0_i32_0 = arith.constant 0 : i32
    %c0_i32_1 = arith.constant 0 : i32
    return %c0_i32, %arg0, %c0_i32_0 : i32, i32, i32
  }
  func.func @transform_3(%arg0: i32) -> (i32, i32) {
    %c0_i32 = arith.constant 0 : i32
    %c0_i32_0 = arith.constant 0 : i32
    return %arg0, %c0_i32 : i32, i32
  }
}

module attributes {stable_mosaic.version = 14 : i64} {
  func.func @_mid_body(%arg0: i32, %arg1: memref<2x1000x128xf32, #tpu.memory_space<vmem>>, %arg2: memref<1000x128xf32, #tpu.memory_space<vmem>>, %arg3: memref<2x1000x8xf32, #tpu.memory_space<vmem>>, %arg4: memref<1x128xf32, #tpu.memory_space<vmem>>, %arg5: memref<128x40xf32, #tpu.memory_space<vmem>>, %arg6: memref<1000x40xf32, #tpu.memory_space<vmem>>) attributes {dimension_semantics = [#tpu.dimension_semantics<arbitrary>], iteration_bounds = array<i64: 10>, scalar_prefetch = 0 : i64, scratch_operands = 0 : i64, tpu.core_type = #tpu.core_type<tc>, window_params = [{transform_indices = @transform_0, window_bounds = array<i64: 2, 1000, 128>}, {transform_indices = @transform_1, window_bounds = array<i64: 1000, 128>}, {transform_indices = @transform_2, window_bounds = array<i64: 2, 1000, 8>}, {pipeline_mode = #tpu.pipeline_mode<synchronous>, transform_indices = @transform_3, window_bounds = array<i64: 1, 128>}, {pipeline_mode = #tpu.pipeline_mode<synchronous>, transform_indices = @transform_4, window_bounds = array<i64: 128, 40>}, {transform_indices = @transform_5, window_bounds = array<i64: 1000, 40>}]} {
    %get3A = arith.constant 0 : index
    %get3A_0 = arith.constant 0 : index
    %get3A_1 = arith.constant 0 : index
    %get3A_2 = vector.load %arg3[%get3A, %get3A_0, %get3A_1] : memref<2x1000x8xf32, #tpu.memory_space<vmem>>, vector<1x1000x1xf32>
    %get3A_3 = vector.shape_cast %get3A_2 : vector<1x1000x1xf32> to vector<1000x1xf32>
    %get3A_4 = arith.constant 1 : index
    %get3A_5 = arith.constant 0 : index
    %get3A_6 = arith.constant 0 : index
    %get3A_7 = vector.load %arg3[%get3A_4, %get3A_5, %get3A_6] : memref<2x1000x8xf32, #tpu.memory_space<vmem>>, vector<1x1000x1xf32>
    %get3A_8 = vector.shape_cast %get3A_7 : vector<1x1000x1xf32> to vector<1000x1xf32>
    %add3A = arith.addf %get3A_3, %get3A_8 : vector<1000x1xf32>
    %add3A_9 = arith.constant 1.000000e+00 : f32
    %add3A_10 = vector.broadcast %add3A_9 : f32 to vector<1000x1xf32>
    %add3A_11 = arith.addf %add3A, %add3A_10 : vector<1000x1xf32>
    %rsqrt3A = math.rsqrt %add3A_11 : vector<1000x1xf32>
    %get3A_12 = arith.constant 0 : index
    %get3A_13 = arith.constant 0 : index
    %get3A_14 = arith.constant 0 : index
    %get3A_15 = vector.load %arg1[%get3A_12, %get3A_13, %get3A_14] : memref<2x1000x128xf32, #tpu.memory_space<vmem>>, vector<1x1000x128xf32>
    %get3A_16 = vector.shape_cast %get3A_15 : vector<1x1000x128xf32> to vector<1000x128xf32>
    %get3A_17 = arith.constant 1 : index
    %get3A_18 = arith.constant 0 : index
    %get3A_19 = arith.constant 0 : index
    %get3A_20 = vector.load %arg1[%get3A_17, %get3A_18, %get3A_19] : memref<2x1000x128xf32, #tpu.memory_space<vmem>>, vector<1x1000x128xf32>
    %get3A_21 = vector.shape_cast %get3A_20 : vector<1x1000x128xf32> to vector<1000x128xf32>
    %add3A_22 = arith.addf %get3A_16, %get3A_21 : vector<1000x128xf32>
    %get3A_23 = arith.constant 0 : index
    %get3A_24 = arith.constant 0 : index
    %get3A_25 = vector.load %arg2[%get3A_23, %get3A_24] : memref<1000x128xf32, #tpu.memory_space<vmem>>, vector<1000x128xf32>
    %add3A_26 = arith.addf %add3A_22, %get3A_25 : vector<1000x128xf32>
    %mul3A = vector.broadcast %rsqrt3A : vector<1000x1xf32> to vector<1000x128xf32>
    %mul3A_27 = arith.mulf %add3A_26, %mul3A : vector<1000x128xf32>
    %get3A_28 = arith.constant 0 : index
    %get3A_29 = arith.constant 0 : index
    %get3A_30 = vector.load %arg4[%get3A_28, %get3A_29] : memref<1x128xf32, #tpu.memory_space<vmem>>, vector<1x128xf32>
    %add3A_31 = vector.broadcast %get3A_30 : vector<1x128xf32> to vector<1000x128xf32>
    %add3A_32 = arith.addf %mul3A_27, %add3A_31 : vector<1000x128xf32>
    %max3A = arith.constant 0.000000e+00 : f32
    %max3A_33 = vector.broadcast %max3A : f32 to vector<1000x128xf32>
    %max3A_34 = arith.maximumf %add3A_32, %max3A_33 : vector<1000x128xf32>
    %get3A_35 = arith.constant 0 : index
    %get3A_36 = arith.constant 0 : index
    %get3A_37 = vector.load %arg5[%get3A_35, %get3A_36] : memref<128x40xf32, #tpu.memory_space<vmem>>, vector<128x40xf32>
    %dot_general3A = arith.constant dense<0.000000e+00> : vector<1000x40xf32>
    %dot_general3A_38 = tpu.matmul %max3A_34, %get3A_37, %dot_general3A {dimension_numbers = #tpu.dot_dimension_numbers<[1], [0], [0], [1], [0, 0, 1, 1], [], []>, transpose_lhs_hint = false} : vector<1000x128xf32>, vector<128x40xf32>, vector<1000x40xf32> -> vector<1000x40xf32>
    %mul3A_39 = vector.broadcast %rsqrt3A : vector<1000x1xf32> to vector<1000x40xf32>
    %mul3A_40 = arith.mulf %dot_general3A_38, %mul3A_39 : vector<1000x40xf32>
    %swap3A = arith.constant 0 : index
    %swap3A_41 = arith.constant 0 : index
    %swap3A_42 = vector.load %arg6[%swap3A, %swap3A_41] : memref<1000x40xf32, #tpu.memory_space<vmem>>, vector<1000x40xf32>
    tpu.vector_store %arg6[%swap3A, %swap3A_41], %mul3A_40 {strides = array<i32>} : memref<1000x40xf32, #tpu.memory_space<vmem>>, vector<1000x40xf32>,
    return
  }
  func.func @transform_0(%arg0: i32) -> (i32, i32, i32) {
    %c0_i32 = arith.constant 0 : i32
    %c0_i32_0 = arith.constant 0 : i32
    %c0_i32_1 = arith.constant 0 : i32
    return %c0_i32, %arg0, %c0_i32_0 : i32, i32, i32
  }
  func.func @transform_1(%arg0: i32) -> (i32, i32) {
    %c0_i32 = arith.constant 0 : i32
    %c0_i32_0 = arith.constant 0 : i32
    return %arg0, %c0_i32 : i32, i32
  }
  func.func @transform_2(%arg0: i32) -> (i32, i32, i32) {
    %c0_i32 = arith.constant 0 : i32
    %c0_i32_0 = arith.constant 0 : i32
    %c0_i32_1 = arith.constant 0 : i32
    return %c0_i32, %arg0, %c0_i32_0 : i32, i32, i32
  }
  func.func @transform_3(%arg0: i32) -> (i32, i32) {
    %c0_i32 = arith.constant 0 : i32
    %c0_i32_0 = arith.constant 0 : i32
    %c0_i32_1 = arith.constant 0 : i32
    return %c0_i32, %c0_i32_0 : i32, i32
  }
  func.func @transform_4(%arg0: i32) -> (i32, i32) {
    %c0_i32 = arith.constant 0 : i32
    %c0_i32_0 = arith.constant 0 : i32
    %c0_i32_1 = arith.constant 0 : i32
    return %c0_i32, %c0_i32_0 : i32, i32
  }
  func.func @transform_5(%arg0: i32) -> (i32, i32) {
    %c0_i32 = arith.constant 0 : i32
    %c0_i32_0 = arith.constant 0 : i32
    return %arg0, %c0_i32 : i32, i32
  }
}

module attributes {stable_mosaic.version = 14 : i64} {
  func.func @_final_body(%arg0: i32, %arg1: memref<2x1000x40xf32, #tpu.memory_space<vmem>>, %arg2: memref<1000x40xf32, #tpu.memory_space<vmem>>, %arg3: memref<2x1000x8xf32, #tpu.memory_space<vmem>>, %arg4: memref<1x40xf32, #tpu.memory_space<vmem>>, %arg5: memref<1000x40xf32, #tpu.memory_space<vmem>>) attributes {dimension_semantics = [#tpu.dimension_semantics<arbitrary>], iteration_bounds = array<i64: 10>, scalar_prefetch = 0 : i64, scratch_operands = 0 : i64, tpu.core_type = #tpu.core_type<tc>, window_params = [{transform_indices = @transform_0, window_bounds = array<i64: 2, 1000, 40>}, {transform_indices = @transform_1, window_bounds = array<i64: 1000, 40>}, {transform_indices = @transform_2, window_bounds = array<i64: 2, 1000, 8>}, {pipeline_mode = #tpu.pipeline_mode<synchronous>, transform_indices = @transform_3, window_bounds = array<i64: 1, 40>}, {transform_indices = @transform_4, window_bounds = array<i64: 1000, 40>}]} {
    %get3A = arith.constant 0 : index
    %get3A_0 = arith.constant 0 : index
    %get3A_1 = arith.constant 0 : index
    %get3A_2 = vector.load %arg3[%get3A, %get3A_0, %get3A_1] : memref<2x1000x8xf32, #tpu.memory_space<vmem>>, vector<1x1000x1xf32>
    %get3A_3 = vector.shape_cast %get3A_2 : vector<1x1000x1xf32> to vector<1000x1xf32>
    %get3A_4 = arith.constant 1 : index
    %get3A_5 = arith.constant 0 : index
    %get3A_6 = arith.constant 0 : index
    %get3A_7 = vector.load %arg3[%get3A_4, %get3A_5, %get3A_6] : memref<2x1000x8xf32, #tpu.memory_space<vmem>>, vector<1x1000x1xf32>
    %get3A_8 = vector.shape_cast %get3A_7 : vector<1x1000x1xf32> to vector<1000x1xf32>
    %add3A = arith.addf %get3A_3, %get3A_8 : vector<1000x1xf32>
    %add3A_9 = arith.constant 1.000000e+00 : f32
    %add3A_10 = vector.broadcast %add3A_9 : f32 to vector<1000x1xf32>
    %add3A_11 = arith.addf %add3A, %add3A_10 : vector<1000x1xf32>
    %rsqrt3A = math.rsqrt %add3A_11 : vector<1000x1xf32>
    %get3A_12 = arith.constant 0 : index
    %get3A_13 = arith.constant 0 : index
    %get3A_14 = arith.constant 0 : index
    %get3A_15 = vector.load %arg1[%get3A_12, %get3A_13, %get3A_14] : memref<2x1000x40xf32, #tpu.memory_space<vmem>>, vector<1x1000x40xf32>
    %get3A_16 = vector.shape_cast %get3A_15 : vector<1x1000x40xf32> to vector<1000x40xf32>
    %get3A_17 = arith.constant 1 : index
    %get3A_18 = arith.constant 0 : index
    %get3A_19 = arith.constant 0 : index
    %get3A_20 = vector.load %arg1[%get3A_17, %get3A_18, %get3A_19] : memref<2x1000x40xf32, #tpu.memory_space<vmem>>, vector<1x1000x40xf32>
    %get3A_21 = vector.shape_cast %get3A_20 : vector<1x1000x40xf32> to vector<1000x40xf32>
    %add3A_22 = arith.addf %get3A_16, %get3A_21 : vector<1000x40xf32>
    %get3A_23 = arith.constant 0 : index
    %get3A_24 = arith.constant 0 : index
    %get3A_25 = vector.load %arg2[%get3A_23, %get3A_24] : memref<1000x40xf32, #tpu.memory_space<vmem>>, vector<1000x40xf32>
    %add3A_26 = arith.addf %add3A_22, %get3A_25 : vector<1000x40xf32>
    %mul3A = vector.broadcast %rsqrt3A : vector<1000x1xf32> to vector<1000x40xf32>
    %mul3A_27 = arith.mulf %add3A_26, %mul3A : vector<1000x40xf32>
    %get3A_28 = arith.constant 0 : index
    %get3A_29 = arith.constant 0 : index
    %get3A_30 = vector.load %arg4[%get3A_28, %get3A_29] : memref<1x40xf32, #tpu.memory_space<vmem>>, vector<1x40xf32>
    %add3A_31 = vector.broadcast %get3A_30 : vector<1x40xf32> to vector<1000x40xf32>
    %add3A_32 = arith.addf %mul3A_27, %add3A_31 : vector<1000x40xf32>
    %reduce_max3A = arith.constant dense<0xFF800000> : vector<1000xf32>
    %reduce_max3A_33 = vector.multi_reduction <maximumf>, %add3A_32, %reduce_max3A [1] : vector<1000x40xf32> to vector<1000xf32>
    %broadcast_in_dim3A = vector.shape_cast %reduce_max3A_33 : vector<1000xf32> to vector<1000x1xf32>
    %sub3A = vector.broadcast %broadcast_in_dim3A : vector<1000x1xf32> to vector<1000x40xf32>
    %sub3A_34 = arith.subf %add3A_32, %sub3A : vector<1000x40xf32>
    %exp3A = math.exp %sub3A_34 : vector<1000x40xf32>
    %reduce_sum3A = arith.constant dense<0.000000e+00> : vector<1000xf32>
    %reduce_sum3A_35 = vector.multi_reduction <add>, %exp3A, %reduce_sum3A [1] : vector<1000x40xf32> to vector<1000xf32>
    %broadcast_in_dim3A_36 = vector.shape_cast %reduce_sum3A_35 : vector<1000xf32> to vector<1000x1xf32>
    %log3A = math.log %broadcast_in_dim3A_36 : vector<1000x1xf32>
    %add3A_37 = arith.addf %log3A, %broadcast_in_dim3A : vector<1000x1xf32>
    %sub3A_38 = vector.broadcast %add3A_37 : vector<1000x1xf32> to vector<1000x40xf32>
    %sub3A_39 = arith.subf %add3A_32, %sub3A_38 : vector<1000x40xf32>
    %swap3A = arith.constant 0 : index
    %swap3A_40 = arith.constant 0 : index
    %swap3A_41 = vector.load %arg5[%swap3A, %swap3A_40] : memref<1000x40xf32, #tpu.memory_space<vmem>>, vector<1000x40xf32>
    tpu.vector_store %arg5[%swap3A, %swap3A_40], %sub3A_39 {strides = array<i32>} : memref<1000x40xf32, #tpu.memory_space<vmem>>, vector<1000x40xf32>,
    return
  }
  func.func @transform_0(%arg0: i32) -> (i32, i32, i32) {
    %c0_i32 = arith.constant 0 : i32
    %c0_i32_0 = arith.constant 0 : i32
    %c0_i32_1 = arith.constant 0 : i32
    return %c0_i32, %arg0, %c0_i32_0 : i32, i32, i32
  }
  func.func @transform_1(%arg0: i32) -> (i32, i32) {
    %c0_i32 = arith.constant 0 : i32
    %c0_i32_0 = arith.constant 0 : i32
    return %arg0, %c0_i32 : i32, i32
  }
  func.func @transform_2(%arg0: i32) -> (i32, i32, i32) {
    %c0_i32 = arith.constant 0 : i32
    %c0_i32_0 = arith.constant 0 : i32
    %c0_i32_1 = arith.constant 0 : i32
    return %c0_i32, %arg0, %c0_i32_0 : i32, i32, i32
  }
  func.func @transform_3(%arg0: i32) -> (i32, i32) {
    %c0_i32 = arith.constant 0 : i32
    %c0_i32_0 = arith.constant 0 : i32
    %c0_i32_1 = arith.constant 0 : i32
    return %c0_i32, %c0_i32_0 : i32, i32
  }
  func.func @transform_4(%arg0: i32) -> (i32, i32) {
    %c0_i32 = arith.constant 0 : i32
    %c0_i32_0 = arith.constant 0 : i32
    return %arg0, %c0_i32 : i32, i32
  }
}

</mosaic_0001>

<sc_bundles>
// kernel: kernel.11.cloned.1.call-start
scs
__scs_entry_jumppad:
0x0: {  	(pc) =	sbr.rel $0x88, $3  }
0x1: {  	(tag) =	ssettag $0x0;
	lr =	simm.s32 $0x1  }
0x2: {  	[smem:$0x3F9B] =	sst lr;
	_ =	strace $0xD0000000  }
0x3: {  	_ = 	snop  }
0x4: {  	_ = 	snop  }
0x5: {  	_ = 	snop  }
0x6: {  	_ = 	snop  }
0x7: {  	_ = 	snop  }
__scs_overlays_trampoline_lowered:
0x8: {  	[smem:$0x3FAA] =	sst s0  }
0x9: {  	[smem:$0x3FAB] =	sst s1  }
0xa: {  	[smem:$0x3FAC] =	sst s2  }
0xb: {  	[smem:$0x3FAD] =	sst s3  }
0xc: {  	[smem:$0x3FAE] =	sst s4  }
0xd: {  	[smem:$0x3FAF] =	sst s5  }
0xe: {  	[smem:$0x3FB0] =	sst s6  }
0xf: {  	[smem:$0x3FB1] =	sst s7  }
0x10: {  	[smem:$0x3FB2] =	sst s8  }
0x11: {  	[smem:$0x3FB3] =	sst s9;
	s0 =	simm.s32 @!p0 $0x0  }
0x12: {  	s1 =	sld [smem:$0x3F99];
	s0 =	simm.s32 @p0 $0x1  }
0x13: {  	[smem:$0x3FB4] =	sst s0;
	s0 =	simm.s32 @!p1 $0x0  }
0x14: {  	s2 =	sld [smem:$0x3F98];
	s0 =	simm.s32 @p1 $0x1  }
0x15: {  	[smem:$0x3FB5] =	sst s0;
	s0 =	simm.s32 @!p2 $0x0  }
0x16: {  	s3 =	sld [smem:$0x3FDB];
	s0 =	simm.s32 @p2 $0x1  }
0x17: {  	s4 =	simm.s32 $0x1BF5;
	[smem:$0x3FB7] =	sst s0  }
0x18: {  	s0 =	sld [smem:$0x3F9A];
	_ =	swait.ge [sflag:s4], $0x0  }
0x19: {  	s7 =	sld [smem:$0x3F9B]  }
0x1a: {  	s8 =	sadd.s32 $0xFFFFE003, lr  }
0x1b: {  	s9 =	sadd.s32 $0xFFFFFEF7, lr;
	s5 =	simm.s32 $0xFFFFFFFF;
	p2 =	slt.u32 s8, $0xFFFFF086  }
0x1c: {  	p1 =	slt.u32 s9, $0xF7A;
	s5 =	simm.s32 @!p2 $0x0  }
0x1d: {  	s5 =	simm.s32 @p1 $0x1;
	p0 =	seq.s32 s7, s2  }
0x1e: {  	s7 =	smul.u32 @!p0 $0xF7A, s2;
	p2 =	seq.s32 @!p0 s5, $0x0  }
0x1f: {  	s9 =	smul.u32 $0xF7A, s1;
	s8 =	simm.s32 @!p0 $0x1BF5;
	p2 =	por !p2, p0  }
0x20: {  	[sflag:s8] =	ssyncset.s32 @!p0 $0xFFFFF086;
	s6 =	sadd.s32 @!p0 s3, s7;
	s7 =	simm.s32 @!p0 $0x108  }
0x21: {  	s3 =	sadd.s32 s3, s9;
	s6 =	sadd.s32 @!p0 $0x88, s6;
	s7 =	simm.s32 @p2 $0x1082  }
0x22: {  	[simem:s7], [sflag:s8] =	dma.local @!p0 [hbm:s6], $0xF7A  }
0x23: {  	s9 =	sor.u32 $0xD0000000, s2;
	s6 =	simm.s32 $0x108;
	_ =	swait.ge @!p0 [sflag:s8], $0x0  }
0x24: {  	s3 =	sadd.s32 $0x88, s3;
	s6 =	simm.s32 @!p1 $0x1082;
	[sflag:s4] =	ssyncset.s32 $0xFFFFF086  }
0x25: {  	[simem:s6], [sflag:s4] =	dma.local [hbm:s3], $0xF7A  }
0x26: {  	[smem:$0x3F9B] =	sst s1;
	(tag) =	ssettag s2;
	_ =	strace s9  }
0x27: {  	s1 =	sld [smem:$0x3FAB]  }
0x28: {  	s2 =	sld [smem:$0x3FAC]  }
0x29: {  	s4 =	sld [smem:$0x3FAE]  }
0x2a: {  	p0 =	seq.s32 s5, $0x0;
	s5 =	sld [smem:$0x3FAF]  }
0x2b: {  	s6 =	sld [smem:$0x3FB0]  }
0x2c: {  	s7 =	sld [smem:$0x3FB1]  }
0x2d: {  	s3 =	simm.s32 $0x108;
	s8 =	sld [smem:$0x3FB2]  }
0x2e: {  	s3 =	simm.s32 @!p0 $0x1082;
	s9 =	sld [smem:$0x3FB3]  }
0x2f: {  	lr =	sadd.s32 s0, s3;
	s0 =	sld [smem:$0x3FAA]  }
0x30: {  	s3 =	sld [smem:$0x3FAD]  }
0x31: {  	[smem:$0x3FB6] =	sst s10  }
0x32: {  	s10 =	sld [smem:$0x3FB4];
	_ =	sdelay $0x3  }
0x33: {  	p0 =	seq.s32 s10, $0x1;
	s10 =	sld [smem:$0x3FB6];
	_ =	sdelay $0x3  }
0x34: {  	[smem:$0x3FB6] =	sst s10  }
0x35: {  	s10 =	sld [smem:$0x3FB5];
	_ =	sdelay $0x3  }
0x36: {  	p1 =	seq.s32 s10, $0x1;
	s10 =	sld [smem:$0x3FB6];
	_ =	sdelay $0x3  }
0x37: {  	[smem:$0x3FB6] =	sst s10  }
0x38: {  	s10 =	sld [smem:$0x3FB7]  }
0x39: {  	_ = 	snop;
	(pc) =	sbr.ind lr, $3  }
0x3a: {  	_ = 	snop  }
0x3b: {  	_ = 	snop  }
0x3c: {  	p2 =	seq.s32 s10, $0x1;
	s10 =	sld [smem:$0x3FB6]  }
0x3d: {  	_ =	shalt  }
0x3e: {  	_ =	shalt  }
0x3f: {  	_ =	shalt  }
0x40: {  	_ =	shalt  }
0x41: {  	_ =	shalt  }
0x42: {  	_ =	shalt  }
0x43: {  	_ =	shalt  }
0x44: {  	_ =	shalt  }
0x45: {  	_ =	shalt  }
0x46: {  	_ =	shalt  }
0x47: {  	_ =	shalt  }
0x48: {  	_ =	shalt  }
0x49: {  	_ =	shalt  }
0x4a: {  	_ =	shalt  }
0x4b: {  	_ =	shalt  }
0x4c: {  	_ =	shalt  }
0x4d: {  	_ =	shalt  }
0x4e: {  	_ =	shalt  }
0x4f: {  	_ =	shalt  }
0x50: {  	_ =	shalt  }
0x51: {  	_ =	shalt  }
0x52: {  	_ =	shalt  }
0x53: {  	_ =	shalt  }
0x54: {  	_ =	shalt  }
0x55: {  	_ =	shalt  }
0x56: {  	_ =	shalt  }
0x57: {  	_ =	shalt  }
0x58: {  	_ =	shalt  }
0x59: {  	_ =	shalt  }
0x5a: {  	_ =	shalt  }
0x5b: {  	_ =	shalt  }
0x5c: {  	_ =	shalt  }
0x5d: {  	_ =	shalt  }
0x5e: {  	_ =	shalt  }
0x5f: {  	_ =	shalt  }
0x60: {  	_ =	shalt  }
0x61: {  	_ =	shalt  }
0x62: {  	_ =	shalt  }
0x63: {  	_ =	shalt  }
0x64: {  	_ =	shalt  }
0x65: {  	_ =	shalt  }
0x66: {  	_ =	shalt  }
0x67: {  	_ =	shalt  }
0x68: {  	_ =	shalt  }
0x69: {  	_ =	shalt  }
0x6a: {  	_ =	shalt  }
0x6b: {  	_ =	shalt  }
0x6c: {  	_ =	shalt  }
0x6d: {  	_ =	shalt  }
0x6e: {  	_ =	shalt  }
0x6f: {  	_ =	shalt  }
0x70: {  	_ =	shalt  }
0x71: {  	_ =	shalt  }
0x72: {  	_ =	shalt  }
0x73: {  	_ =	shalt  }
0x74: {  	_ =	shalt  }
0x75: {  	_ =	shalt  }
0x76: {  	_ =	shalt  }
0x77: {  	_ =	shalt  }
0x78: {  	_ =	shalt  }
0x79: {  	_ =	shalt  }
0x7a: {  	_ =	shalt  }
0x7b: {  	_ =	shalt  }
0x7c: {  	_ =	shalt  }
0x7d: {  	_ =	shalt  }
0x7e: {  	_ =	shalt  }
0x7f: {  	_ =	shalt  }
0x80: {  	_ =	shalt  }
0x81: {  	_ =	shalt  }
0x82: {  	_ =	shalt  }
0x83: {  	_ =	shalt  }
0x84: {  	_ =	shalt  }
0x85: {  	_ =	shalt  }
0x86: {  	_ =	shalt  }
0x87: {  	_ =	shalt  }
.Lfunc_end0:
.L_simem_size_0:
called_computation.1_lowered:
.L_overlay_start_0:
0x88: {  	s2 =	sld [smem:$0x3FD9]  }
0x89: {  	s3 =	sld [smem:$0x3FFE];
	_ =	sdelay $0x1  }
0x8a: {  	s1 =	srdreg.scid  }
0x8b: {  	s0 =	sand.u32 $0x1, s1  }
0x8c: {  	s16 =	sshll.u32 s0, $0xA;
	s2 =	sadd.s32 s3, s2  }
0x8d: {  	s2 =	sadd.s32 s2, s16  }
0x8e: {  	[smem:$0x3FC2] =	sst s2  }
0x8f: {  	_ = 	snop  }
0x90: {  	(tm) =	ssettm $0x1  }
0x91: {  	s17 =	sld [smem:$0x3FFB];
	_ =	sdelay $0x3  }
0x92: {  	_ =	strace s17  }
0x93: {  	s2 =	sld [smem:$0x3FFC];
	_ =	sdelay $0x3  }
0x94: {  	_ =	strace s2  }
0x95: {  	s2 =	sld [smem:$0x3FFD];
	_ =	sdelay $0x3  }
0x96: {  	_ =	strace s2  }
0x97: {  	_ =	strace $0x8FFFFFFF  }
0x98: {  	s18 =	sld [smem:$0x3FDB];
	_ =	sdelay $0x1  }
0x99: {  	s19 =	simm.s32 $_scs_section_size  }
0x9a: {  	s4 =	simm.s32 $_size__tile_overlayer_lowered;
	s5 =	simm.s32 $_tile_overlayer_lowered  }
0x9b: {  	s22 =	simm.s32 $0x1BFF;
	s21 =	sshll.u32 s5, $0x1;
	s2 =	sadd.s32 s19, s18  }
0x9c: {  	s6 =	simm.s32 $0x0;
	s20 =	sshll.u32 s4, $0x1;
	s4 =	sadd.s32 s21, s2  }
0x9d: {  	[timem:s6], [sflag:s22] =	dma.local [hbm:s4], s20  }
0x9e: {  	_ =	swait.ge [sflag:s22], s20  }
0x9f: {  	s3 =	ssub.s32 $0x0, s20;
	[sflag:s22] =	ssyncset.done $0x0  }
0xa0: {  	[sflag:s22] =	ssyncadd.s32 s3;
	_ =	sdelay $0x1  }
0xa1: {  	s23 =	simm.s32 $0x1B8B  }
0xa2: {  	_ =	swait.ge [sflag:s23], $0x1  }
0xa3: {  	[sflag:s23] =	ssyncset.done $0x0  }
0xa4: {  	s25 =	simm.s32 $0x1B8E;
	s24 =	sld [smem:$0x3FFE];
	[sflag:s23] =	ssyncadd.s32 $0xFFFFFFFF  }
0xa5: {  	s26 =	simm.s32 $execute0_lowered;
	[smem:$0x3FD2] =	sst s25  }
0xa6: {  	s4 =	sshll.u32 s26, $0x1;
	_ =	strace $0x80000049;
	[dreg:$0x1] =	wrdreg $0xFFFFFFFF  }
0xa7: {  	s28 =	simm.s32 $_size_execute0_lowered;
	s2 =	sadd.s32 s2, s4;
	[dreg:$0x0] =	wrdreg $0x0  }
0xa8: {  	s4 =	sshll.u32 s28, $0x1;
	[dreg:$0x2] =	wrdreg s2  }
0xa9: {  	[dreg:$0x3] =	wrdreg s4  }
0xaa: {  	[dreg:$0x4] =	wrdreg $0xC0  }
0xab: {  	_ =	task [dreg:s6], $0x5FFFF  }
0xac: {  	[dreg:$0x1] =	wrdreg $0xFFFFFFFF  }
0xad: {  	[dreg:$0x0] =	wrdreg $0x60  }
0xae: {  	[dreg:$0x2] =	wrdreg s24  }
0xaf: {  	[dreg:$0x3] =	wrdreg $0xAF000  }
0xb0: {  	[dreg:$0x4] =	wrdreg $0x9  }
0xb1: {  	_ =	task.clear_ibuf [dreg:s6], $0x5FFFF;
	_ =	strace $0x90000049  }
0xb2: {  	s29 =	simm.s32 $0x9;
	_ =	strace $0x8000004B  }
0xb3: {  	_ =	swait.ge [sflag:s29], $0x1  }
0xb4: {  	[sflag:s29] =	ssyncadd.s32 $0xFFFFFFFF  }
0xb5: {  	_ =	strace $0x9000004B  }
0xb6: {  	_ =	sfence  }
0xb7: {  	s30 =	sld [smem:$0x0];
	_ =	sdelay $0x2  }
0xb8: {  	s31 =	sshll.u32 s1, $0xD;
	s1 =	sshrl.u32 s1, $0x2  }
0xb9: {  	s3 =	sand.u32 $0x4000, s31;
	s1 =	sadd.s32 s1, s30  }
0xba: {  	s0 =	sor.u32 s3, s0;
	s1 =	sshll.u32 s1, $0x11  }
0xbb: {  	s0 =	sor.u32 s1, s0  }
0xbc: {  	s0 =	sadd.s32 $0x8F2B, s0  }
0xbd: {  	[sflag:s0] =	ssyncadd.remote.s32 $0x1  }
0xbe: {  	_ =	sfence.sel $0xFFFF  }
0xbf: {  	[dreg:$0x0] =	wrdreg $0xFFFFFFFF;
	(pc) =	sbr.abs _section_cstart, $3  }
0xc0: {  	[dreg:$0x1] =	wrdreg $0xFFFFFFFF  }
0xc1: {  	_ =	task.clear_ibuf [dreg:s6], $0x2FFFF;
	_ =	strace $0x9FFFFFFF  }
0xc2: {  	(tm) =	ssettm $0x7FFFFFFF  }
0xc3: {  	_ =	shalt  }
tec
execute0_lowered:
.L_overlay_start_1:
0x0: {  	(tag) =	ssettag $0x1  }
0x1: {  	s0 =	rddreg [dreg:$0x0]  }
0x2: {  	s2 =	rddreg [dreg:$0x1];
	s1 =	srdreg.scid  }
0x3: {  	s11 =	stileid.u32;
	s3 =	simm.s32 $0x0;
	s28 =	simm.s32 $0x70  }
0x4: {  	s29 =	simm.s32 $0x1;
	s30 =	simm.s32 $0x4;
	s31 =	simm.s32 $0x5  }
0x5: {  	s1 =	sand.u32 $0x1, s1;
	s8 =	smul.u32 $0x14000, s11;
	[smem:$0x7FF] =	sst s3  }
0x6: {  	s5 =	sshll.u32 s11, $0x1;
	s4 =	sadd.s32 $0x66200, s0;
	s12 =	smul.u32 $0x50000, s11  }
0x7: {  	s6 =	smul.u32 $0x140000, s1;
	s7 =	sor.u32 s1, s5;
	s1 =	ssub.s32 $0x2, s1  }
0x8: {  	_ =	strace $0x8000004A;
	s5 =	sadd.s32 $0xC400, s0;
	s18 =	sshrl.u32 s1, $0x1  }
0x9: {  	s24 =	sshrl.u32 s12, $0x2;
	s14 =	sadd.s32 s8, s2;
	s9 =	sadd.s32 s8, s6  }
0xa: {  	s6 =	smul.u32 $0x2760, s7;
	s7 =	sadd.s32 $0x2600, s0;
	s1 =	ssub.s32 s1, s18  }
0xb: {  	s26 =	sadd.s32 s24, s2;
	s8 =	simm.s32 $0x0;
	s9 =	sshrl.u32 s9, $0x3  }
0xc: {  	s15 =	sadd.s32 $0x2000, s26;
	s16 =	sadd.s32 $0x4000, s26;
	s17 =	sadd.s32 $0x6000, s26  }
0xd: {  	s18 =	sadd.s32 $0x8000, s26;
	s0 =	sadd.s32 s9, s0;
	s10 =	sshrl.u32 s6, $0x3  }
0xe: {  	s19 =	sadd.s32 $0xE, s10;
	s20 =	sadd.s32 s5, s10;
	s21 =	sadd.s32 s7, s10  }
0xf: {  	s23 =	sadd.s32 $0x1C, s10;
	s24 =	sadd.s32 $0x8D400, s0;
	[dreg:$0x3] =	wrdreg s20  }
0x10: {  	s0 =	simm.s32 $0x700;
	[dreg:$0x4] =	wrdreg s21;
	s22 =	sadd.s32 s5, s19  }
0x11: {  	s9 =	sadd.s32 s7, s19;
	s25 =	sadd.s32 s5, s23;
	[dreg:$0x5] =	wrdreg s22  }
0x12: {  	s19 =	sadd.s32 $0xA000, s26;
	s20 =	sadd.s32 $0xC000, s26;
	[dreg:$0x6] =	wrdreg s9  }
0x13: {  	s21 =	sadd.s32 $0xE000, s26;
	[dreg:$0x7] =	wrdreg s25;
	s9 =	sadd.s32 s7, s23  }
0x14: {  	s22 =	sadd.s32 $0x10000, s26;
	s23 =	sadd.s32 $0x12000, s26;
	s25 =	smax.u32 s1, $0x1  }
0x15: {  	v0 =	vimm.f32 $0.0e+00;
	s1 =	simm.s32 $0x2;
	s26 =	simm.s32 $0x3;
	[dreg:$0x8] =	wrdreg s9  }
.LBB2_1:
0x16: {  	s9 =	rddreg [dreg:$0x3]  }
0x17: {  	[tilespmem:s3], [sflag:$0x3] =	stream.linear.gather [hbm4b:s9+s3], $0x70, $0x38;
	[tilespmem:$0x1EF00] =	vst v63  }
0x18: {  	s13 =	rddreg [dreg:$0x4];
	s10 =	simm.s32 $0x380  }
0x19: {  	[tilespmem:s10], [sflag:$0x4] =	stream.linear.gather [hbm4b:s13+s3], $0x70, $0x38;
	[tilespmem:$0x1EF00] =	vst v63  }
0x1a: {  	s11 =	rddreg [dreg:$0x5]  }
0x1b: {  	[tilespmem:s28], [sflag:$0x3] =	stream.linear.gather [hbm4b:s11+s3], $0x70, $0x38;
	[tilespmem:$0x1EF00] =	vst v63  }
0x1c: {  	s12 =	rddreg [dreg:$0x6];
	s13 =	simm.s32 $0x3F0  }
0x1d: {  	[tilespmem:s13], [sflag:$0x4] =	stream.linear.gather [hbm4b:s12+s3], $0x70, $0x38;
	[tilespmem:$0x1EF00] =	vst v63  }
0x1e: {  	s9 =	simm.s32 $0x0;
	s10 =	rddreg [dreg:$0x7];
	s11 =	simm.s32 $0xE0  }
0x1f: {  	[tilespmem:s11], [sflag:$0x3] =	stream.linear.gather [hbm4b:s10+s3], $0x70, $0x38;
	[tilespmem:$0x1EF00] =	vst v63  }
0x20: {  	s12 =	rddreg [dreg:$0x8];
	s13 =	simm.s32 $0x460;
	s10 =	simm.s32 $0x200  }
0x21: {  	[tilespmem:s13], [sflag:$0x4] =	stream.linear.gather [hbm4b:s12+s3], $0x70, $0x38;
	[tilespmem:$0x1EF00] =	vst v63  }
.LBB2_2:
0x22: {  	p0 =	sne.s32 s10, $0xDE00;
	[tilespmem:s9+$0x770] =	vst v0  }
0x23: {  	[tilespmem:s9+$0x700] =	vst v0  }
0x24: {  	[tilespmem:s9+$0x710] =	vst v0  }
.Ltmp0:
0x25: {  	[tilespmem:s9+$0x720] =	vst v0;
	(pc) =	sbr.rel @p0 .LBB2_2-.Ltmp0, $4  }
0x26: {  	[tilespmem:s9+$0x730] =	vst v0  }
0x27: {  	[tilespmem:s9+$0x740] =	vst v0  }
0x28: {  	[tilespmem:s9+$0x750] =	vst v0  }
0x29: {  	[tilespmem:s9+$0x760] =	vst v0;
	s9 =	sshra.s32 s10, $0x2;
	s10 =	sadd.s32 $0x200, s10  }
0x2a: {  	[tilespmem:s9+$0x770] =	vst v0  }
0x2b: {  	[tilespmem:s9+$0x700] =	vst v0  }
0x2c: {  	[tilespmem:s9+$0x710] =	vst v0  }
0x2d: {  	[tilespmem:s9+$0x720] =	vst v0  }
0x2e: {  	[tilespmem:s9+$0x730] =	vst v0  }
0x2f: {  	[tilespmem:s9+$0x740] =	vst v0  }
0x30: {  	[tilespmem:s9+$0x750] =	vst v0  }
0x31: {  	[tilespmem:s9+$0x760] =	vst v0  }
0x32: {  	[spmem:s14] =	stream.linear.scatter [tilespmem:s0], [sflag:$0x2], $0x2000, $0x38;
	[tilespmem:$0x1EF00] =	vst v63  }
0x33: {  	_ = 	snop  }
0x34: {  	[spmem:s15] =	stream.linear.scatter [tilespmem:s0], [sflag:$0x2], $0x2000, $0x38;
	[tilespmem:$0x1EF00] =	vst v63  }
0x35: {  	_ = 	snop  }
0x36: {  	[spmem:s16] =	stream.linear.scatter [tilespmem:s0], [sflag:$0x2], $0x2000, $0x38;
	[tilespmem:$0x1EF00] =	vst v63  }
0x37: {  	_ = 	snop  }
0x38: {  	[spmem:s17] =	stream.linear.scatter [tilespmem:s0], [sflag:$0x2], $0x2000, $0x38;
	[tilespmem:$0x1EF00] =	vst v63  }
0x39: {  	_ = 	snop  }
0x3a: {  	[spmem:s18] =	stream.linear.scatter [tilespmem:s0], [sflag:$0x2], $0x2000, $0x38;
	[tilespmem:$0x1EF00] =	vst v63  }
0x3b: {  	_ = 	snop  }
0x3c: {  	[spmem:s19] =	stream.linear.scatter [tilespmem:s0], [sflag:$0x2], $0x2000, $0x38;
	[tilespmem:$0x1EF00] =	vst v63  }
0x3d: {  	_ = 	snop  }
0x3e: {  	[spmem:s20] =	stream.linear.scatter [tilespmem:s0], [sflag:$0x2], $0x2000, $0x38;
	[tilespmem:$0x1EF00] =	vst v63  }
0x3f: {  	_ = 	snop  }
0x40: {  	[spmem:s21] =	stream.linear.scatter [tilespmem:s0], [sflag:$0x2], $0x2000, $0x38;
	[tilespmem:$0x1EF00] =	vst v63  }
0x41: {  	_ = 	snop  }
0x42: {  	[spmem:s22] =	stream.linear.scatter [tilespmem:s0], [sflag:$0x2], $0x2000, $0x38;
	[tilespmem:$0x1EF00] =	vst v63  }
0x43: {  	_ = 	snop  }
0x44: {  	[spmem:s23] =	stream.linear.scatter [tilespmem:s0], [sflag:$0x2], $0x2000, $0x38;
	[tilespmem:$0x1EF00] =	vst v63  }
0x45: {  	_ =	swait.ge [sflag:s1], $0x2000  }
0x46: {  	[sflag:s1] =	ssyncset.done $0x0  }
0x47: {  	[sflag:s1] =	ssyncadd.s32 $0xFFFFE000  }
0x48: {  	_ =	swait.ge [sflag:s1], $0x2000  }
0x49: {  	[sflag:s1] =	ssyncset.done $0x0  }
0x4a: {  	[sflag:s1] =	ssyncadd.s32 $0xFFFFE000  }
0x4b: {  	_ =	swait.ge [sflag:s1], $0x2000  }
0x4c: {  	[sflag:s1] =	ssyncset.done $0x0  }
0x4d: {  	[sflag:s1] =	ssyncadd.s32 $0xFFFFE000  }
0x4e: {  	_ =	swait.ge [sflag:s1], $0x2000  }
0x4f: {  	[sflag:s1] =	ssyncset.done $0x0  }
0x50: {  	[sflag:s1] =	ssyncadd.s32 $0xFFFFE000  }
0x51: {  	_ =	swait.ge [sflag:s1], $0x2000  }
0x52: {  	[sflag:s1] =	ssyncset.done $0x0  }
0x53: {  	[sflag:s1] =	ssyncadd.s32 $0xFFFFE000  }
0x54: {  	_ =	swait.ge [sflag:s1], $0x2000  }
0x55: {  	[sflag:s1] =	ssyncset.done $0x0  }
0x56: {  	[sflag:s1] =	ssyncadd.s32 $0xFFFFE000  }
0x57: {  	_ =	swait.ge [sflag:s1], $0x2000  }
0x58: {  	[sflag:s1] =	ssyncset.done $0x0  }
0x59: {  	[sflag:s1] =	ssyncadd.s32 $0xFFFFE000  }
0x5a: {  	_ =	swait.ge [sflag:s1], $0x2000  }
0x5b: {  	[sflag:s1] =	ssyncset.done $0x0  }
0x5c: {  	[sflag:s1] =	ssyncadd.s32 $0xFFFFE000  }
0x5d: {  	_ =	swait.ge [sflag:s1], $0x2000  }
0x5e: {  	[sflag:s1] =	ssyncset.done $0x0  }
0x5f: {  	[sflag:s1] =	ssyncadd.s32 $0xFFFFE000  }
0x60: {  	_ =	swait.ge [sflag:s1], $0x2000  }
0x61: {  	[sflag:s1] =	ssyncset.done $0x0  }
0x62: {  	[sflag:s1] =	ssyncadd.s32 $0xFFFFE000  }
0x63: {  	[bflag:$0x0] =	sbarrier.arrive $0xFFFF  }
0x64: {  	_ =	swait.ge [sflag:s26], $0x70  }
0x65: {  	[sflag:s26] =	ssyncset.done $0x0  }
0x66: {  	s9 =	simm.s32 $0x0;
	[sflag:s26] =	ssyncadd.s32 $0xFFFFFF90  }
0x67: {  	[tilespmem:s0], [sflag:$0x1] =	stream.indirect.gather [hbm4b:s4+s28], $0x80, s9, s28, $0xb8;
	[tilespmem:$0x1EF00] =	vst v63  }
.LBB2_4:
0x68: {  	_ =	swait.ge [sflag:s29], $0x3800  }
0x69: {  	p0 =	slt.u32 s9, $0x2;
	[sflag:s29] =	ssyncset.done $0x0  }
0x6a: {  	s10 =	simm.s32 @!p0 $0x2;
	[sflag:s29] =	ssyncadd.s32 $0xFFFFC800  }
0x6b: {  	_ =	swait.ge @!p0 [sflag:s10], $0x3800  }
0x6c: {  	p1 =	seq.s32 @!p0 s9, $0x59;
	[sflag:s10] =	ssyncset.done @!p0 $0x0  }
0x6d: {  	p1 =	por p0, !p1;
	[sflag:s10] =	ssyncadd.s32 @!p0 $0xFFFFC800;
	s10 =	simm.s32 @!p0 $0x5A  }
0x6e: {  	s10 =	sadd.s32 @p1 $0x1, s9  }
0x6f: {  	s11 =	smul.u32 @p1 $0xAB, s10;
	_ =	sdelay $0x1  }
0x70: {  	s11 =	sshrl.u32 @p1 s11, $0x9  }
0x71: {  	s11 =	sand.u32 @p1 $0x7F, s11  }
0x72: {  	s11 =	smul.u32 @p1 $0x3, s11;
	_ =	sdelay $0x1  }
0x73: {  	s11 =	ssub.s32 @p1 s10, s11  }
0x74: {  	s11 =	sand.u32 @p1 $0xFF, s11  }
0x75: {  	s12 =	sand.u32 @p1 $0x7, s10;
	s11 =	smul.u32 @p1 $0xE000, s11  }
0x76: {  	_ =	swait.ge @p1 [sflag:s26], $0x70;
	s12 =	smul.u32 @p1 $0x1C0, s12  }
0x77: {  	[sflag:s26] =	ssyncset.done @p1 $0x0;
	s11 =	sshrl.u32 @p1 s11, $0x2  }
0x78: {  	[sflag:s26] =	ssyncadd.s32 @p1 $0xFFFFFF90;
	s12 =	sshrl.u32 @p1 s12, $0x2;
	s11 =	sor.u32 @p1 $0x700, s11  }
0x79: {  	[tilespmem:s11], [sflag:$0x1] =	stream.indirect.gather @p1 [hbm4b:s4+s28], $0x80, s12, s28, $0xb8;
	[tilespmem:$0x1EF00] =	vst v63  }
0x7a: {  	s12 =	smul.u32 $0xAB, s9;
	_ =	sdelay $0x1  }
0x7b: {  	s11 =	sshrl.u32 s12, $0x9  }
0x7c: {  	s11 =	sand.u32 $0x7F, s11  }
0x7d: {  	s11 =	smul.u32 $0x3, s11;
	_ =	sdelay $0x1  }
0x7e: {  	s13 =	sand.u32 $0x7, s9;
	s11 =	ssub.s32 s9, s11  }
0x7f: {  	_ =	swait.ge [sflag:s30], $0x70;
	s12 =	smul.u32 $0x1C0, s13;
	s11 =	sand.u32 $0xFF, s11  }
0x80: {  	[sflag:s30] =	ssyncset.done $0x0;
	s11 =	smul.u32 $0xE000, s11  }
0x81: {  	p0 =	sgt.u32 s9, $0x56;
	[sflag:s30] =	ssyncadd.s32 $0xFFFFFF90  }
0x82: {  	s12 =	sshrl.u32 s12, $0x2;
	s9 =	sadd.s32 @!p0 $0x3, s9;
	s11 =	sshrl.u32 s11, $0x2  }
0x83: {  	s12 =	sadd.s32 $0x380, s12;
	s13 =	smul.u32 @!p0 $0x70, s9;
	s11 =	sor.u32 $0x700, s11  }
0x84: {  	[spmem:s2] =	stream.indirect.scatter.add.f32 [tilespmem:s11], [sflag:$0x2], $0x80, s12, s28, $0xb8;
	[tilespmem:$0x1EF00] =	vst v63  }
0x85: {  	s9 =	sand.u32 @!p0 $0x7, s9;
	s11 =	sadd.s32 @!p0 s6, s13  }
0x86: {  	s9 =	smul.u32 @!p0 $0x70, s9;
	s11 =	sshrl.u32 @!p0 s11, $0x3  }
0x87: {  	s13 =	simm.s32 @!p0 $0x0;
	s12 =	sadd.s32 @!p0 s5, s11  }
0x88: {  	[tilespmem:s9], [sflag:$0x3] =	stream.linear.gather @!p0 [hbm4b:s12+s13], $0x70, $0x38;
	[tilespmem:$0x1EF00] =	vst v63  }
0x89: {  	s11 =	sadd.s32 @!p0 s7, s11;
	s9 =	sadd.s32 @!p0 $0x380, s9  }
0x8a: {  	[tilespmem:s9], [sflag:$0x4] =	stream.linear.gather @!p0 [hbm4b:s11+s13], $0x70, $0x38;
	[tilespmem:$0x1EF00] =	vst v63  }
0x8b: {  	p0 =	slt.u32 s10, $0x5A  }
.Ltmp1:
0x8c: {  	_ = 	snop;
	(pc) =	sbr.rel @p0 .LBB2_4-.Ltmp1, $2  }
0x8d: {  	_ =	sdelay $0x2  }
0x8e: {  	s9 =	smov.u32 s10  }
0x8f: {  	_ =	swait.ge [sflag:s1], $0x3800  }
0x90: {  	[sflag:s1] =	ssyncset.done $0x0  }
0x91: {  	[sflag:s1] =	ssyncadd.s32 $0xFFFFC800  }
0x92: {  	s9 =	stileid.u32;
	_ =	swait.ge [sflag:s1], $0x3800  }
0x93: {  	s10 =	sshrl.u32 s14, $0x3;
	s8 =	sadd.s32 $0x1, s8;
	[sflag:s1] =	ssyncset.done $0x0  }
0x94: {  	s9 =	sshll.u32 s9, $0x6;
	p0 =	sne.s32 s8, s25;
	[sflag:s1] =	ssyncadd.s32 $0xFFFFC800  }
.Ltmp2:
0x95: {  	s9 =	sor.u32 $0x1C05, s9;
	[bflag:$0x0] =	sbarrier.arrive $0xFFFF;
	(pc) =	sbr.rel @p0 .LBB2_1-.Ltmp2, $4  }
0x96: {  	[hbm:s24], [sflag:s9] =	dma.local [spmem:s10], $0x2800  }
0x97: {  	_ =	swait.ge [sflag:s31], $0x2800  }
0x98: {  	[sflag:s31] =	ssyncset.done $0x0  }
0x99: {  	[sflag:s31] =	ssyncadd.s32 $0xFFFFD800  }
0x9a: {  	_ =	sfence.sel $0x180000  }
0x9b: {  	[bflag:$0x0] =	sbarrier.arrive $0xFFFF  }
0x9c: {  	_ =	strace $0x9000004A  }
0x9d: {  	s0 =	stileid.u32;
	[bflag:$0x2] =	sbarrier.arrive $0xFFFF  }
0x9e: {  	p0 =	sne.s32 s0, $0x0;
	s0 =	rddreg [dreg:$0x2]  }
0x9f: {  	s0 =	sadd.s32 @!p0 $0x100000, s0  }
0xa0: {  	[sflag:s0] =	ssyncadd.tile.s32 @!p0 $0x1;
	_ =	shalt  }
.Lfunc_end2:
_tile_overlayer_lowered:
.L_overlay_start_2:
0xa1: {  	(tag) =	ssettag $0x2  }
0xa2: {  	s0 =	rddreg [dreg:$0x0];
	s2 =	stileid.u32  }
0xa3: {  	s1 =	rddreg [dreg:$0x1];
	p0 =	sne.s32 s2, $0x0  }
0xa4: {  	s3 =	rddreg [dreg:$0x2];
	[bflag:$0x3] =	sbarrier.arrive $0xFFFF;
	s2 =	simm.s32 @!p0 $0x1C05  }
0xa5: {  	[timem:s3], [sflag:s2] =	dma.local @!p0 [hbm:s0], s1  }
0xa6: {  	s0 =	simm.s32 @!p0 $0x5  }
0xa7: {  	_ =	swait.ge @!p0 [sflag:s0], s1  }
0xa8: {  	s1 =	ssub.s32 @!p0 $0x0, s1;
	[sflag:s0] =	ssyncset.done @!p0 $0x0  }
0xa9: {  	[sflag:s0] =	ssyncadd.s32 @!p0 s1  }
0xaa: {  	[bflag:$0x3] =	sbarrier.arrive $0xFFFF  }
0xab: {  	_ =	shalt  }

// kernel: kernel.14.cloned.1.call-start
scs
__scs_entry_jumppad:
0x0: {  	(pc) =	sbr.rel $0x88, $3  }
0x1: {  	(tag) =	ssettag $0x0;
	lr =	simm.s32 $0x1  }
0x2: {  	[smem:$0x3F9B] =	sst lr;
	_ =	strace $0xD0000000  }
0x3: {  	_ = 	snop  }
0x4: {  	_ = 	snop  }
0x5: {  	_ = 	snop  }
0x6: {  	_ = 	snop  }
0x7: {  	_ = 	snop  }
__scs_overlays_trampoline_lowered:
0x8: {  	[smem:$0x3FAA] =	sst s0  }
0x9: {  	[smem:$0x3FAB] =	sst s1  }
0xa: {  	[smem:$0x3FAC] =	sst s2  }
0xb: {  	[smem:$0x3FAD] =	sst s3  }
0xc: {  	[smem:$0x3FAE] =	sst s4  }
0xd: {  	[smem:$0x3FAF] =	sst s5  }
0xe: {  	[smem:$0x3FB0] =	sst s6  }
0xf: {  	[smem:$0x3FB1] =	sst s7  }
0x10: {  	[smem:$0x3FB2] =	sst s8  }
0x11: {  	[smem:$0x3FB3] =	sst s9;
	s0 =	simm.s32 @!p0 $0x0  }
0x12: {  	s1 =	sld [smem:$0x3F99];
	s0 =	simm.s32 @p0 $0x1  }
0x13: {  	[smem:$0x3FB4] =	sst s0;
	s0 =	simm.s32 @!p1 $0x0  }
0x14: {  	s2 =	sld [smem:$0x3F98];
	s0 =	simm.s32 @p1 $0x1  }
0x15: {  	[smem:$0x3FB5] =	sst s0;
	s0 =	simm.s32 @!p2 $0x0  }
0x16: {  	s3 =	sld [smem:$0x3FDB];
	s0 =	simm.s32 @p2 $0x1  }
0x17: {  	s4 =	simm.s32 $0x1BF5;
	[smem:$0x3FB7] =	sst s0  }
0x18: {  	s0 =	sld [smem:$0x3F9A];
	_ =	swait.ge [sflag:s4], $0x0  }
0x19: {  	s7 =	sld [smem:$0x3F9B]  }
0x1a: {  	s8 =	sadd.s32 $0xFFFFE003, lr  }
0x1b: {  	s9 =	sadd.s32 $0xFFFFFEF7, lr;
	s5 =	simm.s32 $0xFFFFFFFF;
	p2 =	slt.u32 s8, $0xFFFFF086  }
0x1c: {  	p1 =	slt.u32 s9, $0xF7A;
	s5 =	simm.s32 @!p2 $0x0  }
0x1d: {  	s5 =	simm.s32 @p1 $0x1;
	p0 =	seq.s32 s7, s2  }
0x1e: {  	s7 =	smul.u32 @!p0 $0xF7A, s2;
	p2 =	seq.s32 @!p0 s5, $0x0  }
0x1f: {  	s9 =	smul.u32 $0xF7A, s1;
	s8 =	simm.s32 @!p0 $0x1BF5;
	p2 =	por !p2, p0  }
0x20: {  	[sflag:s8] =	ssyncset.s32 @!p0 $0xFFFFF086;
	s6 =	sadd.s32 @!p0 s3, s7;
	s7 =	simm.s32 @!p0 $0x108  }
0x21: {  	s3 =	sadd.s32 s3, s9;
	s6 =	sadd.s32 @!p0 $0x88, s6;
	s7 =	simm.s32 @p2 $0x1082  }
0x22: {  	[simem:s7], [sflag:s8] =	dma.local @!p0 [hbm:s6], $0xF7A  }
0x23: {  	s9 =	sor.u32 $0xD0000000, s2;
	s6 =	simm.s32 $0x108;
	_ =	swait.ge @!p0 [sflag:s8], $0x0  }
0x24: {  	s3 =	sadd.s32 $0x88, s3;
	s6 =	simm.s32 @!p1 $0x1082;
	[sflag:s4] =	ssyncset.s32 $0xFFFFF086  }
0x25: {  	[simem:s6], [sflag:s4] =	dma.local [hbm:s3], $0xF7A  }
0x26: {  	[smem:$0x3F9B] =	sst s1;
	(tag) =	ssettag s2;
	_ =	strace s9  }
0x27: {  	s1 =	sld [smem:$0x3FAB]  }
0x28: {  	s2 =	sld [smem:$0x3FAC]  }
0x29: {  	s4 =	sld [smem:$0x3FAE]  }
0x2a: {  	p0 =	seq.s32 s5, $0x0;
	s5 =	sld [smem:$0x3FAF]  }
0x2b: {  	s6 =	sld [smem:$0x3FB0]  }
0x2c: {  	s7 =	sld [smem:$0x3FB1]  }
0x2d: {  	s3 =	simm.s32 $0x108;
	s8 =	sld [smem:$0x3FB2]  }
0x2e: {  	s3 =	simm.s32 @!p0 $0x1082;
	s9 =	sld [smem:$0x3FB3]  }
0x2f: {  	lr =	sadd.s32 s0, s3;
	s0 =	sld [smem:$0x3FAA]  }
0x30: {  	s3 =	sld [smem:$0x3FAD]  }
0x31: {  	[smem:$0x3FB6] =	sst s10  }
0x32: {  	s10 =	sld [smem:$0x3FB4];
	_ =	sdelay $0x3  }
0x33: {  	p0 =	seq.s32 s10, $0x1;
	s10 =	sld [smem:$0x3FB6];
	_ =	sdelay $0x3  }
0x34: {  	[smem:$0x3FB6] =	sst s10  }
0x35: {  	s10 =	sld [smem:$0x3FB5];
	_ =	sdelay $0x3  }
0x36: {  	p1 =	seq.s32 s10, $0x1;
	s10 =	sld [smem:$0x3FB6];
	_ =	sdelay $0x3  }
0x37: {  	[smem:$0x3FB6] =	sst s10  }
0x38: {  	s10 =	sld [smem:$0x3FB7]  }
0x39: {  	_ = 	snop;
	(pc) =	sbr.ind lr, $3  }
0x3a: {  	_ = 	snop  }
0x3b: {  	_ = 	snop  }
0x3c: {  	p2 =	seq.s32 s10, $0x1;
	s10 =	sld [smem:$0x3FB6]  }
0x3d: {  	_ =	shalt  }
0x3e: {  	_ =	shalt  }
0x3f: {  	_ =	shalt  }
0x40: {  	_ =	shalt  }
0x41: {  	_ =	shalt  }
0x42: {  	_ =	shalt  }
0x43: {  	_ =	shalt  }
0x44: {  	_ =	shalt  }
0x45: {  	_ =	shalt  }
0x46: {  	_ =	shalt  }
0x47: {  	_ =	shalt  }
0x48: {  	_ =	shalt  }
0x49: {  	_ =	shalt  }
0x4a: {  	_ =	shalt  }
0x4b: {  	_ =	shalt  }
0x4c: {  	_ =	shalt  }
0x4d: {  	_ =	shalt  }
0x4e: {  	_ =	shalt  }
0x4f: {  	_ =	shalt  }
0x50: {  	_ =	shalt  }
0x51: {  	_ =	shalt  }
0x52: {  	_ =	shalt  }
0x53: {  	_ =	shalt  }
0x54: {  	_ =	shalt  }
0x55: {  	_ =	shalt  }
0x56: {  	_ =	shalt  }
0x57: {  	_ =	shalt  }
0x58: {  	_ =	shalt  }
0x59: {  	_ =	shalt  }
0x5a: {  	_ =	shalt  }
0x5b: {  	_ =	shalt  }
0x5c: {  	_ =	shalt  }
0x5d: {  	_ =	shalt  }
0x5e: {  	_ =	shalt  }
0x5f: {  	_ =	shalt  }
0x60: {  	_ =	shalt  }
0x61: {  	_ =	shalt  }
0x62: {  	_ =	shalt  }
0x63: {  	_ =	shalt  }
0x64: {  	_ =	shalt  }
0x65: {  	_ =	shalt  }
0x66: {  	_ =	shalt  }
0x67: {  	_ =	shalt  }
0x68: {  	_ =	shalt  }
0x69: {  	_ =	shalt  }
0x6a: {  	_ =	shalt  }
0x6b: {  	_ =	shalt  }
0x6c: {  	_ =	shalt  }
0x6d: {  	_ =	shalt  }
0x6e: {  	_ =	shalt  }
0x6f: {  	_ =	shalt  }
0x70: {  	_ =	shalt  }
0x71: {  	_ =	shalt  }
0x72: {  	_ =	shalt  }
0x73: {  	_ =	shalt  }
0x74: {  	_ =	shalt  }
0x75: {  	_ =	shalt  }
0x76: {  	_ =	shalt  }
0x77: {  	_ =	shalt  }
0x78: {  	_ =	shalt  }
0x79: {  	_ =	shalt  }
0x7a: {  	_ =	shalt  }
0x7b: {  	_ =	shalt  }
0x7c: {  	_ =	shalt  }
0x7d: {  	_ =	shalt  }
0x7e: {  	_ =	shalt  }
0x7f: {  	_ =	shalt  }
0x80: {  	_ =	shalt  }
0x81: {  	_ =	shalt  }
0x82: {  	_ =	shalt  }
0x83: {  	_ =	shalt  }
0x84: {  	_ =	shalt  }
0x85: {  	_ =	shalt  }
0x86: {  	_ =	shalt  }
0x87: {  	_ =	shalt  }
.Lfunc_end0:
.L_simem_size_0:
called_computation.2_lowered:
.L_overlay_start_0:
0x88: {  	s2 =	sld [smem:$0x3FD9]  }
0x89: {  	s3 =	sld [smem:$0x3FFE];
	_ =	sdelay $0x1  }
0x8a: {  	s1 =	srdreg.scid  }
0x8b: {  	s0 =	sand.u32 $0x1, s1  }
0x8c: {  	s17 =	sshll.u32 s0, $0xA;
	s2 =	sadd.s32 s3, s2  }
0x8d: {  	s2 =	sadd.s32 s2, s17  }
0x8e: {  	[smem:$0x3FC2] =	sst s2  }
0x8f: {  	_ = 	snop  }
0x90: {  	s2 =	sld [smem:$0x3FD0];
	(tm) =	ssettm $0x1  }
0x91: {  	s18 =	sld [smem:$0x3FFB];
	_ =	sdelay $0x3  }
0x92: {  	_ =	strace s18  }
0x93: {  	s3 =	sld [smem:$0x3FFC];
	_ =	sdelay $0x3  }
0x94: {  	_ =	strace s3  }
0x95: {  	s3 =	sld [smem:$0x3FFD];
	_ =	sdelay $0x3  }
0x96: {  	_ =	strace s3  }
0x97: {  	_ =	strace $0x8FFFFFFF  }
0x98: {  	s19 =	sld [smem:$0x3FDB];
	_ =	sdelay $0x1  }
0x99: {  	s4 =	simm.s32 $_scs_section_size  }
0x9a: {  	s5 =	simm.s32 $_size__tile_overlayer_lowered;
	s6 =	simm.s32 $_tile_overlayer_lowered  }
0x9b: {  	s22 =	simm.s32 $0x1BFF;
	s21 =	sshll.u32 s6, $0x1;
	s3 =	sadd.s32 s4, s19  }
0x9c: {  	s7 =	simm.s32 $0x0;
	s20 =	sshll.u32 s5, $0x1;
	s5 =	sadd.s32 s21, s3  }
0x9d: {  	[timem:s7], [sflag:s22] =	dma.local [hbm:s5], s20  }
0x9e: {  	_ =	swait.ge [sflag:s22], s20  }
0x9f: {  	s4 =	ssub.s32 $0x0, s20;
	[sflag:s22] =	ssyncset.done $0x0  }
0xa0: {  	[sflag:s22] =	ssyncadd.s32 s4;
	_ =	sdelay $0x1  }
0xa1: {  	s23 =	simm.s32 $0x1B8B  }
0xa2: {  	_ =	swait.ge [sflag:s23], $0x1  }
0xa3: {  	[sflag:s23] =	ssyncset.done $0x0  }
0xa4: {  	s25 =	simm.s32 $0x1B8E;
	s24 =	sld [smem:$0x3FFE];
	[sflag:s23] =	ssyncadd.s32 $0xFFFFFFFF  }
0xa5: {  	s26 =	simm.s32 $execute0_lowered;
	[smem:$0x3FD2] =	sst s25  }
0xa6: {  	s5 =	sshll.u32 s26, $0x1;
	_ =	strace $0x8000004C;
	[dreg:$0x1] =	wrdreg $0xFFFFFFFF  }
0xa7: {  	s28 =	simm.s32 $_size_execute0_lowered;
	s3 =	sadd.s32 s3, s5;
	[dreg:$0x0] =	wrdreg $0x0  }
0xa8: {  	s5 =	sshll.u32 s28, $0x1;
	[dreg:$0x2] =	wrdreg s3  }
0xa9: {  	[dreg:$0x3] =	wrdreg s5  }
0xaa: {  	[dreg:$0x4] =	wrdreg $0xC0  }
0xab: {  	_ =	task [dreg:s7], $0x5FFFF  }
0xac: {  	[dreg:$0x1] =	wrdreg $0xFFFFFFFF  }
0xad: {  	[dreg:$0x0] =	wrdreg $0x60  }
0xae: {  	[dreg:$0x2] =	wrdreg s2  }
0xaf: {  	[dreg:$0x3] =	wrdreg s24  }
0xb0: {  	[dreg:$0x4] =	wrdreg $0x3B800  }
0xb1: {  	[dreg:$0x5] =	wrdreg $0x9  }
0xb2: {  	_ =	task.clear_ibuf [dreg:s7], $0x6FFFF;
	_ =	strace $0x9000004C  }
0xb3: {  	s29 =	simm.s32 $0x9;
	_ =	strace $0x8000004E  }
0xb4: {  	_ =	swait.ge [sflag:s29], $0x1  }
0xb5: {  	[sflag:s29] =	ssyncadd.s32 $0xFFFFFFFF  }
0xb6: {  	_ =	strace $0x9000004E  }
0xb7: {  	_ =	sfence  }
0xb8: {  	s30 =	sld [smem:$0x0];
	_ =	sdelay $0x2  }
0xb9: {  	s31 =	sshll.u32 s1, $0xD;
	s1 =	sshrl.u32 s1, $0x2  }
0xba: {  	s3 =	sand.u32 $0x4000, s31;
	s1 =	sadd.s32 s1, s30  }
0xbb: {  	s0 =	sor.u32 s3, s0;
	s1 =	sshll.u32 s1, $0x11  }
0xbc: {  	s0 =	sor.u32 s1, s0  }
0xbd: {  	s0 =	sadd.s32 $0x8F2B, s0  }
0xbe: {  	[sflag:s0] =	ssyncadd.remote.s32 $0x1  }
0xbf: {  	_ =	sfence.sel $0xFFFF  }
0xc0: {  	[dreg:$0x0] =	wrdreg $0xFFFFFFFF;
	(pc) =	sbr.abs _section_cstart, $3  }
0xc1: {  	[dreg:$0x1] =	wrdreg $0xFFFFFFFF  }
0xc2: {  	_ =	task.clear_ibuf [dreg:s7], $0x2FFFF;
	_ =	strace $0x9FFFFFFF  }
0xc3: {  	(tm) =	ssettm $0x7FFFFFFF  }
tec
execute0_lowered:
.L_overlay_start_1:
0x0: {  	(tag) =	ssettag $0x1  }
0x1: {  	s1 =	rddreg [dreg:$0x0]  }
0x2: {  	s0 =	rddreg [dreg:$0x1]  }
0x3: {  	s3 =	rddreg [dreg:$0x2]  }
0x4: {  	s2 =	srdreg.scid;
	s11 =	stileid.u32;
	s4 =	simm.s32 $0x0  }
0x5: {  	s28 =	simm.s32 $0x70;
	s29 =	simm.s32 $0x1;
	s30 =	simm.s32 $0x4  }
0x6: {  	s31 =	simm.s32 $0x5;
	s2 =	sand.u32 $0x1, s2;
	s8 =	smul.u32 $0x6400, s11  }
0x7: {  	[smem:$0x7FF] =	sst s4;
	s5 =	sshll.u32 s11, $0x1;
	s12 =	smul.u32 $0x19000, s11  }
0x8: {  	s6 =	smul.u32 $0x64000, s2;
	s7 =	sor.u32 s2, s5;
	s2 =	ssub.s32 $0x2, s2  }
0x9: {  	_ =	strace $0x8000004D;
	s5 =	sadd.s32 $0xC400, s0;
	s18 =	sshrl.u32 s2, $0x1  }
0xa: {  	s24 =	sshrl.u32 s12, $0x2;
	s14 =	sadd.s32 s8, s3;
	s9 =	sadd.s32 s8, s6  }
0xb: {  	s6 =	smul.u32 $0x2760, s7;
	s7 =	sadd.s32 $0x2600, s0;
	s2 =	ssub.s32 s2, s18  }
0xc: {  	s26 =	sadd.s32 s24, s3;
	s8 =	simm.s32 $0x0;
	s9 =	sshrl.u32 s9, $0x3  }
0xd: {  	s15 =	sadd.s32 $0xA00, s26;
	s16 =	sadd.s32 $0x1400, s26;
	s17 =	sadd.s32 $0x1E00, s26  }
0xe: {  	s18 =	sadd.s32 $0x2800, s26;
	s0 =	sadd.s32 s9, s0;
	s10 =	sshrl.u32 s6, $0x3  }
0xf: {  	s19 =	sadd.s32 $0xE, s10;
	s20 =	sadd.s32 s5, s10;
	s21 =	sadd.s32 s7, s10  }
0x10: {  	s23 =	sadd.s32 $0x1C, s10;
	s24 =	sadd.s32 $0x66200, s0;
	[dreg:$0x4] =	wrdreg s20  }
0x11: {  	s0 =	simm.s32 $0x700;
	[dreg:$0x5] =	wrdreg s21;
	s22 =	sadd.s32 s5, s19  }
0x12: {  	s9 =	sadd.s32 s7, s19;
	s25 =	sadd.s32 s5, s23;
	[dreg:$0x6] =	wrdreg s22  }
0x13: {  	s19 =	sadd.s32 $0x3200, s26;
	s20 =	sadd.s32 $0x3C00, s26;
	[dreg:$0x7] =	wrdreg s9  }
0x14: {  	s21 =	sadd.s32 $0x4600, s26;
	[dreg:$0x8] =	wrdreg s25;
	s9 =	sadd.s32 s7, s23  }
0x15: {  	s22 =	sadd.s32 $0x5000, s26;
	s23 =	sadd.s32 $0x5A00, s26;
	s25 =	smax.u32 s2, $0x1  }
0x16: {  	v0 =	vimm.f32 $0.0e+00;
	s2 =	simm.s32 $0x2;
	s26 =	simm.s32 $0x3;
	[dreg:$0x9] =	wrdreg s9  }
.LBB2_1:
0x17: {  	s9 =	rddreg [dreg:$0x4]  }
0x18: {  	[tilespmem:s4], [sflag:$0x3] =	stream.linear.gather [hbm4b:s9+s4], $0x70, $0x38;
	[tilespmem:$0x9F80] =	vst v63  }
0x19: {  	s13 =	rddreg [dreg:$0x5];
	s10 =	simm.s32 $0x380  }
0x1a: {  	[tilespmem:s10], [sflag:$0x4] =	stream.linear.gather [hbm4b:s13+s4], $0x70, $0x38;
	[tilespmem:$0x9F80] =	vst v63  }
0x1b: {  	s11 =	rddreg [dreg:$0x6]  }
0x1c: {  	[tilespmem:s28], [sflag:$0x3] =	stream.linear.gather [hbm4b:s11+s4], $0x70, $0x38;
	[tilespmem:$0x9F80] =	vst v63  }
0x1d: {  	s12 =	rddreg [dreg:$0x7];
	s13 =	simm.s32 $0x3F0  }
0x1e: {  	[tilespmem:s13], [sflag:$0x4] =	stream.linear.gather [hbm4b:s12+s4], $0x70, $0x38;
	[tilespmem:$0x9F80] =	vst v63  }
0x1f: {  	s10 =	rddreg [dreg:$0x8];
	s11 =	simm.s32 $0xE0  }
0x20: {  	[tilespmem:s11], [sflag:$0x3] =	stream.linear.gather [hbm4b:s10+s4], $0x70, $0x38;
	[tilespmem:$0x9F80] =	vst v63  }
0x21: {  	s12 =	rddreg [dreg:$0x9];
	s13 =	simm.s32 $0x460;
	s10 =	simm.s32 $0x0  }
0x22: {  	[tilespmem:s13], [sflag:$0x4] =	stream.linear.gather [hbm4b:s12+s4], $0x70, $0x38;
	[tilespmem:$0x9F80] =	vst v63  }
0x23: {  	s9 =	simm.s32 $0xA0;
	[tilespmem:s10+$0x710] =	vst v0  }
.LBB2_2:
0x24: {  	p0 =	sne.s32 s9, $0x4560;
	[tilespmem:s10+$0x718] =	vst v0;
	s11 =	smov.u32 s9;
	s9 =	sadd.s32 $0xA0, s9  }
.Ltmp0:
0x25: {  	[tilespmem:s10+$0x700] =	vst v0;
	(pc) =	sbr.rel @p0 .LBB2_2-.Ltmp0, $3  }
0x26: {  	_ =	sdelay $0x1  }
0x27: {  	s10 =	sshra.s32 s11, $0x2  }
0x28: {  	[tilespmem:s10+$0x710] =	vst v0  }
0x29: {  	[tilespmem:s10+$0x718] =	vst v0  }
0x2a: {  	[tilespmem:s10+$0x700] =	vst v0  }
0x2b: {  	[spmem:s14] =	stream.linear.scatter [tilespmem:s0], [sflag:$0x2], $0xA00, $0x38;
	[tilespmem:$0x9F80] =	vst v63  }
0x2c: {  	_ = 	snop  }
0x2d: {  	[spmem:s15] =	stream.linear.scatter [tilespmem:s0], [sflag:$0x2], $0xA00, $0x38;
	[tilespmem:$0x9F80] =	vst v63  }
0x2e: {  	_ = 	snop  }
0x2f: {  	[spmem:s16] =	stream.linear.scatter [tilespmem:s0], [sflag:$0x2], $0xA00, $0x38;
	[tilespmem:$0x9F80] =	vst v63  }
0x30: {  	_ = 	snop  }
0x31: {  	[spmem:s17] =	stream.linear.scatter [tilespmem:s0], [sflag:$0x2], $0xA00, $0x38;
	[tilespmem:$0x9F80] =	vst v63  }
0x32: {  	_ = 	snop  }
0x33: {  	[spmem:s18] =	stream.linear.scatter [tilespmem:s0], [sflag:$0x2], $0xA00, $0x38;
	[tilespmem:$0x9F80] =	vst v63  }
0x34: {  	_ = 	snop  }
0x35: {  	[spmem:s19] =	stream.linear.scatter [tilespmem:s0], [sflag:$0x2], $0xA00, $0x38;
	[tilespmem:$0x9F80] =	vst v63  }
0x36: {  	_ = 	snop  }
0x37: {  	[spmem:s20] =	stream.linear.scatter [tilespmem:s0], [sflag:$0x2], $0xA00, $0x38;
	[tilespmem:$0x9F80] =	vst v63  }
0x38: {  	_ = 	snop  }
0x39: {  	[spmem:s21] =	stream.linear.scatter [tilespmem:s0], [sflag:$0x2], $0xA00, $0x38;
	[tilespmem:$0x9F80] =	vst v63  }
0x3a: {  	_ = 	snop  }
0x3b: {  	[spmem:s22] =	stream.linear.scatter [tilespmem:s0], [sflag:$0x2], $0xA00, $0x38;
	[tilespmem:$0x9F80] =	vst v63  }
0x3c: {  	_ = 	snop  }
0x3d: {  	[spmem:s23] =	stream.linear.scatter [tilespmem:s0], [sflag:$0x2], $0xA00, $0x38;
	[tilespmem:$0x9F80] =	vst v63  }
0x3e: {  	_ =	swait.ge [sflag:s2], $0xA00  }
0x3f: {  	[sflag:s2] =	ssyncset.done $0x0  }
0x40: {  	[sflag:s2] =	ssyncadd.s32 $0xFFFFF600  }
0x41: {  	_ =	swait.ge [sflag:s2], $0xA00  }
0x42: {  	[sflag:s2] =	ssyncset.done $0x0  }
0x43: {  	[sflag:s2] =	ssyncadd.s32 $0xFFFFF600  }
0x44: {  	_ =	swait.ge [sflag:s2], $0xA00  }
0x45: {  	[sflag:s2] =	ssyncset.done $0x0  }
0x46: {  	[sflag:s2] =	ssyncadd.s32 $0xFFFFF600  }
0x47: {  	_ =	swait.ge [sflag:s2], $0xA00  }
0x48: {  	[sflag:s2] =	ssyncset.done $0x0  }
0x49: {  	[sflag:s2] =	ssyncadd.s32 $0xFFFFF600  }
0x4a: {  	_ =	swait.ge [sflag:s2], $0xA00  }
0x4b: {  	[sflag:s2] =	ssyncset.done $0x0  }
0x4c: {  	[sflag:s2] =	ssyncadd.s32 $0xFFFFF600  }
0x4d: {  	_ =	swait.ge [sflag:s2], $0xA00  }
0x4e: {  	[sflag:s2] =	ssyncset.done $0x0  }
0x4f: {  	[sflag:s2] =	ssyncadd.s32 $0xFFFFF600  }
0x50: {  	_ =	swait.ge [sflag:s2], $0xA00  }
0x51: {  	[sflag:s2] =	ssyncset.done $0x0  }
0x52: {  	[sflag:s2] =	ssyncadd.s32 $0xFFFFF600  }
0x53: {  	_ =	swait.ge [sflag:s2], $0xA00  }
0x54: {  	[sflag:s2] =	ssyncset.done $0x0  }
0x55: {  	[sflag:s2] =	ssyncadd.s32 $0xFFFFF600  }
0x56: {  	_ =	swait.ge [sflag:s2], $0xA00  }
0x57: {  	[sflag:s2] =	ssyncset.done $0x0  }
0x58: {  	[sflag:s2] =	ssyncadd.s32 $0xFFFFF600  }
0x59: {  	_ =	swait.ge [sflag:s2], $0xA00  }
0x5a: {  	[sflag:s2] =	ssyncset.done $0x0  }
0x5b: {  	[sflag:s2] =	ssyncadd.s32 $0xFFFFF600  }
0x5c: {  	[bflag:$0x0] =	sbarrier.arrive $0xFFFF  }
0x5d: {  	_ =	swait.ge [sflag:s26], $0x70  }
0x5e: {  	[sflag:s26] =	ssyncset.done $0x0  }
0x5f: {  	s9 =	simm.s32 $0x0;
	[sflag:s26] =	ssyncadd.s32 $0xFFFFFF90  }
0x60: {  	[tilespmem:s0], [sflag:$0x1] =	stream.indirect.gather [hbm4b:s1+s28], $0x28, s9, s28, $0xb8;
	[tilespmem:$0x9F80] =	vst v63  }
.LBB2_4:
0x61: {  	_ =	swait.ge [sflag:s29], $0x1180  }
0x62: {  	p0 =	slt.u32 s9, $0x2;
	[sflag:s29] =	ssyncset.done $0x0  }
0x63: {  	s10 =	simm.s32 @!p0 $0x2;
	[sflag:s29] =	ssyncadd.s32 $0xFFFFEE80  }
0x64: {  	_ =	swait.ge @!p0 [sflag:s10], $0x1180  }
0x65: {  	p1 =	seq.s32 @!p0 s9, $0x59;
	[sflag:s10] =	ssyncset.done @!p0 $0x0  }
0x66: {  	p1 =	por p0, !p1;
	[sflag:s10] =	ssyncadd.s32 @!p0 $0xFFFFEE80;
	s10 =	simm.s32 @!p0 $0x5A  }
0x67: {  	s10 =	sadd.s32 @p1 $0x1, s9  }
0x68: {  	s11 =	smul.u32 @p1 $0xAB, s10;
	_ =	sdelay $0x1  }
0x69: {  	s11 =	sshrl.u32 @p1 s11, $0x9  }
0x6a: {  	s11 =	sand.u32 @p1 $0x7F, s11  }
0x6b: {  	s11 =	smul.u32 @p1 $0x3, s11;
	_ =	sdelay $0x1  }
0x6c: {  	s11 =	ssub.s32 @p1 s10, s11  }
0x6d: {  	s11 =	sand.u32 @p1 $0xFF, s11  }
0x6e: {  	s12 =	sand.u32 @p1 $0x7, s10;
	s11 =	smul.u32 @p1 $0x4600, s11  }
0x6f: {  	_ =	swait.ge @p1 [sflag:s26], $0x70;
	s12 =	smul.u32 @p1 $0x1C0, s12  }
0x70: {  	[sflag:s26] =	ssyncset.done @p1 $0x0;
	s11 =	sshrl.u32 @p1 s11, $0x2  }
0x71: {  	[sflag:s26] =	ssyncadd.s32 @p1 $0xFFFFFF90;
	s12 =	sshrl.u32 @p1 s12, $0x2;
	s11 =	sadd.s32 @p1 $0x700, s11  }
0x72: {  	[tilespmem:s11], [sflag:$0x1] =	stream.indirect.gather @p1 [hbm4b:s1+s28], $0x28, s12, s28, $0xb8;
	[tilespmem:$0x9F80] =	vst v63  }
0x73: {  	s12 =	smul.u32 $0xAB, s9;
	_ =	sdelay $0x1  }
0x74: {  	s11 =	sshrl.u32 s12, $0x9  }
0x75: {  	s11 =	sand.u32 $0x7F, s11  }
0x76: {  	s11 =	smul.u32 $0x3, s11;
	_ =	sdelay $0x1  }
0x77: {  	s13 =	sand.u32 $0x7, s9;
	s11 =	ssub.s32 s9, s11  }
0x78: {  	_ =	swait.ge [sflag:s30], $0x70;
	s12 =	smul.u32 $0x1C0, s13;
	s11 =	sand.u32 $0xFF, s11  }
0x79: {  	[sflag:s30] =	ssyncset.done $0x0;
	s11 =	smul.u32 $0x4600, s11  }
0x7a: {  	p0 =	sgt.u32 s9, $0x56;
	[sflag:s30] =	ssyncadd.s32 $0xFFFFFF90  }
0x7b: {  	s12 =	sshrl.u32 s12, $0x2;
	s9 =	sadd.s32 @!p0 $0x3, s9;
	s11 =	sshrl.u32 s11, $0x2  }
0x7c: {  	s12 =	sadd.s32 $0x380, s12;
	s13 =	smul.u32 @!p0 $0x70, s9;
	s11 =	sadd.s32 $0x700, s11  }
0x7d: {  	[spmem:s3] =	stream.indirect.scatter.add.f32 [tilespmem:s11], [sflag:$0x2], $0x28, s12, s28, $0xb8;
	[tilespmem:$0x9F80] =	vst v63  }
0x7e: {  	s9 =	sand.u32 @!p0 $0x7, s9;
	s11 =	sadd.s32 @!p0 s6, s13  }
0x7f: {  	s9 =	smul.u32 @!p0 $0x70, s9;
	s11 =	sshrl.u32 @!p0 s11, $0x3  }
0x80: {  	s13 =	simm.s32 @!p0 $0x0;
	s12 =	sadd.s32 @!p0 s5, s11  }
0x81: {  	[tilespmem:s9], [sflag:$0x3] =	stream.linear.gather @!p0 [hbm4b:s12+s13], $0x70, $0x38;
	[tilespmem:$0x9F80] =	vst v63  }
0x82: {  	s11 =	sadd.s32 @!p0 s7, s11;
	s9 =	sadd.s32 @!p0 $0x380, s9  }
0x83: {  	[tilespmem:s9], [sflag:$0x4] =	stream.linear.gather @!p0 [hbm4b:s11+s13], $0x70, $0x38;
	[tilespmem:$0x9F80] =	vst v63  }
0x84: {  	p0 =	slt.u32 s10, $0x5A  }
.Ltmp1:
0x85: {  	_ = 	snop;
	(pc) =	sbr.rel @p0 .LBB2_4-.Ltmp1, $2  }
0x86: {  	_ =	sdelay $0x2  }
0x87: {  	s9 =	smov.u32 s10  }
0x88: {  	_ =	swait.ge [sflag:s2], $0x1180  }
0x89: {  	[sflag:s2] =	ssyncset.done $0x0  }
0x8a: {  	[sflag:s2] =	ssyncadd.s32 $0xFFFFEE80  }
0x8b: {  	s9 =	stileid.u32;
	_ =	swait.ge [sflag:s2], $0x1180  }
0x8c: {  	s10 =	sshrl.u32 s14, $0x3;
	s8 =	sadd.s32 $0x1, s8;
	[sflag:s2] =	ssyncset.done $0x0  }
0x8d: {  	s9 =	sshll.u32 s9, $0x6;
	p0 =	sne.s32 s8, s25;
	[sflag:s2] =	ssyncadd.s32 $0xFFFFEE80  }
.Ltmp2:
0x8e: {  	s9 =	sor.u32 $0x1C05, s9;
	[bflag:$0x0] =	sbarrier.arrive $0xFFFF;
	(pc) =	sbr.rel @p0 .LBB2_1-.Ltmp2, $4  }
0x8f: {  	[hbm:s24], [sflag:s9] =	dma.local [spmem:s10], $0xC80  }
0x90: {  	_ =	swait.ge [sflag:s31], $0xC80  }
0x91: {  	[sflag:s31] =	ssyncset.done $0x0  }
0x92: {  	[sflag:s31] =	ssyncadd.s32 $0xFFFFF380  }
0x93: {  	_ =	sfence.sel $0x180000  }
0x94: {  	[bflag:$0x0] =	sbarrier.arrive $0xFFFF  }
0x95: {  	_ =	strace $0x9000004D  }
0x96: {  	s0 =	stileid.u32;
	[bflag:$0x2] =	sbarrier.arrive $0xFFFF  }
0x97: {  	p0 =	sne.s32 s0, $0x0;
	s0 =	rddreg [dreg:$0x3]  }
0x98: {  	s0 =	sadd.s32 @!p0 $0x100000, s0  }
0x99: {  	[sflag:s0] =	ssyncadd.tile.s32 @!p0 $0x1;
	_ =	shalt  }
.Lfunc_end2:
_tile_overlayer_lowered:
.L_overlay_start_2:
0x9a: {  	(tag) =	ssettag $0x2  }
0x9b: {  	s0 =	rddreg [dreg:$0x0];
	s2 =	stileid.u32  }
0x9c: {  	s1 =	rddreg [dreg:$0x1];
	p0 =	sne.s32 s2, $0x0  }
0x9d: {  	s3 =	rddreg [dreg:$0x2];
	[bflag:$0x3] =	sbarrier.arrive $0xFFFF;
	s2 =	simm.s32 @!p0 $0x1C05  }
0x9e: {  	[timem:s3], [sflag:s2] =	dma.local @!p0 [hbm:s0], s1  }
0x9f: {  	s0 =	simm.s32 @!p0 $0x5  }
0xa0: {  	_ =	swait.ge @!p0 [sflag:s0], s1  }
0xa1: {  	s1 =	ssub.s32 @!p0 $0x0, s1;
	[sflag:s0] =	ssyncset.done @!p0 $0x0  }
0xa2: {  	[sflag:s0] =	ssyncadd.s32 @!p0 s1  }
0xa3: {  	[bflag:$0x3] =	sbarrier.arrive $0xFFFF  }
0xa4: {  	_ =	shalt  }

// kernel: kernel.8.cloned.1.call-start
scs
__scs_entry_jumppad:
0x0: {  	(pc) =	sbr.rel $0x88, $3  }
0x1: {  	(tag) =	ssettag $0x0;
	lr =	simm.s32 $0x1  }
0x2: {  	[smem:$0x3F9B] =	sst lr;
	_ =	strace $0xD0000000  }
0x3: {  	_ = 	snop  }
0x4: {  	_ = 	snop  }
0x5: {  	_ = 	snop  }
0x6: {  	_ = 	snop  }
0x7: {  	_ = 	snop  }
__scs_overlays_trampoline_lowered:
0x8: {  	[smem:$0x3FAA] =	sst s0  }
0x9: {  	[smem:$0x3FAB] =	sst s1  }
0xa: {  	[smem:$0x3FAC] =	sst s2  }
0xb: {  	[smem:$0x3FAD] =	sst s3  }
0xc: {  	[smem:$0x3FAE] =	sst s4  }
0xd: {  	[smem:$0x3FAF] =	sst s5  }
0xe: {  	[smem:$0x3FB0] =	sst s6  }
0xf: {  	[smem:$0x3FB1] =	sst s7  }
0x10: {  	[smem:$0x3FB2] =	sst s8  }
0x11: {  	[smem:$0x3FB3] =	sst s9;
	s0 =	simm.s32 @!p0 $0x0  }
0x12: {  	s1 =	sld [smem:$0x3F99];
	s0 =	simm.s32 @p0 $0x1  }
0x13: {  	[smem:$0x3FB4] =	sst s0;
	s0 =	simm.s32 @!p1 $0x0  }
0x14: {  	s2 =	sld [smem:$0x3F98];
	s0 =	simm.s32 @p1 $0x1  }
0x15: {  	[smem:$0x3FB5] =	sst s0;
	s0 =	simm.s32 @!p2 $0x0  }
0x16: {  	s3 =	sld [smem:$0x3FDB];
	s0 =	simm.s32 @p2 $0x1  }
0x17: {  	s4 =	simm.s32 $0x1BF5;
	[smem:$0x3FB7] =	sst s0  }
0x18: {  	s0 =	sld [smem:$0x3F9A];
	_ =	swait.ge [sflag:s4], $0x0  }
0x19: {  	s7 =	sld [smem:$0x3F9B]  }
0x1a: {  	s8 =	sadd.s32 $0xFFFFE003, lr  }
0x1b: {  	s9 =	sadd.s32 $0xFFFFFEF7, lr;
	s5 =	simm.s32 $0xFFFFFFFF;
	p2 =	slt.u32 s8, $0xFFFFF086  }
0x1c: {  	p1 =	slt.u32 s9, $0xF7A;
	s5 =	simm.s32 @!p2 $0x0  }
0x1d: {  	s5 =	simm.s32 @p1 $0x1;
	p0 =	seq.s32 s7, s2  }
0x1e: {  	s7 =	smul.u32 @!p0 $0xF7A, s2;
	p2 =	seq.s32 @!p0 s5, $0x0  }
0x1f: {  	s9 =	smul.u32 $0xF7A, s1;
	s8 =	simm.s32 @!p0 $0x1BF5;
	p2 =	por !p2, p0  }
0x20: {  	[sflag:s8] =	ssyncset.s32 @!p0 $0xFFFFF086;
	s6 =	sadd.s32 @!p0 s3, s7;
	s7 =	simm.s32 @!p0 $0x108  }
0x21: {  	s3 =	sadd.s32 s3, s9;
	s6 =	sadd.s32 @!p0 $0x88, s6;
	s7 =	simm.s32 @p2 $0x1082  }
0x22: {  	[simem:s7], [sflag:s8] =	dma.local @!p0 [hbm:s6], $0xF7A  }
0x23: {  	s9 =	sor.u32 $0xD0000000, s2;
	s6 =	simm.s32 $0x108;
	_ =	swait.ge @!p0 [sflag:s8], $0x0  }
0x24: {  	s3 =	sadd.s32 $0x88, s3;
	s6 =	simm.s32 @!p1 $0x1082;
	[sflag:s4] =	ssyncset.s32 $0xFFFFF086  }
0x25: {  	[simem:s6], [sflag:s4] =	dma.local [hbm:s3], $0xF7A  }
0x26: {  	[smem:$0x3F9B] =	sst s1;
	(tag) =	ssettag s2;
	_ =	strace s9  }
0x27: {  	s1 =	sld [smem:$0x3FAB]  }
0x28: {  	s2 =	sld [smem:$0x3FAC]  }
0x29: {  	s4 =	sld [smem:$0x3FAE]  }
0x2a: {  	p0 =	seq.s32 s5, $0x0;
	s5 =	sld [smem:$0x3FAF]  }
0x2b: {  	s6 =	sld [smem:$0x3FB0]  }
0x2c: {  	s7 =	sld [smem:$0x3FB1]  }
0x2d: {  	s3 =	simm.s32 $0x108;
	s8 =	sld [smem:$0x3FB2]  }
0x2e: {  	s3 =	simm.s32 @!p0 $0x1082;
	s9 =	sld [smem:$0x3FB3]  }
0x2f: {  	lr =	sadd.s32 s0, s3;
	s0 =	sld [smem:$0x3FAA]  }
0x30: {  	s3 =	sld [smem:$0x3FAD]  }
0x31: {  	[smem:$0x3FB6] =	sst s10  }
0x32: {  	s10 =	sld [smem:$0x3FB4];
	_ =	sdelay $0x3  }
0x33: {  	p0 =	seq.s32 s10, $0x1;
	s10 =	sld [smem:$0x3FB6];
	_ =	sdelay $0x3  }
0x34: {  	[smem:$0x3FB6] =	sst s10  }
0x35: {  	s10 =	sld [smem:$0x3FB5];
	_ =	sdelay $0x3  }
0x36: {  	p1 =	seq.s32 s10, $0x1;
	s10 =	sld [smem:$0x3FB6];
	_ =	sdelay $0x3  }
0x37: {  	[smem:$0x3FB6] =	sst s10  }
0x38: {  	s10 =	sld [smem:$0x3FB7]  }
0x39: {  	_ = 	snop;
	(pc) =	sbr.ind lr, $3  }
0x3a: {  	_ = 	snop  }
0x3b: {  	_ = 	snop  }
0x3c: {  	p2 =	seq.s32 s10, $0x1;
	s10 =	sld [smem:$0x3FB6]  }
0x3d: {  	_ =	shalt  }
0x3e: {  	_ =	shalt  }
0x3f: {  	_ =	shalt  }
0x40: {  	_ =	shalt  }
0x41: {  	_ =	shalt  }
0x42: {  	_ =	shalt  }
0x43: {  	_ =	shalt  }
0x44: {  	_ =	shalt  }
0x45: {  	_ =	shalt  }
0x46: {  	_ =	shalt  }
0x47: {  	_ =	shalt  }
0x48: {  	_ =	shalt  }
0x49: {  	_ =	shalt  }
0x4a: {  	_ =	shalt  }
0x4b: {  	_ =	shalt  }
0x4c: {  	_ =	shalt  }
0x4d: {  	_ =	shalt  }
0x4e: {  	_ =	shalt  }
0x4f: {  	_ =	shalt  }
0x50: {  	_ =	shalt  }
0x51: {  	_ =	shalt  }
0x52: {  	_ =	shalt  }
0x53: {  	_ =	shalt  }
0x54: {  	_ =	shalt  }
0x55: {  	_ =	shalt  }
0x56: {  	_ =	shalt  }
0x57: {  	_ =	shalt  }
0x58: {  	_ =	shalt  }
0x59: {  	_ =	shalt  }
0x5a: {  	_ =	shalt  }
0x5b: {  	_ =	shalt  }
0x5c: {  	_ =	shalt  }
0x5d: {  	_ =	shalt  }
0x5e: {  	_ =	shalt  }
0x5f: {  	_ =	shalt  }
0x60: {  	_ =	shalt  }
0x61: {  	_ =	shalt  }
0x62: {  	_ =	shalt  }
0x63: {  	_ =	shalt  }
0x64: {  	_ =	shalt  }
0x65: {  	_ =	shalt  }
0x66: {  	_ =	shalt  }
0x67: {  	_ =	shalt  }
0x68: {  	_ =	shalt  }
0x69: {  	_ =	shalt  }
0x6a: {  	_ =	shalt  }
0x6b: {  	_ =	shalt  }
0x6c: {  	_ =	shalt  }
0x6d: {  	_ =	shalt  }
0x6e: {  	_ =	shalt  }
0x6f: {  	_ =	shalt  }
0x70: {  	_ =	shalt  }
0x71: {  	_ =	shalt  }
0x72: {  	_ =	shalt  }
0x73: {  	_ =	shalt  }
0x74: {  	_ =	shalt  }
0x75: {  	_ =	shalt  }
0x76: {  	_ =	shalt  }
0x77: {  	_ =	shalt  }
0x78: {  	_ =	shalt  }
0x79: {  	_ =	shalt  }
0x7a: {  	_ =	shalt  }
0x7b: {  	_ =	shalt  }
0x7c: {  	_ =	shalt  }
0x7d: {  	_ =	shalt  }
0x7e: {  	_ =	shalt  }
0x7f: {  	_ =	shalt  }
0x80: {  	_ =	shalt  }
0x81: {  	_ =	shalt  }
0x82: {  	_ =	shalt  }
0x83: {  	_ =	shalt  }
0x84: {  	_ =	shalt  }
0x85: {  	_ =	shalt  }
0x86: {  	_ =	shalt  }
0x87: {  	_ =	shalt  }
.Lfunc_end0:
.L_simem_size_0:
called_computation_lowered:
.L_overlay_start_0:
0x88: {  	s2 =	sld [smem:$0x3FD9]  }
0x89: {  	s3 =	sld [smem:$0x3FFE];
	_ =	sdelay $0x1  }
0x8a: {  	s1 =	srdreg.scid  }
0x8b: {  	s0 =	sand.u32 $0x1, s1  }
0x8c: {  	s17 =	sshll.u32 s0, $0xA;
	s2 =	sadd.s32 s3, s2  }
0x8d: {  	s2 =	sadd.s32 s2, s17  }
0x8e: {  	[smem:$0x3FC2] =	sst s2  }
0x8f: {  	_ = 	snop  }
0x90: {  	s2 =	sld [smem:$0x3FD0];
	(tm) =	ssettm $0x1  }
0x91: {  	s18 =	sld [smem:$0x3FFB];
	_ =	sdelay $0x3  }
0x92: {  	_ =	strace s18  }
0x93: {  	s3 =	sld [smem:$0x3FFC];
	_ =	sdelay $0x3  }
0x94: {  	_ =	strace s3  }
0x95: {  	s3 =	sld [smem:$0x3FFD];
	_ =	sdelay $0x3  }
0x96: {  	_ =	strace s3  }
0x97: {  	_ =	strace $0x8FFFFFFF  }
0x98: {  	s19 =	sld [smem:$0x3FDB];
	_ =	sdelay $0x1  }
0x99: {  	s4 =	simm.s32 $_scs_section_size  }
0x9a: {  	s5 =	simm.s32 $_size__tile_overlayer_lowered;
	s6 =	simm.s32 $_tile_overlayer_lowered  }
0x9b: {  	s22 =	simm.s32 $0x1BFF;
	s21 =	sshll.u32 s6, $0x1;
	s3 =	sadd.s32 s4, s19  }
0x9c: {  	s7 =	simm.s32 $0x0;
	s20 =	sshll.u32 s5, $0x1;
	s5 =	sadd.s32 s21, s3  }
0x9d: {  	[timem:s7], [sflag:s22] =	dma.local [hbm:s5], s20  }
0x9e: {  	_ =	swait.ge [sflag:s22], s20  }
0x9f: {  	s4 =	ssub.s32 $0x0, s20;
	[sflag:s22] =	ssyncset.done $0x0  }
0xa0: {  	[sflag:s22] =	ssyncadd.s32 s4;
	_ =	sdelay $0x1  }
0xa1: {  	s23 =	simm.s32 $0x1B8B  }
0xa2: {  	_ =	swait.ge [sflag:s23], $0x1  }
0xa3: {  	[sflag:s23] =	ssyncset.done $0x0  }
0xa4: {  	s25 =	simm.s32 $0x1B8E;
	s24 =	sld [smem:$0x3FFE];
	[sflag:s23] =	ssyncadd.s32 $0xFFFFFFFF  }
0xa5: {  	s26 =	simm.s32 $execute0_lowered;
	[smem:$0x3FD2] =	sst s25  }
0xa6: {  	s5 =	sshll.u32 s26, $0x1;
	_ =	strace $0x80000046;
	[dreg:$0x1] =	wrdreg $0xFFFFFFFF  }
0xa7: {  	s28 =	simm.s32 $_size_execute0_lowered;
	s3 =	sadd.s32 s3, s5;
	[dreg:$0x0] =	wrdreg $0x0  }
0xa8: {  	s5 =	sshll.u32 s28, $0x1;
	[dreg:$0x2] =	wrdreg s3  }
0xa9: {  	[dreg:$0x3] =	wrdreg s5  }
0xaa: {  	[dreg:$0x4] =	wrdreg $0xC0  }
0xab: {  	_ =	task [dreg:s7], $0x5FFFF  }
0xac: {  	[dreg:$0x1] =	wrdreg $0xFFFFFFFF  }
0xad: {  	[dreg:$0x0] =	wrdreg $0x60  }
0xae: {  	[dreg:$0x2] =	wrdreg s24  }
0xaf: {  	[dreg:$0x3] =	wrdreg s2  }
0xb0: {  	[dreg:$0x4] =	wrdreg $0x2E600  }
0xb1: {  	[dreg:$0x5] =	wrdreg $0x9  }
0xb2: {  	_ =	task.clear_ibuf [dreg:s7], $0x6FFFF;
	_ =	strace $0x90000046  }
0xb3: {  	s29 =	simm.s32 $0x9;
	_ =	strace $0x80000048  }
0xb4: {  	_ =	swait.ge [sflag:s29], $0x1  }
0xb5: {  	[sflag:s29] =	ssyncadd.s32 $0xFFFFFFFF  }
0xb6: {  	_ =	strace $0x90000048  }
0xb7: {  	_ =	sfence  }
0xb8: {  	s30 =	sld [smem:$0x0];
	_ =	sdelay $0x2  }
0xb9: {  	s31 =	sshll.u32 s1, $0xD;
	s1 =	sshrl.u32 s1, $0x2  }
0xba: {  	s3 =	sand.u32 $0x4000, s31;
	s1 =	sadd.s32 s1, s30  }
0xbb: {  	s0 =	sor.u32 s3, s0;
	s1 =	sshll.u32 s1, $0x11  }
0xbc: {  	s0 =	sor.u32 s1, s0  }
0xbd: {  	s0 =	sadd.s32 $0x8F2B, s0  }
0xbe: {  	[sflag:s0] =	ssyncadd.remote.s32 $0x1  }
0xbf: {  	_ =	sfence.sel $0xFFFF  }
0xc0: {  	[dreg:$0x0] =	wrdreg $0xFFFFFFFF;
	(pc) =	sbr.abs _section_cstart, $3  }
0xc1: {  	[dreg:$0x1] =	wrdreg $0xFFFFFFFF  }
0xc2: {  	_ =	task.clear_ibuf [dreg:s7], $0x2FFFF;
	_ =	strace $0x9FFFFFFF  }
0xc3: {  	(tm) =	ssettm $0x7FFFFFFF  }
tec
execute0_lowered:
.L_overlay_start_1:
0x0: {  	(tag) =	ssettag $0x1  }
0x1: {  	s4 =	rddreg [dreg:$0x0]  }
0x2: {  	s16 =	rddreg [dreg:$0x1];
	s1 =	srdreg.scid  }
0x3: {  	s0 =	stileid.u32;
	s2 =	rddreg [dreg:$0x2]  }
0x4: {  	s3 =	simm.s32 $0x0;
	s19 =	simm.s32 $0x2;
	s20 =	simm.s32 $0x70  }
0x5: {  	s21 =	simm.s32 $0x2AE0;
	s22 =	simm.s32 $0x1;
	s25 =	simm.s32 $0x0  }
0x6: {  	s8 =	sand.u32 $0x1, s1;
	s1 =	rddreg [dreg:$0x3];
	s6 =	smul.u32 $0x5000, s0  }
0x7: {  	s5 =	sshll.u32 s0, $0x1;
	[smem:$0x7FF] =	sst s3;
	s13 =	smul.u32 $0x1400, s0  }
0x8: {  	s23 =	sshll.u32 s0, $0x6;
	s5 =	sor.u32 s8, s5;
	_ =	strace $0x80000047  }
0x9: {  	s31 =	ssub.s32 $0x2, s8;
	s18 =	smul.u32 $0x14000, s8;
	s23 =	sor.u32 $0x1C02, s23  }
0xa: {  	s5 =	smul.u32 $0x4EC, s5;
	s7 =	sshrl.u32 s31, $0x1;
	s6 =	sshrl.u32 s6, $0x2  }
0xb: {  	s17 =	ssub.s32 s31, s7;
	s14 =	sadd.s32 s6, s2;
	s18 =	sadd.s32 s13, s18  }
0xc: {  	s15 =	sadd.s32 s5, s4;
	s4 =	sadd.s32 $0x2400, s4;
	s5 =	sadd.s32 s13, s2  }
0xd: {  	s6 =	sadd.s32 $0x200, s14;
	s7 =	sadd.s32 $0x400, s14;
	s8 =	sadd.s32 $0x600, s14  }
0xe: {  	s9 =	sadd.s32 $0x800, s14;
	s10 =	sadd.s32 $0xA00, s14;
	s11 =	sadd.s32 $0xC00, s14  }
0xf: {  	s12 =	sadd.s32 $0xE00, s14;
	s13 =	sadd.s32 $0x1000, s14;
	s14 =	sadd.s32 $0x1200, s14  }
0x10: {  	s18 =	sshrl.u32 s18, $0x3;
	s17 =	smax.u32 s17, $0x1;
	s15 =	sadd.s32 $0x2600, s15  }
0x11: {  	s16 =	sadd.s32 s16, s18;
	s18 =	simm.s32 $0x2760;
	s24 =	sshrl.u32 s5, $0x3  }
.LBB2_1:
0x12: {  	[tilespmem:s18], [sflag:$0x2] =	stream.linear.gather [hbm4b:s4+s3], $0x700, $0x38;
	[tilespmem:$0x4260] =	vst v63  }
0x13: {  	_ =	swait.ge [sflag:s19], $0x700  }
0x14: {  	[sflag:s19] =	ssyncset.done $0x0  }
0x15: {  	[sflag:s19] =	ssyncadd.s32 $0xFFFFF900  }
0x16: {  	[spmem:s5] =	stream.linear.scatter [tilespmem:s18], [sflag:$0x2], $0x200, $0x38;
	[tilespmem:$0x4260] =	vst v63  }
0x17: {  	_ =	swait.ge [sflag:s19], $0x200  }
0x18: {  	[sflag:s19] =	ssyncset.done $0x0  }
0x19: {  	[sflag:s19] =	ssyncadd.s32 $0xFFFFFE00  }
0x1a: {  	[spmem:s6] =	stream.linear.scatter [tilespmem:s18], [sflag:$0x2], $0x200, $0x38;
	[tilespmem:$0x4260] =	vst v63  }
0x1b: {  	_ =	swait.ge [sflag:s19], $0x200  }
0x1c: {  	[sflag:s19] =	ssyncset.done $0x0  }
0x1d: {  	[sflag:s19] =	ssyncadd.s32 $0xFFFFFE00  }
0x1e: {  	[spmem:s7] =	stream.linear.scatter [tilespmem:s18], [sflag:$0x2], $0x200, $0x38;
	[tilespmem:$0x4260] =	vst v63  }
0x1f: {  	_ =	swait.ge [sflag:s19], $0x200  }
0x20: {  	[sflag:s19] =	ssyncset.done $0x0  }
0x21: {  	[sflag:s19] =	ssyncadd.s32 $0xFFFFFE00  }
0x22: {  	[spmem:s8] =	stream.linear.scatter [tilespmem:s18], [sflag:$0x2], $0x200, $0x38;
	[tilespmem:$0x4260] =	vst v63  }
0x23: {  	_ =	swait.ge [sflag:s19], $0x200  }
0x24: {  	[sflag:s19] =	ssyncset.done $0x0  }
0x25: {  	[sflag:s19] =	ssyncadd.s32 $0xFFFFFE00  }
0x26: {  	[spmem:s9] =	stream.linear.scatter [tilespmem:s18], [sflag:$0x2], $0x200, $0x38;
	[tilespmem:$0x4260] =	vst v63  }
0x27: {  	_ =	swait.ge [sflag:s19], $0x200  }
0x28: {  	[sflag:s19] =	ssyncset.done $0x0  }
0x29: {  	[sflag:s19] =	ssyncadd.s32 $0xFFFFFE00  }
0x2a: {  	[spmem:s10] =	stream.linear.scatter [tilespmem:s18], [sflag:$0x2], $0x200, $0x38;
	[tilespmem:$0x4260] =	vst v63  }
0x2b: {  	_ =	swait.ge [sflag:s19], $0x200  }
0x2c: {  	[sflag:s19] =	ssyncset.done $0x0  }
0x2d: {  	[sflag:s19] =	ssyncadd.s32 $0xFFFFFE00  }
0x2e: {  	[spmem:s11] =	stream.linear.scatter [tilespmem:s18], [sflag:$0x2], $0x200, $0x38;
	[tilespmem:$0x4260] =	vst v63  }
0x2f: {  	_ =	swait.ge [sflag:s19], $0x200  }
0x30: {  	[sflag:s19] =	ssyncset.done $0x0  }
0x31: {  	[sflag:s19] =	ssyncadd.s32 $0xFFFFFE00  }
0x32: {  	[spmem:s12] =	stream.linear.scatter [tilespmem:s18], [sflag:$0x2], $0x200, $0x38;
	[tilespmem:$0x4260] =	vst v63  }
0x33: {  	_ =	swait.ge [sflag:s19], $0x200  }
0x34: {  	[sflag:s19] =	ssyncset.done $0x0  }
0x35: {  	[sflag:s19] =	ssyncadd.s32 $0xFFFFFE00  }
0x36: {  	[spmem:s13] =	stream.linear.scatter [tilespmem:s18], [sflag:$0x2], $0x200, $0x38;
	[tilespmem:$0x4260] =	vst v63  }
0x37: {  	_ =	swait.ge [sflag:s19], $0x200  }
0x38: {  	[sflag:s19] =	ssyncset.done $0x0  }
0x39: {  	[sflag:s19] =	ssyncadd.s32 $0xFFFFFE00  }
0x3a: {  	[spmem:s14] =	stream.linear.scatter [tilespmem:s18], [sflag:$0x2], $0x200, $0x38;
	[tilespmem:$0x4260] =	vst v63  }
0x3b: {  	_ =	swait.ge [sflag:s19], $0x200  }
0x3c: {  	[sflag:s19] =	ssyncset.done $0x0  }
0x3d: {  	[sflag:s19] =	ssyncadd.s32 $0xFFFFFE00  }
0x3e: {  	[tilespmem:s3], [sflag:$0x2] =	stream.linear.gather [hbm4b:s15+s3], $0x2760, $0x38;
	[tilespmem:$0x4260] =	vst v63  }
0x3f: {  	_ =	swait.ge [sflag:s19], $0x2760  }
0x40: {  	[sflag:s19] =	ssyncset.done $0x0  }
0x41: {  	p0 =	por $0x1, $0x1;
	[sflag:s19] =	ssyncadd.s32 $0xFFFFD8A0  }
0x42: {  	s28 =	simm.s32 @!p0 $0x1;
	[bflag:$0x0] =	sbarrier.arrive $0xFFFF  }
0x43: {  	_ =	swait.ge @!p0 [sflag:s28], $0x380  }
0x44: {  	s26 =	simm.s32 $0x1;
	[sflag:s28] =	ssyncset.done @!p0 $0x0  }
0x45: {  	s29 =	simm.s32 $0x0;
	[sflag:s28] =	ssyncadd.s32 @!p0 $0xFFFFFC80;
	s28 =	simm.s32 $0x70  }
.LBB2_2:
0x46: {  	[spmem:s2] =	stream.indirect.scatter.add.f32 [tilespmem:s21], [sflag:$0x1], $0x8, s29, s20, $0xb8;
	[tilespmem:$0x4260] =	vst v63  }
0x47: {  	p0 =	slt.u32 s26, $0x8;
	s26 =	sadd.s32 $0x1, s26  }
0x48: {  	p1 =	sne.s32 s26, $0x5A  }
.Ltmp0:
0x49: {  	(pc) =	sbr.rel @p1 .LBB2_2-.Ltmp0, $4  }
0x4a: {  	s29 =	smov.u32 s28;
	s30 =	simm.s32 @!p0 $0x1  }
0x4b: {  	_ =	swait.ge @!p0 [sflag:s30], $0x380  }
0x4c: {  	[sflag:s30] =	ssyncset.done @!p0 $0x0  }
0x4d: {  	s28 =	sadd.s32 $0x70, s28;
	[sflag:s30] =	ssyncadd.s32 @!p0 $0xFFFFFC80  }
0x4e: {  	[spmem:s2] =	stream.indirect.scatter.add.f32 [tilespmem:s21], [sflag:$0x1], $0x8, s29, s20, $0xb8;
	[tilespmem:$0x4260] =	vst v63  }
0x4f: {  	_ =	swait.ge [sflag:s22], $0x380  }
0x50: {  	[sflag:s22] =	ssyncset.done $0x0  }
0x51: {  	[sflag:s22] =	ssyncadd.s32 $0xFFFFFC80  }
0x52: {  	_ =	swait.ge [sflag:s22], $0x380  }
0x53: {  	[sflag:s22] =	ssyncset.done $0x0  }
0x54: {  	[sflag:s22] =	ssyncadd.s32 $0xFFFFFC80  }
0x55: {  	_ =	swait.ge [sflag:s22], $0x380  }
0x56: {  	[sflag:s22] =	ssyncset.done $0x0  }
0x57: {  	[sflag:s22] =	ssyncadd.s32 $0xFFFFFC80  }
0x58: {  	_ =	swait.ge [sflag:s22], $0x380  }
0x59: {  	[sflag:s22] =	ssyncset.done $0x0  }
0x5a: {  	[sflag:s22] =	ssyncadd.s32 $0xFFFFFC80  }
0x5b: {  	_ =	swait.ge [sflag:s22], $0x380  }
0x5c: {  	[sflag:s22] =	ssyncset.done $0x0  }
0x5d: {  	[sflag:s22] =	ssyncadd.s32 $0xFFFFFC80  }
0x5e: {  	_ =	swait.ge [sflag:s22], $0x380  }
0x5f: {  	[sflag:s22] =	ssyncset.done $0x0  }
0x60: {  	[sflag:s22] =	ssyncadd.s32 $0xFFFFFC80  }
0x61: {  	_ =	swait.ge [sflag:s22], $0x380  }
0x62: {  	[sflag:s22] =	ssyncset.done $0x0  }
0x63: {  	[sflag:s22] =	ssyncadd.s32 $0xFFFFFC80  }
0x64: {  	_ =	swait.ge [sflag:s22], $0x380  }
0x65: {  	s25 =	sadd.s32 $0x1, s25;
	[sflag:s22] =	ssyncset.done $0x0  }
0x66: {  	p0 =	sne.s32 s25, s17;
	[sflag:s22] =	ssyncadd.s32 $0xFFFFFC80  }
.Ltmp1:
0x67: {  	[bflag:$0x0] =	sbarrier.arrive $0xFFFF;
	(pc) =	sbr.rel @p0 .LBB2_1-.Ltmp1, $4  }
0x68: {  	[hbm:s16], [sflag:s23] =	dma.local [spmem:s24], $0x280  }
0x69: {  	_ =	swait.ge [sflag:s19], $0x280  }
0x6a: {  	[sflag:s19] =	ssyncset.done $0x0  }
0x6b: {  	[sflag:s19] =	ssyncadd.s32 $0xFFFFFD80  }
0x6c: {  	_ =	sfence.sel $0x180000  }
0x6d: {  	[bflag:$0x0] =	sbarrier.arrive $0xFFFF  }
0x6e: {  	p0 =	sne.s32 s0, $0x0;
	_ =	strace $0x90000047  }
0x6f: {  	s0 =	sadd.s32 @!p0 $0x100000, s1;
	[bflag:$0x2] =	sbarrier.arrive $0xFFFF  }
0x70: {  	[sflag:s0] =	ssyncadd.tile.s32 @!p0 $0x1;
	_ =	shalt  }
.Lfunc_end2:
_tile_overlayer_lowered:
.L_overlay_start_2:
0x71: {  	(tag) =	ssettag $0x2  }
0x72: {  	s0 =	rddreg [dreg:$0x0];
	s2 =	stileid.u32  }
0x73: {  	s1 =	rddreg [dreg:$0x1];
	p0 =	sne.s32 s2, $0x0  }
0x74: {  	s3 =	rddreg [dreg:$0x2];
	[bflag:$0x3] =	sbarrier.arrive $0xFFFF;
	s2 =	simm.s32 @!p0 $0x1C02  }
0x75: {  	[timem:s3], [sflag:s2] =	dma.local @!p0 [hbm:s0], s1  }
0x76: {  	s0 =	simm.s32 @!p0 $0x2  }
0x77: {  	_ =	swait.ge @!p0 [sflag:s0], s1  }
0x78: {  	s1 =	ssub.s32 @!p0 $0x0, s1;
	[sflag:s0] =	ssyncset.done @!p0 $0x0  }
0x79: {  	[sflag:s0] =	ssyncadd.s32 @!p0 s1  }
0x7a: {  	[bflag:$0x3] =	sbarrier.arrive $0xFFFF  }
0x7b: {  	_ =	shalt  }

</sc_bundles>
